<compile_context>
chip_gen: v7x
topology: tpu7x:2x2x1
jax: 0.10.2.dev20260603
libtpu: 0.0.44.dev20260713+nightly
codegen_flags: <defaults>
</compile_context>

<pallas_src>
import functools

import jax
import jax.numpy as jnp
from jax import lax
from jax.experimental import pallas as pl
from jax.experimental.pallas import tpu as pltpu
from jax.experimental.pallas import tpu_sc as plsc

VOCAB = 1000000
EMBED_DIM = 32
SEQ_LEN = 50
BATCH = 4096
OUT_DIM = 32
N_TOKENS = BATCH * SEQ_LEN

NC = 2
NS = 16
NW = NC * NS
LANES = 16

GROUPS = 262144
CHUNK = 128
ROWS_PER_W = N_TOKENS // NW
CHUNKS_PER_W = ROWS_PER_W // CHUNK


def _sc_gather(g3d, off3d, table128):
    mesh = plsc.VectorSubcoreMesh(
        core_axis_name="c", subcore_axis_name="s", num_cores=NC, num_subcores=NS
    )

    @functools.partial(
        pl.kernel,
        out_type=jax.ShapeDtypeStruct((N_TOKENS, EMBED_DIM), jnp.float32),
        mesh=mesh,
        scratch_types=[
            pltpu.VMEM((CHUNKS_PER_W, CHUNK), jnp.int32),
            pltpu.VMEM((CHUNKS_PER_W, CHUNK), jnp.int32),
            pltpu.VMEM((2, CHUNK, 128), jnp.float32),
            pltpu.VMEM((CHUNK, EMBED_DIM), jnp.float32),
            pltpu.SemaphoreType.DMA,
        ],
        compiler_params=pltpu.CompilerParams(needs_layout_passes=False),
    )
    def gather_kernel(g_hbm, off_hbm, table_hbm, out_hbm, g_v, off_v,
                      rows_v, compact_v, sem):
        wid = lax.axis_index("s") * NC + lax.axis_index("c")
        row_base = wid * ROWS_PER_W
        pltpu.sync_copy(g_hbm.at[wid], g_v)
        pltpu.sync_copy(off_hbm.at[wid], off_v)

        def start(j, buf):
            pltpu.async_copy(table_hbm.at[g_v.at[j]], rows_v.at[buf], sem)

        def wait(j, buf):
            pltpu.make_async_copy(
                table_hbm.at[g_v.at[j]], rows_v.at[buf], sem).wait()

        def process(j, buf):
            def grp_body(grp, c):
                t0 = grp * LANES
                ov = off_v[j, pl.ds(t0, LANES)]
                for k in range(LANES):
                    o = ov[k]
                    t = t0 + k
                    compact_v[t, pl.ds(0, LANES)] = (
                        rows_v[buf, t, pl.ds(o, LANES)])
                    compact_v[t, pl.ds(LANES, LANES)] = (
                        rows_v[buf, t, pl.ds(o + LANES, LANES)])
                return c

            lax.fori_loop(0, CHUNK // LANES, grp_body, 0)
            pltpu.sync_copy(compact_v,
                            out_hbm.at[pl.ds(row_base + j * CHUNK, CHUNK)])

        start(0, 0)

        def chunk_body(i, carry):
            j0 = 2 * i
            start(j0 + 1, 1)
            wait(j0, 0)
            process(j0, 0)

            @pl.when(j0 + 2 < CHUNKS_PER_W)
            def _():
                start(j0 + 2, 0)

            wait(j0 + 1, 1)
            process(j0 + 1, 1)
            return carry

        lax.fori_loop(0, CHUNKS_PER_W // 2, chunk_body, 0)

    return gather_kernel(g3d, off3d, table128)


def _tc_repack(tableT):
    BQ = 8192
    GRID = GROUPS // BQ
    MAXB = VOCAB // BQ

    def rp_kernel(t0, t1, t2, t3, o_ref):
        eye = jnp.eye(EMBED_DIM, dtype=jnp.float32)
        o_ref[...] = jnp.concatenate(
            [t[...].astype(jnp.bfloat16).T.astype(jnp.float32)
             for t in (t0, t1, t2, t3)], axis=1)

    def spec(r):
        return pl.BlockSpec(
            (EMBED_DIM, BQ),
            lambda i, r=r: (0, jnp.minimum(i + r * GRID, MAXB)),
        )

    return pl.pallas_call(
        rp_kernel,
        grid=(GRID,),
        in_specs=[spec(0), spec(1), spec(2), spec(3)],
        out_specs=pl.BlockSpec((BQ, 128), lambda i: (i, 0)),
        out_shape=jax.ShapeDtypeStruct((GROUPS, 128), jnp.float32),
    )(tableT, tableT, tableT, tableT)


def _tc_matmul(g3, W3, b2d):
    BB = 512

    def mm_kernel(g_ref, w_ref, b_ref, o_ref):
        acc = jnp.broadcast_to(b_ref[...], (BB, OUT_DIM)).astype(jnp.float32)
        for s in range(SEQ_LEN):
            acc = acc + lax.dot_general(
                g_ref[s],
                w_ref[s],
                (((1,), (1,)), ((), ())),
                preferred_element_type=jnp.float32,
            )
        o_ref[...] = acc

    return pl.pallas_call(
        mm_kernel,
        grid=(BATCH // BB,),
        in_specs=[
            pl.BlockSpec((SEQ_LEN, BB, EMBED_DIM), lambda i: (0, i, 0)),
            pl.BlockSpec((SEQ_LEN, OUT_DIM, EMBED_DIM), lambda i: (0, 0, 0)),
            pl.BlockSpec((1, OUT_DIM), lambda i: (0, 0)),
        ],
        out_specs=pl.BlockSpec((BB, OUT_DIM), lambda i: (i, 0)),
        out_shape=jax.ShapeDtypeStruct((BATCH, OUT_DIM), jnp.float32),
    )(g3, W3, b2d)


def kernel(x, table, W, b):
    xi = x.astype(jnp.int32).T
    g3d = (xi & (GROUPS - 1)).reshape(NW, CHUNKS_PER_W, CHUNK)
    off3d = ((xi >> 18) * EMBED_DIM).reshape(NW, CHUNKS_PER_W, CHUNK)
    table128 = _tc_repack(table.T)
    gathered = _sc_gather(g3d, off3d, table128)
    g3 = gathered.reshape(SEQ_LEN, BATCH, EMBED_DIM)
    W3 = W.reshape(OUT_DIM, SEQ_LEN, EMBED_DIM).transpose(1, 0, 2)
    return _tc_matmul(g3, W3, b.reshape(1, OUT_DIM))

# --- scband reference (transcript-rebuilt; emitter-appended) ---
"""Pipeline reference for scband-embedding-net-16690242912657 (READ-ONLY COPY).

The authoritative reference and input builder live on the scoring server;
editing this copy changes nothing except your own understanding.
"""

import jax, jax.numpy as jnp
import numpy as np

VOCAB = 1000000
EMBED_DIM = 32
SEQ_LEN = 50
BATCH = 4096
OUT_DIM = EMBED_DIM  # l1: Linear(seq_length*embedding_dim -> embedding_dim)


def setup_inputs(seed: int = 0) -> dict:
    key = jax.random.key(seed)
    k_x, k_tab, k_w, k_b = jax.random.split(key, 4)
    x = jax.random.randint(k_x, (BATCH, SEQ_LEN), 0, VOCAB, dtype=jnp.int64 if jax.config.jax_enable_x64 else jnp.int32)
    table = jax.random.normal(k_tab, (VOCAB, EMBED_DIM), dtype=jnp.float32) * 0.02
    in_feat = SEQ_LEN * EMBED_DIM
    bound = 1.0 / np.sqrt(in_feat)
    W = jax.random.uniform(k_w, (OUT_DIM, in_feat), dtype=jnp.float32, minval=-bound, maxval=bound)
    b = jax.random.uniform(k_b, (OUT_DIM,), dtype=jnp.float32, minval=-bound, maxval=bound)
    return {"x": x, "table": table, "W": W, "b": b}


def reference(x, table, W, b):
    # embedded = self.embedding(x)
    embedded = jnp.take(table, x, axis=0)  # [B, S, D]
    # flatten = embedded.view(B, -1)
    flatten = embedded.reshape(embedded.shape[0], -1)  # [B, S*D]
    # return self.l1(flatten)
    out = flatten @ W.T + b  # [B, OUT_DIM]
    return out

if __name__ == "__main__":
    import jax
    _d = setup_inputs()
    print(jax.jit(kernel)(*tuple(_d.values())))

</pallas_src>

<mosaic_0001>
#map = affine_map<(d0, d1) -> (0, 0, 0)>
#map1 = affine_map<(d0, d1) -> (0, 0)>
module attributes {stable_mosaic.version = 14 : i64} {
  func.func @gather_kernel(%arg0: i32, %arg1: i32, %arg2: memref<32x50x128xi32, #tpu.memory_space<hbm>>, %arg3: memref<32x50x128xi32, #tpu.memory_space<hbm>>, %arg4: memref<262144x128xf32, #tpu.memory_space<hbm>>, %arg5: memref<204800x32xf32, #tpu.memory_space<hbm>>, %arg6: memref<50x128xi32, #tpu.memory_space<vmem>>, %arg7: memref<50x128xi32, #tpu.memory_space<vmem>>, %arg8: memref<2x128x128xf32, #tpu.memory_space<vmem>>, %arg9: memref<128x32xf32, #tpu.memory_space<vmem>>, %arg10: memref<!tpu.dma_semaphore, #tpu.memory_space<semaphore_mem>>) attributes {dimension_semantics = [#tpu.dimension_semantics<core_parallel>, #tpu.dimension_semantics<subcore_parallel>], iteration_bounds = array<i64: 2, 16>, scalar_prefetch = 0 : i64, scratch_operands = 5 : i64, tpu.core_type = #tpu.core_type<sc_vector_subcore>, window_params = [{transform_indices = #map}, {transform_indices = #map}, {transform_indices = #map1}, {transform_indices = #map1}]} {
    %mul3A = arith.constant 2 : i32
    %mul3A_0 = arith.muli %arg1, %mul3A : i32
    %add3A = arith.addi %mul3A_0, %arg0 : i32
    %mul3A_1 = arith.constant 6400 : i32
    %mul3A_2 = arith.muli %add3A, %mul3A_1 : i32
    "tpu.region"() ({
      %run_scoped3A = tpu.sem_alloc : memref<!tpu.dma_semaphore, #tpu.memory_space<semaphore_mem>>
      %dma_start3A_19 = arith.constant 0 : i32
      %dma_start3A_20 = arith.constant 0 : i32
      %dma_start3A_21 = tpu.memref_slice %arg2[%add3A, %dma_start3A_19, %dma_start3A_20] : memref<32x50x128xi32, #tpu.memory_space<hbm>> -> memref<1x50x128xi32, #tpu.memory_space<hbm>>
      %dma_start3A_22 = tpu.memref_squeeze %dma_start3A_21 : memref<1x50x128xi32, #tpu.memory_space<hbm>> -> memref<50x128xi32, #tpu.memory_space<hbm>>
      %dma_start3A_23 = arith.constant 0 : i32
      %dma_start3A_24 = arith.constant 0 : i32
      %dma_start3A_25 = tpu.memref_slice %arg2[%add3A, %dma_start3A_23, %dma_start3A_24] : memref<32x50x128xi32, #tpu.memory_space<hbm>> -> memref<1x50x128xi32, #tpu.memory_space<hbm>>
      %dma_start3A_26 = tpu.memref_squeeze %dma_start3A_25 : memref<1x50x128xi32, #tpu.memory_space<hbm>> -> memref<50x128xi32, #tpu.memory_space<hbm>>
      tpu.enqueue_dma source(%dma_start3A_26 : memref<50x128xi32, #tpu.memory_space<hbm>>) target(%arg6 : memref<50x128xi32, #tpu.memory_space<vmem>>) target_semaphore(%run_scoped3A : memref<!tpu.dma_semaphore, #tpu.memory_space<semaphore_mem>>)
      %dma_wait3A = arith.constant 0 : i32
      %dma_wait3A_27 = arith.constant 0 : i32
      %dma_wait3A_28 = tpu.memref_slice %arg2[%add3A, %dma_wait3A, %dma_wait3A_27] : memref<32x50x128xi32, #tpu.memory_space<hbm>> -> memref<1x50x128xi32, #tpu.memory_space<hbm>>
      %dma_wait3A_29 = tpu.memref_squeeze %dma_wait3A_28 : memref<1x50x128xi32, #tpu.memory_space<hbm>> -> memref<50x128xi32, #tpu.memory_space<hbm>>
      %dma_wait3A_30 = arith.constant 0 : i32
      %dma_wait3A_31 = arith.constant 0 : i32
      %dma_wait3A_32 = tpu.memref_slice %arg2[%add3A, %dma_wait3A_30, %dma_wait3A_31] : memref<32x50x128xi32, #tpu.memory_space<hbm>> -> memref<1x50x128xi32, #tpu.memory_space<hbm>>
      %dma_wait3A_33 = tpu.memref_squeeze %dma_wait3A_32 : memref<1x50x128xi32, #tpu.memory_space<hbm>> -> memref<50x128xi32, #tpu.memory_space<hbm>>
      tpu.wait_dma2 semaphore(%run_scoped3A : memref<!tpu.dma_semaphore, #tpu.memory_space<semaphore_mem>>) src(%dma_wait3A_33 : memref<50x128xi32, #tpu.memory_space<hbm>>) dst(%arg6 : memref<50x128xi32, #tpu.memory_space<vmem>>)
      tpu.yield
    }) : () -> ()
    "tpu.region"() ({
      %run_scoped3A = tpu.sem_alloc : memref<!tpu.dma_semaphore, #tpu.memory_space<semaphore_mem>>
      %dma_start3A_19 = arith.constant 0 : i32
      %dma_start3A_20 = arith.constant 0 : i32
      %dma_start3A_21 = tpu.memref_slice %arg3[%add3A, %dma_start3A_19, %dma_start3A_20] : memref<32x50x128xi32, #tpu.memory_space<hbm>> -> memref<1x50x128xi32, #tpu.memory_space<hbm>>
      %dma_start3A_22 = tpu.memref_squeeze %dma_start3A_21 : memref<1x50x128xi32, #tpu.memory_space<hbm>> -> memref<50x128xi32, #tpu.memory_space<hbm>>
      %dma_start3A_23 = arith.constant 0 : i32
      %dma_start3A_24 = arith.constant 0 : i32
      %dma_start3A_25 = tpu.memref_slice %arg3[%add3A, %dma_start3A_23, %dma_start3A_24] : memref<32x50x128xi32, #tpu.memory_space<hbm>> -> memref<1x50x128xi32, #tpu.memory_space<hbm>>
      %dma_start3A_26 = tpu.memref_squeeze %dma_start3A_25 : memref<1x50x128xi32, #tpu.memory_space<hbm>> -> memref<50x128xi32, #tpu.memory_space<hbm>>
      tpu.enqueue_dma source(%dma_start3A_26 : memref<50x128xi32, #tpu.memory_space<hbm>>) target(%arg7 : memref<50x128xi32, #tpu.memory_space<vmem>>) target_semaphore(%run_scoped3A : memref<!tpu.dma_semaphore, #tpu.memory_space<semaphore_mem>>)
      %dma_wait3A = arith.constant 0 : i32
      %dma_wait3A_27 = arith.constant 0 : i32
      %dma_wait3A_28 = tpu.memref_slice %arg3[%add3A, %dma_wait3A, %dma_wait3A_27] : memref<32x50x128xi32, #tpu.memory_space<hbm>> -> memref<1x50x128xi32, #tpu.memory_space<hbm>>
      %dma_wait3A_29 = tpu.memref_squeeze %dma_wait3A_28 : memref<1x50x128xi32, #tpu.memory_space<hbm>> -> memref<50x128xi32, #tpu.memory_space<hbm>>
      %dma_wait3A_30 = arith.constant 0 : i32
      %dma_wait3A_31 = arith.constant 0 : i32
      %dma_wait3A_32 = tpu.memref_slice %arg3[%add3A, %dma_wait3A_30, %dma_wait3A_31] : memref<32x50x128xi32, #tpu.memory_space<hbm>> -> memref<1x50x128xi32, #tpu.memory_space<hbm>>
      %dma_wait3A_33 = tpu.memref_squeeze %dma_wait3A_32 : memref<1x50x128xi32, #tpu.memory_space<hbm>> -> memref<50x128xi32, #tpu.memory_space<hbm>>
      tpu.wait_dma2 semaphore(%run_scoped3A : memref<!tpu.dma_semaphore, #tpu.memory_space<semaphore_mem>>) src(%dma_wait3A_33 : memref<50x128xi32, #tpu.memory_space<hbm>>) dst(%arg7 : memref<50x128xi32, #tpu.memory_space<vmem>>)
      tpu.yield
    }) : () -> ()
    %dma_start3A = arith.constant 0 : i32
    %dma_start3A_3 = arith.constant 0 : i32
    %dma_start3A_4 = arith.constant 0 : i32
    %dma_start3A_5 = arith.constant 0 : i32
    %dma_start3A_6 = tpu.memref_slice %arg8[%dma_start3A_3, %dma_start3A_4, %dma_start3A_5] : memref<2x128x128xf32, #tpu.memory_space<vmem>> -> memref<1x128x128xf32, #tpu.memory_space<vmem>>
    %dma_start3A_7 = tpu.memref_squeeze %dma_start3A_6 : memref<1x128x128xf32, #tpu.memory_space<vmem>> -> memref<128x128xf32, #tpu.memory_space<vmem>>
    %dma_start3A_8 = arith.constant 0 : i32
    %dma_start3A_9 = tpu.memref_slice %arg6[%dma_start3A, %dma_start3A_8] : memref<50x128xi32, #tpu.memory_space<vmem>> -> memref<1x128xi32, #tpu.memory_space<vmem>>
    %dma_start3A_10 = tpu.memref_squeeze %dma_start3A_9 : memref<1x128xi32, #tpu.memory_space<vmem>> -> memref<128xi32, #tpu.memory_space<vmem>>
    %dma_start3A_11 = arith.constant 0 : i32
    %dma_start3A_12 = arith.constant 0 : i32
    %dma_start3A_13 = tpu.memref_slice %arg4[%dma_start3A_11, %dma_start3A_12] : memref<262144x128xf32, #tpu.memory_space<hbm>> -> memref<262144x128xf32, #tpu.memory_space<hbm>>
    tpu.enqueue_indirect_dma source(%dma_start3A_13 : memref<262144x128xf32, #tpu.memory_space<hbm>>) target(%dma_start3A_7 : memref<128x128xf32, #tpu.memory_space<vmem>>) offsets(%dma_start3A_10 : memref<128xi32, #tpu.memory_space<vmem>>) semaphore(%arg10 : memref<!tpu.dma_semaphore, #tpu.memory_space<semaphore_mem>>)
    %scan3A = arith.constant 0 : i32
    %scan3A_14 = arith.constant 0 : i32
    %scan3A_15 = arith.constant 25 : i32
    %scan3A_16 = arith.addi %scan3A_14, %scan3A_15 : i32
    %scan3A_17 = arith.constant 1 : i32
    scf.for %scan3A_19 = %scan3A_14 to %scan3A_16 step %scan3A_17  : i32 {
      %mul3A_20 = arith.constant 2 : i32
      %mul3A_21 = arith.muli %mul3A_20, %scan3A_19 : i32
      %add3A_22 = arith.constant 1 : i32
      %add3A_23 = arith.addi %mul3A_21, %add3A_22 : i32
      %dma_start3A_24 = arith.constant 1 : i32
      %dma_start3A_25 = arith.constant 0 : i32
      %dma_start3A_26 = arith.constant 0 : i32
      %dma_start3A_27 = tpu.memref_slice %arg8[%dma_start3A_24, %dma_start3A_25, %dma_start3A_26] : memref<2x128x128xf32, #tpu.memory_space<vmem>> -> memref<1x128x128xf32, #tpu.memory_space<vmem>>
      %dma_start3A_28 = tpu.memref_squeeze %dma_start3A_27 : memref<1x128x128xf32, #tpu.memory_space<vmem>> -> memref<128x128xf32, #tpu.memory_space<vmem>>
      %dma_start3A_29 = arith.constant 0 : i32
      %dma_start3A_30 = tpu.memref_slice %arg6[%add3A_23, %dma_start3A_29] : memref<50x128xi32, #tpu.memory_space<vmem>> -> memref<1x128xi32, #tpu.memory_space<vmem>>
      %dma_start3A_31 = tpu.memref_squeeze %dma_start3A_30 : memref<1x128xi32, #tpu.memory_space<vmem>> -> memref<128xi32, #tpu.memory_space<vmem>>
      %dma_start3A_32 = arith.constant 0 : i32
      %dma_start3A_33 = arith.constant 0 : i32
      %dma_start3A_34 = tpu.memref_slice %arg4[%dma_start3A_32, %dma_start3A_33] : memref<262144x128xf32, #tpu.memory_space<hbm>> -> memref<262144x128xf32, #tpu.memory_space<hbm>>
      tpu.enqueue_indirect_dma source(%dma_start3A_34 : memref<262144x128xf32, #tpu.memory_space<hbm>>) target(%dma_start3A_28 : memref<128x128xf32, #tpu.memory_space<vmem>>) offsets(%dma_start3A_31 : memref<128xi32, #tpu.memory_space<vmem>>) semaphore(%arg10 : memref<!tpu.dma_semaphore, #tpu.memory_space<semaphore_mem>>)
      %dma_wait3A = arith.constant 0 : i32
      %dma_wait3A_35 = arith.constant 0 : i32
      %dma_wait3A_36 = arith.constant 0 : i32
      %dma_wait3A_37 = tpu.memref_slice %arg8[%dma_wait3A, %dma_wait3A_35, %dma_wait3A_36] : memref<2x128x128xf32, #tpu.memory_space<vmem>> -> memref<1x128x128xf32, #tpu.memory_space<vmem>>
      %dma_wait3A_38 = tpu.memref_squeeze %dma_wait3A_37 : memref<1x128x128xf32, #tpu.memory_space<vmem>> -> memref<128x128xf32, #tpu.memory_space<vmem>>
      %dma_wait3A_39 = arith.constant 0 : i32
      %dma_wait3A_40 = tpu.memref_slice %arg6[%mul3A_21, %dma_wait3A_39] : memref<50x128xi32, #tpu.memory_space<vmem>> -> memref<1x128xi32, #tpu.memory_space<vmem>>
      %dma_wait3A_41 = tpu.memref_squeeze %dma_wait3A_40 : memref<1x128xi32, #tpu.memory_space<vmem>> -> memref<128xi32, #tpu.memory_space<vmem>>
      %dma_wait3A_42 = arith.constant 0 : i32
      %dma_wait3A_43 = arith.constant 0 : i32
      %dma_wait3A_44 = tpu.memref_slice %arg4[%dma_wait3A_42, %dma_wait3A_43] : memref<262144x128xf32, #tpu.memory_space<hbm>> -> memref<262144x128xf32, #tpu.memory_space<hbm>>
      tpu.wait_indirect_dma semaphore(%arg10 : memref<!tpu.dma_semaphore, #tpu.memory_space<semaphore_mem>>) src(%dma_wait3A_44 : memref<262144x128xf32, #tpu.memory_space<hbm>>) dst(%dma_wait3A_38 : memref<128x128xf32, #tpu.memory_space<vmem>>)
      %scan3A_45 = arith.constant 0 : i32
      %scan3A_46 = arith.constant 0 : i32
      %scan3A_47 = arith.constant 8 : i32
      %scan3A_48 = arith.addi %scan3A_46, %scan3A_47 : i32
      %scan3A_49 = arith.constant 1 : i32
      scf.for %scan3A_82 = %scan3A_46 to %scan3A_48 step %scan3A_49  : i32 {
        %mul3A_83 = arith.constant 16 : i32
        %mul3A_84 = arith.muli %scan3A_82, %mul3A_83 : i32
        %get3A = arith.index_cast %mul3A_21 : i32 to index
        %get3A_85 = arith.index_cast %mul3A_84 : i32 to index
        %get3A_86 = tpu.vector_load %arg7[%get3A, %get3A_85] {strides = array<i32>} : memref<50x128xi32, #tpu.memory_space<vmem>>, vector<16xi32>,
        %slice3A = vector.extract_strided_slice %get3A_86 {offsets = [0], sizes = [1], strides = [1]} : vector<16xi32> to vector<1xi32>
        %squeeze3A = vector.extract %slice3A[0] : i32 from vector<1xi32>
        %add3A_87 = arith.constant 0 : i32
        %add3A_88 = arith.addi %mul3A_84, %add3A_87 : i32
        %get3A_89 = arith.constant 0 : i32
        %get3A_90 = arith.index_cast %get3A_89 : i32 to index
        %get3A_91 = arith.index_cast %add3A_88 : i32 to index
        %get3A_92 = arith.index_cast %squeeze3A : i32 to index
        %get3A_93 = tpu.vector_load %arg8[%get3A_90, %get3A_91, %get3A_92] {strides = array<i32>} : memref<2x128x128xf32, #tpu.memory_space<vmem>>, vector<16xf32>,
        %swap3A = arith.index_cast %add3A_88 : i32 to index
        %swap3A_94 = arith.constant 0 : index
        %swap3A_95 = tpu.vector_load %arg9[%swap3A, %swap3A_94] {strides = array<i32>} : memref<128x32xf32, #tpu.memory_space<vmem>>, vector<16xf32>,
        tpu.vector_store %arg9[%swap3A, %swap3A_94], %get3A_93 {strides = array<i32>} : memref<128x32xf32, #tpu.memory_space<vmem>>, vector<16xf32>,
        %add3A_96 = arith.constant 16 : i32
        %add3A_97 = arith.addi %squeeze3A, %add3A_96 : i32
        %get3A_98 = arith.constant 0 : i32
        %get3A_99 = arith.index_cast %get3A_98 : i32 to index
        %get3A_100 = arith.index_cast %add3A_88 : i32 to index
        %get3A_101 = arith.index_cast %add3A_97 : i32 to index
        %get3A_102 = tpu.vector_load %arg8[%get3A_99, %get3A_100, %get3A_101] {strides = array<i32>} : memref<2x128x128xf32, #tpu.memory_space<vmem>>, vector<16xf32>,
        %swap3A_103 = arith.index_cast %add3A_88 : i32 to index
        %swap3A_104 = arith.constant 16 : index
        %swap3A_105 = tpu.vector_load %arg9[%swap3A_103, %swap3A_104] {strides = array<i32>} : memref<128x32xf32, #tpu.memory_space<vmem>>, vector<16xf32>,
        tpu.vector_store %arg9[%swap3A_103, %swap3A_104], %get3A_102 {strides = array<i32>} : memref<128x32xf32, #tpu.memory_space<vmem>>, vector<16xf32>,
        %slice3A_106 = vector.extract_strided_slice %get3A_86 {offsets = [1], sizes = [1], strides = [1]} : vector<16xi32> to vector<1xi32>
        %squeeze3A_107 = vector.extract %slice3A_106[0] : i32 from vector<1xi32>
        %add3A_108 = arith.constant 1 : i32
        %add3A_109 = arith.addi %mul3A_84, %add3A_108 : i32
        %get3A_110 = arith.constant 0 : i32
        %get3A_111 = arith.index_cast %get3A_110 : i32 to index
        %get3A_112 = arith.index_cast %add3A_109 : i32 to index
        %get3A_113 = arith.index_cast %squeeze3A_107 : i32 to index
        %get3A_114 = tpu.vector_load %arg8[%get3A_111, %get3A_112, %get3A_113] {strides = array<i32>} : memref<2x128x128xf32, #tpu.memory_space<vmem>>, vector<16xf32>,
        %swap3A_115 = arith.index_cast %add3A_109 : i32 to index
        %swap3A_116 = arith.constant 0 : index
        %swap3A_117 = tpu.vector_load %arg9[%swap3A_115, %swap3A_116] {strides = array<i32>} : memref<128x32xf32, #tpu.memory_space<vmem>>, vector<16xf32>,
        tpu.vector_store %arg9[%swap3A_115, %swap3A_116], %get3A_114 {strides = array<i32>} : memref<128x32xf32, #tpu.memory_space<vmem>>, vector<16xf32>,
        %add3A_118 = arith.constant 16 : i32
        %add3A_119 = arith.addi %squeeze3A_107, %add3A_118 : i32
        %get3A_120 = arith.constant 0 : i32
        %get3A_121 = arith.index_cast %get3A_120 : i32 to index
        %get3A_122 = arith.index_cast %add3A_109 : i32 to index
        %get3A_123 = arith.index_cast %add3A_119 : i32 to index
        %get3A_124 = tpu.vector_load %arg8[%get3A_121, %get3A_122, %get3A_123] {strides = array<i32>} : memref<2x128x128xf32, #tpu.memory_space<vmem>>, vector<16xf32>,
        %swap3A_125 = arith.index_cast %add3A_109 : i32 to index
        %swap3A_126 = arith.constant 16 : index
        %swap3A_127 = tpu.vector_load %arg9[%swap3A_125, %swap3A_126] {strides = array<i32>} : memref<128x32xf32, #tpu.memory_space<vmem>>, vector<16xf32>,
        tpu.vector_store %arg9[%swap3A_125, %swap3A_126], %get3A_124 {strides = array<i32>} : memref<128x32xf32, #tpu.memory_space<vmem>>, vector<16xf32>,
        %slice3A_128 = vector.extract_strided_slice %get3A_86 {offsets = [2], sizes = [1], strides = [1]} : vector<16xi32> to vector<1xi32>
        %squeeze3A_129 = vector.extract %slice3A_128[0] : i32 from vector<1xi32>
        %add3A_130 = arith.constant 2 : i32
        %add3A_131 = arith.addi %mul3A_84, %add3A_130 : i32
        %get3A_132 = arith.constant 0 : i32
        %get3A_133 = arith.index_cast %get3A_132 : i32 to index
        %get3A_134 = arith.index_cast %add3A_131 : i32 to index
        %get3A_135 = arith.index_cast %squeeze3A_129 : i32 to index
        %get3A_136 = tpu.vector_load %arg8[%get3A_133, %get3A_134, %get3A_135] {strides = array<i32>} : memref<2x128x128xf32, #tpu.memory_space<vmem>>, vector<16xf32>,
        %swap3A_137 = arith.index_cast %add3A_131 : i32 to index
        %swap3A_138 = arith.constant 0 : index
        %swap3A_139 = tpu.vector_load %arg9[%swap3A_137, %swap3A_138] {strides = array<i32>} : memref<128x32xf32, #tpu.memory_space<vmem>>, vector<16xf32>,
        tpu.vector_store %arg9[%swap3A_137, %swap3A_138], %get3A_136 {strides = array<i32>} : memref<128x32xf32, #tpu.memory_space<vmem>>, vector<16xf32>,
        %add3A_140 = arith.constant 16 : i32
        %add3A_141 = arith.addi %squeeze3A_129, %add3A_140 : i32
        %get3A_142 = arith.constant 0 : i32
        %get3A_143 = arith.index_cast %get3A_142 : i32 to index
        %get3A_144 = arith.index_cast %add3A_131 : i32 to index
        %get3A_145 = arith.index_cast %add3A_141 : i32 to index
        %get3A_146 = tpu.vector_load %arg8[%get3A_143, %get3A_144, %get3A_145] {strides = array<i32>} : memref<2x128x128xf32, #tpu.memory_space<vmem>>, vector<16xf32>,
        %swap3A_147 = arith.index_cast %add3A_131 : i32 to index
        %swap3A_148 = arith.constant 16 : index
        %swap3A_149 = tpu.vector_load %arg9[%swap3A_147, %swap3A_148] {strides = array<i32>} : memref<128x32xf32, #tpu.memory_space<vmem>>, vector<16xf32>,
        tpu.vector_store %arg9[%swap3A_147, %swap3A_148], %get3A_146 {strides = array<i32>} : memref<128x32xf32, #tpu.memory_space<vmem>>, vector<16xf32>,
        %slice3A_150 = vector.extract_strided_slice %get3A_86 {offsets = [3], sizes = [1], strides = [1]} : vector<16xi32> to vector<1xi32>
        %squeeze3A_151 = vector.extract %slice3A_150[0] : i32 from vector<1xi32>
        %add3A_152 = arith.constant 3 : i32
        %add3A_153 = arith.addi %mul3A_84, %add3A_152 : i32
        %get3A_154 = arith.constant 0 : i32
        %get3A_155 = arith.index_cast %get3A_154 : i32 to index
        %get3A_156 = arith.index_cast %add3A_153 : i32 to index
        %get3A_157 = arith.index_cast %squeeze3A_151 : i32 to index
        %get3A_158 = tpu.vector_load %arg8[%get3A_155, %get3A_156, %get3A_157] {strides = array<i32>} : memref<2x128x128xf32, #tpu.memory_space<vmem>>, vector<16xf32>,
        %swap3A_159 = arith.index_cast %add3A_153 : i32 to index
        %swap3A_160 = arith.constant 0 : index
        %swap3A_161 = tpu.vector_load %arg9[%swap3A_159, %swap3A_160] {strides = array<i32>} : memref<128x32xf32, #tpu.memory_space<vmem>>, vector<16xf32>,
        tpu.vector_store %arg9[%swap3A_159, %swap3A_160], %get3A_158 {strides = array<i32>} : memref<128x32xf32, #tpu.memory_space<vmem>>, vector<16xf32>,
        %add3A_162 = arith.constant 16 : i32
        %add3A_163 = arith.addi %squeeze3A_151, %add3A_162 : i32
        %get3A_164 = arith.constant 0 : i32
        %get3A_165 = arith.index_cast %get3A_164 : i32 to index
        %get3A_166 = arith.index_cast %add3A_153 : i32 to index
        %get3A_167 = arith.index_cast %add3A_163 : i32 to index
        %get3A_168 = tpu.vector_load %arg8[%get3A_165, %get3A_166, %get3A_167] {strides = array<i32>} : memref<2x128x128xf32, #tpu.memory_space<vmem>>, vector<16xf32>,
        %swap3A_169 = arith.index_cast %add3A_153 : i32 to index
        %swap3A_170 = arith.constant 16 : index
        %swap3A_171 = tpu.vector_load %arg9[%swap3A_169, %swap3A_170] {strides = array<i32>} : memref<128x32xf32, #tpu.memory_space<vmem>>, vector<16xf32>,
        tpu.vector_store %arg9[%swap3A_169, %swap3A_170], %get3A_168 {strides = array<i32>} : memref<128x32xf32, #tpu.memory_space<vmem>>, vector<16xf32>,
        %slice3A_172 = vector.extract_strided_slice %get3A_86 {offsets = [4], sizes = [1], strides = [1]} : vector<16xi32> to vector<1xi32>
        %squeeze3A_173 = vector.extract %slice3A_172[0] : i32 from vector<1xi32>
        %add3A_174 = arith.constant 4 : i32
        %add3A_175 = arith.addi %mul3A_84, %add3A_174 : i32
        %get3A_176 = arith.constant 0 : i32
        %get3A_177 = arith.index_cast %get3A_176 : i32 to index
        %get3A_178 = arith.index_cast %add3A_175 : i32 to index
        %get3A_179 = arith.index_cast %squeeze3A_173 : i32 to index
        %get3A_180 = tpu.vector_load %arg8[%get3A_177, %get3A_178, %get3A_179] {strides = array<i32>} : memref<2x128x128xf32, #tpu.memory_space<vmem>>, vector<16xf32>,
        %swap3A_181 = arith.index_cast %add3A_175 : i32 to index
        %swap3A_182 = arith.constant 0 : index
        %swap3A_183 = tpu.vector_load %arg9[%swap3A_181, %swap3A_182] {strides = array<i32>} : memref<128x32xf32, #tpu.memory_space<vmem>>, vector<16xf32>,
        tpu.vector_store %arg9[%swap3A_181, %swap3A_182], %get3A_180 {strides = array<i32>} : memref<128x32xf32, #tpu.memory_space<vmem>>, vector<16xf32>,
        %add3A_184 = arith.constant 16 : i32
        %add3A_185 = arith.addi %squeeze3A_173, %add3A_184 : i32
        %get3A_186 = arith.constant 0 : i32
        %get3A_187 = arith.index_cast %get3A_186 : i32 to index
        %get3A_188 = arith.index_cast %add3A_175 : i32 to index
        %get3A_189 = arith.index_cast %add3A_185 : i32 to index
        %get3A_190 = tpu.vector_load %arg8[%get3A_187, %get3A_188, %get3A_189] {strides = array<i32>} : memref<2x128x128xf32, #tpu.memory_space<vmem>>, vector<16xf32>,
        %swap3A_191 = arith.index_cast %add3A_175 : i32 to index
        %swap3A_192 = arith.constant 16 : index
        %swap3A_193 = tpu.vector_load %arg9[%swap3A_191, %swap3A_192] {strides = array<i32>} : memref<128x32xf32, #tpu.memory_space<vmem>>, vector<16xf32>,
        tpu.vector_store %arg9[%swap3A_191, %swap3A_192], %get3A_190 {strides = array<i32>} : memref<128x32xf32, #tpu.memory_space<vmem>>, vector<16xf32>,
        %slice3A_194 = vector.extract_strided_slice %get3A_86 {offsets = [5], sizes = [1], strides = [1]} : vector<16xi32> to vector<1xi32>
        %squeeze3A_195 = vector.extract %slice3A_194[0] : i32 from vector<1xi32>
        %add3A_196 = arith.constant 5 : i32
        %add3A_197 = arith.addi %mul3A_84, %add3A_196 : i32
        %get3A_198 = arith.constant 0 : i32
        %get3A_199 = arith.index_cast %get3A_198 : i32 to index
        %get3A_200 = arith.index_cast %add3A_197 : i32 to index
        %get3A_201 = arith.index_cast %squeeze3A_195 : i32 to index
        %get3A_202 = tpu.vector_load %arg8[%get3A_199, %get3A_200, %get3A_201] {strides = array<i32>} : memref<2x128x128xf32, #tpu.memory_space<vmem>>, vector<16xf32>,
        %swap3A_203 = arith.index_cast %add3A_197 : i32 to index
        %swap3A_204 = arith.constant 0 : index
        %swap3A_205 = tpu.vector_load %arg9[%swap3A_203, %swap3A_204] {strides = array<i32>} : memref<128x32xf32, #tpu.memory_space<vmem>>, vector<16xf32>,
        tpu.vector_store %arg9[%swap3A_203, %swap3A_204], %get3A_202 {strides = array<i32>} : memref<128x32xf32, #tpu.memory_space<vmem>>, vector<16xf32>,
        %add3A_206 = arith.constant 16 : i32
        %add3A_207 = arith.addi %squeeze3A_195, %add3A_206 : i32
        %get3A_208 = arith.constant 0 : i32
        %get3A_209 = arith.index_cast %get3A_208 : i32 to index
        %get3A_210 = arith.index_cast %add3A_197 : i32 to index
        %get3A_211 = arith.index_cast %add3A_207 : i32 to index
        %get3A_212 = tpu.vector_load %arg8[%get3A_209, %get3A_210, %get3A_211] {strides = array<i32>} : memref<2x128x128xf32, #tpu.memory_space<vmem>>, vector<16xf32>,
        %swap3A_213 = arith.index_cast %add3A_197 : i32 to index
        %swap3A_214 = arith.constant 16 : index
        %swap3A_215 = tpu.vector_load %arg9[%swap3A_213, %swap3A_214] {strides = array<i32>} : memref<128x32xf32, #tpu.memory_space<vmem>>, vector<16xf32>,
        tpu.vector_store %arg9[%swap3A_213, %swap3A_214], %get3A_212 {strides = array<i32>} : memref<128x32xf32, #tpu.memory_space<vmem>>, vector<16xf32>,
        %slice3A_216 = vector.extract_strided_slice %get3A_86 {offsets = [6], sizes = [1], strides = [1]} : vector<16xi32> to vector<1xi32>
        %squeeze3A_217 = vector.extract %slice3A_216[0] : i32 from vector<1xi32>
        %add3A_218 = arith.constant 6 : i32
        %add3A_219 = arith.addi %mul3A_84, %add3A_218 : i32
        %get3A_220 = arith.constant 0 : i32
        %get3A_221 = arith.index_cast %get3A_220 : i32 to index
        %get3A_222 = arith.index_cast %add3A_219 : i32 to index
        %get3A_223 = arith.index_cast %squeeze3A_217 : i32 to index
        %get3A_224 = tpu.vector_load %arg8[%get3A_221, %get3A_222, %get3A_223] {strides = array<i32>} : memref<2x128x128xf32, #tpu.memory_space<vmem>>, vector<16xf32>,
        %swap3A_225 = arith.index_cast %add3A_219 : i32 to index
        %swap3A_226 = arith.constant 0 : index
        %swap3A_227 = tpu.vector_load %arg9[%swap3A_225, %swap3A_226] {strides = array<i32>} : memref<128x32xf32, #tpu.memory_space<vmem>>, vector<16xf32>,
        tpu.vector_store %arg9[%swap3A_225, %swap3A_226], %get3A_224 {strides = array<i32>} : memref<128x32xf32, #tpu.memory_space<vmem>>, vector<16xf32>,
        %add3A_228 = arith.constant 16 : i32
        %add3A_229 = arith.addi %squeeze3A_217, %add3A_228 : i32
        %get3A_230 = arith.constant 0 : i32
        %get3A_231 = arith.index_cast %get3A_230 : i32 to index
        %get3A_232 = arith.index_cast %add3A_219 : i32 to index
        %get3A_233 = arith.index_cast %add3A_229 : i32 to index
        %get3A_234 = tpu.vector_load %arg8[%get3A_231, %get3A_232, %get3A_233] {strides = array<i32>} : memref<2x128x128xf32, #tpu.memory_space<vmem>>, vector<16xf32>,
        %swap3A_235 = arith.index_cast %add3A_219 : i32 to index
        %swap3A_236 = arith.constant 16 : index
        %swap3A_237 = tpu.vector_load %arg9[%swap3A_235, %swap3A_236] {strides = array<i32>} : memref<128x32xf32, #tpu.memory_space<vmem>>, vector<16xf32>,
        tpu.vector_store %arg9[%swap3A_235, %swap3A_236], %get3A_234 {strides = array<i32>} : memref<128x32xf32, #tpu.memory_space<vmem>>, vector<16xf32>,
        %slice3A_238 = vector.extract_strided_slice %get3A_86 {offsets = [7], sizes = [1], strides = [1]} : vector<16xi32> to vector<1xi32>
        %squeeze3A_239 = vector.extract %slice3A_238[0] : i32 from vector<1xi32>
        %add3A_240 = arith.constant 7 : i32
        %add3A_241 = arith.addi %mul3A_84, %add3A_240 : i32
        %get3A_242 = arith.constant 0 : i32
        %get3A_243 = arith.index_cast %get3A_242 : i32 to index
        %get3A_244 = arith.index_cast %add3A_241 : i32 to index
        %get3A_245 = arith.index_cast %squeeze3A_239 : i32 to index
        %get3A_246 = tpu.vector_load %arg8[%get3A_243, %get3A_244, %get3A_245] {strides = array<i32>} : memref<2x128x128xf32, #tpu.memory_space<vmem>>, vector<16xf32>,
        %swap3A_247 = arith.index_cast %add3A_241 : i32 to index
        %swap3A_248 = arith.constant 0 : index
        %swap3A_249 = tpu.vector_load %arg9[%swap3A_247, %swap3A_248] {strides = array<i32>} : memref<128x32xf32, #tpu.memory_space<vmem>>, vector<16xf32>,
        tpu.vector_store %arg9[%swap3A_247, %swap3A_248], %get3A_246 {strides = array<i32>} : memref<128x32xf32, #tpu.memory_space<vmem>>, vector<16xf32>,
        %add3A_250 = arith.constant 16 : i32
        %add3A_251 = arith.addi %squeeze3A_239, %add3A_250 : i32
        %get3A_252 = arith.constant 0 : i32
        %get3A_253 = arith.index_cast %get3A_252 : i32 to index
        %get3A_254 = arith.index_cast %add3A_241 : i32 to index
        %get3A_255 = arith.index_cast %add3A_251 : i32 to index
        %get3A_256 = tpu.vector_load %arg8[%get3A_253, %get3A_254, %get3A_255] {strides = array<i32>} : memref<2x128x128xf32, #tpu.memory_space<vmem>>, vector<16xf32>,
        %swap3A_257 = arith.index_cast %add3A_241 : i32 to index
        %swap3A_258 = arith.constant 16 : index
        %swap3A_259 = tpu.vector_load %arg9[%swap3A_257, %swap3A_258] {strides = array<i32>} : memref<128x32xf32, #tpu.memory_space<vmem>>, vector<16xf32>,
        tpu.vector_store %arg9[%swap3A_257, %swap3A_258], %get3A_256 {strides = array<i32>} : memref<128x32xf32, #tpu.memory_space<vmem>>, vector<16xf32>,
        %slice3A_260 = vector.extract_strided_slice %get3A_86 {offsets = [8], sizes = [1], strides = [1]} : vector<16xi32> to vector<1xi32>
        %squeeze3A_261 = vector.extract %slice3A_260[0] : i32 from vector<1xi32>
        %add3A_262 = arith.constant 8 : i32
        %add3A_263 = arith.addi %mul3A_84, %add3A_262 : i32
        %get3A_264 = arith.constant 0 : i32
        %get3A_265 = arith.index_cast %get3A_264 : i32 to index
        %get3A_266 = arith.index_cast %add3A_263 : i32 to index
        %get3A_267 = arith.index_cast %squeeze3A_261 : i32 to index
        %get3A_268 = tpu.vector_load %arg8[%get3A_265, %get3A_266, %get3A_267] {strides = array<i32>} : memref<2x128x128xf32, #tpu.memory_space<vmem>>, vector<16xf32>,
        %swap3A_269 = arith.index_cast %add3A_263 : i32 to index
        %swap3A_270 = arith.constant 0 : index
        %swap3A_271 = tpu.vector_load %arg9[%swap3A_269, %swap3A_270] {strides = array<i32>} : memref<128x32xf32, #tpu.memory_space<vmem>>, vector<16xf32>,
        tpu.vector_store %arg9[%swap3A_269, %swap3A_270], %get3A_268 {strides = array<i32>} : memref<128x32xf32, #tpu.memory_space<vmem>>, vector<16xf32>,
        %add3A_272 = arith.constant 16 : i32
        %add3A_273 = arith.addi %squeeze3A_261, %add3A_272 : i32
        %get3A_274 = arith.constant 0 : i32
        %get3A_275 = arith.index_cast %get3A_274 : i32 to index
        %get3A_276 = arith.index_cast %add3A_263 : i32 to index
        %get3A_277 = arith.index_cast %add3A_273 : i32 to index
        %get3A_278 = tpu.vector_load %arg8[%get3A_275, %get3A_276, %get3A_277] {strides = array<i32>} : memref<2x128x128xf32, #tpu.memory_space<vmem>>, vector<16xf32>,
        %swap3A_279 = arith.index_cast %add3A_263 : i32 to index
        %swap3A_280 = arith.constant 16 : index
        %swap3A_281 = tpu.vector_load %arg9[%swap3A_279, %swap3A_280] {strides = array<i32>} : memref<128x32xf32, #tpu.memory_space<vmem>>, vector<16xf32>,
        tpu.vector_store %arg9[%swap3A_279, %swap3A_280], %get3A_278 {strides = array<i32>} : memref<128x32xf32, #tpu.memory_space<vmem>>, vector<16xf32>,
        %slice3A_282 = vector.extract_strided_slice %get3A_86 {offsets = [9], sizes = [1], strides = [1]} : vector<16xi32> to vector<1xi32>
        %squeeze3A_283 = vector.extract %slice3A_282[0] : i32 from vector<1xi32>
        %add3A_284 = arith.constant 9 : i32
        %add3A_285 = arith.addi %mul3A_84, %add3A_284 : i32
        %get3A_286 = arith.constant 0 : i32
        %get3A_287 = arith.index_cast %get3A_286 : i32 to index
        %get3A_288 = arith.index_cast %add3A_285 : i32 to index
        %get3A_289 = arith.index_cast %squeeze3A_283 : i32 to index
        %get3A_290 = tpu.vector_load %arg8[%get3A_287, %get3A_288, %get3A_289] {strides = array<i32>} : memref<2x128x128xf32, #tpu.memory_space<vmem>>, vector<16xf32>,
        %swap3A_291 = arith.index_cast %add3A_285 : i32 to index
        %swap3A_292 = arith.constant 0 : index
        %swap3A_293 = tpu.vector_load %arg9[%swap3A_291, %swap3A_292] {strides = array<i32>} : memref<128x32xf32, #tpu.memory_space<vmem>>, vector<16xf32>,
        tpu.vector_store %arg9[%swap3A_291, %swap3A_292], %get3A_290 {strides = array<i32>} : memref<128x32xf32, #tpu.memory_space<vmem>>, vector<16xf32>,
        %add3A_294 = arith.constant 16 : i32
        %add3A_295 = arith.addi %squeeze3A_283, %add3A_294 : i32
        %get3A_296 = arith.constant 0 : i32
        %get3A_297 = arith.index_cast %get3A_296 : i32 to index
        %get3A_298 = arith.index_cast %add3A_285 : i32 to index
        %get3A_299 = arith.index_cast %add3A_295 : i32 to index
        %get3A_300 = tpu.vector_load %arg8[%get3A_297, %get3A_298, %get3A_299] {strides = array<i32>} : memref<2x128x128xf32, #tpu.memory_space<vmem>>, vector<16xf32>,
        %swap3A_301 = arith.index_cast %add3A_285 : i32 to index
        %swap3A_302 = arith.constant 16 : index
        %swap3A_303 = tpu.vector_load %arg9[%swap3A_301, %swap3A_302] {strides = array<i32>} : memref<128x32xf32, #tpu.memory_space<vmem>>, vector<16xf32>,
        tpu.vector_store %arg9[%swap3A_301, %swap3A_302], %get3A_300 {strides = array<i32>} : memref<128x32xf32, #tpu.memory_space<vmem>>, vector<16xf32>,
        %slice3A_304 = vector.extract_strided_slice %get3A_86 {offsets = [10], sizes = [1], strides = [1]} : vector<16xi32> to vector<1xi32>
        %squeeze3A_305 = vector.extract %slice3A_304[0] : i32 from vector<1xi32>
        %add3A_306 = arith.constant 10 : i32
        %add3A_307 = arith.addi %mul3A_84, %add3A_306 : i32
        %get3A_308 = arith.constant 0 : i32
        %get3A_309 = arith.index_cast %get3A_308 : i32 to index
        %get3A_310 = arith.index_cast %add3A_307 : i32 to index
        %get3A_311 = arith.index_cast %squeeze3A_305 : i32 to index
        %get3A_312 = tpu.vector_load %arg8[%get3A_309, %get3A_310, %get3A_311] {strides = array<i32>} : memref<2x128x128xf32, #tpu.memory_space<vmem>>, vector<16xf32>,
        %swap3A_313 = arith.index_cast %add3A_307 : i32 to index
        %swap3A_314 = arith.constant 0 : index
        %swap3A_315 = tpu.vector_load %arg9[%swap3A_313, %swap3A_314] {strides = array<i32>} : memref<128x32xf32, #tpu.memory_space<vmem>>, vector<16xf32>,
        tpu.vector_store %arg9[%swap3A_313, %swap3A_314], %get3A_312 {strides = array<i32>} : memref<128x32xf32, #tpu.memory_space<vmem>>, vector<16xf32>,
        %add3A_316 = arith.constant 16 : i32
        %add3A_317 = arith.addi %squeeze3A_305, %add3A_316 : i32
        %get3A_318 = arith.constant 0 : i32
        %get3A_319 = arith.index_cast %get3A_318 : i32 to index
        %get3A_320 = arith.index_cast %add3A_307 : i32 to index
        %get3A_321 = arith.index_cast %add3A_317 : i32 to index
        %get3A_322 = tpu.vector_load %arg8[%get3A_319, %get3A_320, %get3A_321] {strides = array<i32>} : memref<2x128x128xf32, #tpu.memory_space<vmem>>, vector<16xf32>,
        %swap3A_323 = arith.index_cast %add3A_307 : i32 to index
        %swap3A_324 = arith.constant 16 : index
        %swap3A_325 = tpu.vector_load %arg9[%swap3A_323, %swap3A_324] {strides = array<i32>} : memref<128x32xf32, #tpu.memory_space<vmem>>, vector<16xf32>,
        tpu.vector_store %arg9[%swap3A_323, %swap3A_324], %get3A_322 {strides = array<i32>} : memref<128x32xf32, #tpu.memory_space<vmem>>, vector<16xf32>,
        %slice3A_326 = vector.extract_strided_slice %get3A_86 {offsets = [11], sizes = [1], strides = [1]} : vector<16xi32> to vector<1xi32>
        %squeeze3A_327 = vector.extract %slice3A_326[0] : i32 from vector<1xi32>
        %add3A_328 = arith.constant 11 : i32
        %add3A_329 = arith.addi %mul3A_84, %add3A_328 : i32
        %get3A_330 = arith.constant 0 : i32
        %get3A_331 = arith.index_cast %get3A_330 : i32 to index
        %get3A_332 = arith.index_cast %add3A_329 : i32 to index
        %get3A_333 = arith.index_cast %squeeze3A_327 : i32 to index
        %get3A_334 = tpu.vector_load %arg8[%get3A_331, %get3A_332, %get3A_333] {strides = array<i32>} : memref<2x128x128xf32, #tpu.memory_space<vmem>>, vector<16xf32>,
        %swap3A_335 = arith.index_cast %add3A_329 : i32 to index
        %swap3A_336 = arith.constant 0 : index
        %swap3A_337 = tpu.vector_load %arg9[%swap3A_335, %swap3A_336] {strides = array<i32>} : memref<128x32xf32, #tpu.memory_space<vmem>>, vector<16xf32>,
        tpu.vector_store %arg9[%swap3A_335, %swap3A_336], %get3A_334 {strides = array<i32>} : memref<128x32xf32, #tpu.memory_space<vmem>>, vector<16xf32>,
        %add3A_338 = arith.constant 16 : i32
        %add3A_339 = arith.addi %squeeze3A_327, %add3A_338 : i32
        %get3A_340 = arith.constant 0 : i32
        %get3A_341 = arith.index_cast %get3A_340 : i32 to index
        %get3A_342 = arith.index_cast %add3A_329 : i32 to index
        %get3A_343 = arith.index_cast %add3A_339 : i32 to index
        %get3A_344 = tpu.vector_load %arg8[%get3A_341, %get3A_342, %get3A_343] {strides = array<i32>} : memref<2x128x128xf32, #tpu.memory_space<vmem>>, vector<16xf32>,
        %swap3A_345 = arith.index_cast %add3A_329 : i32 to index
        %swap3A_346 = arith.constant 16 : index
        %swap3A_347 = tpu.vector_load %arg9[%swap3A_345, %swap3A_346] {strides = array<i32>} : memref<128x32xf32, #tpu.memory_space<vmem>>, vector<16xf32>,
        tpu.vector_store %arg9[%swap3A_345, %swap3A_346], %get3A_344 {strides = array<i32>} : memref<128x32xf32, #tpu.memory_space<vmem>>, vector<16xf32>,
        %slice3A_348 = vector.extract_strided_slice %get3A_86 {offsets = [12], sizes = [1], strides = [1]} : vector<16xi32> to vector<1xi32>
        %squeeze3A_349 = vector.extract %slice3A_348[0] : i32 from vector<1xi32>
        %add3A_350 = arith.constant 12 : i32
        %add3A_351 = arith.addi %mul3A_84, %add3A_350 : i32
        %get3A_352 = arith.constant 0 : i32
        %get3A_353 = arith.index_cast %get3A_352 : i32 to index
        %get3A_354 = arith.index_cast %add3A_351 : i32 to index
        %get3A_355 = arith.index_cast %squeeze3A_349 : i32 to index
        %get3A_356 = tpu.vector_load %arg8[%get3A_353, %get3A_354, %get3A_355] {strides = array<i32>} : memref<2x128x128xf32, #tpu.memory_space<vmem>>, vector<16xf32>,
        %swap3A_357 = arith.index_cast %add3A_351 : i32 to index
        %swap3A_358 = arith.constant 0 : index
        %swap3A_359 = tpu.vector_load %arg9[%swap3A_357, %swap3A_358] {strides = array<i32>} : memref<128x32xf32, #tpu.memory_space<vmem>>, vector<16xf32>,
        tpu.vector_store %arg9[%swap3A_357, %swap3A_358], %get3A_356 {strides = array<i32>} : memref<128x32xf32, #tpu.memory_space<vmem>>, vector<16xf32>,
        %add3A_360 = arith.constant 16 : i32
        %add3A_361 = arith.addi %squeeze3A_349, %add3A_360 : i32
        %get3A_362 = arith.constant 0 : i32
        %get3A_363 = arith.index_cast %get3A_362 : i32 to index
        %get3A_364 = arith.index_cast %add3A_351 : i32 to index
        %get3A_365 = arith.index_cast %add3A_361 : i32 to index
        %get3A_366 = tpu.vector_load %arg8[%get3A_363, %get3A_364, %get3A_365] {strides = array<i32>} : memref<2x128x128xf32, #tpu.memory_space<vmem>>, vector<16xf32>,
        %swap3A_367 = arith.index_cast %add3A_351 : i32 to index
        %swap3A_368 = arith.constant 16 : index
        %swap3A_369 = tpu.vector_load %arg9[%swap3A_367, %swap3A_368] {strides = array<i32>} : memref<128x32xf32, #tpu.memory_space<vmem>>, vector<16xf32>,
        tpu.vector_store %arg9[%swap3A_367, %swap3A_368], %get3A_366 {strides = array<i32>} : memref<128x32xf32, #tpu.memory_space<vmem>>, vector<16xf32>,
        %slice3A_370 = vector.extract_strided_slice %get3A_86 {offsets = [13], sizes = [1], strides = [1]} : vector<16xi32> to vector<1xi32>
        %squeeze3A_371 = vector.extract %slice3A_370[0] : i32 from vector<1xi32>
        %add3A_372 = arith.constant 13 : i32
        %add3A_373 = arith.addi %mul3A_84, %add3A_372 : i32
        %get3A_374 = arith.constant 0 : i32
        %get3A_375 = arith.index_cast %get3A_374 : i32 to index
        %get3A_376 = arith.index_cast %add3A_373 : i32 to index
        %get3A_377 = arith.index_cast %squeeze3A_371 : i32 to index
        %get3A_378 = tpu.vector_load %arg8[%get3A_375, %get3A_376, %get3A_377] {strides = array<i32>} : memref<2x128x128xf32, #tpu.memory_space<vmem>>, vector<16xf32>,
        %swap3A_379 = arith.index_cast %add3A_373 : i32 to index
        %swap3A_380 = arith.constant 0 : index
        %swap3A_381 = tpu.vector_load %arg9[%swap3A_379, %swap3A_380] {strides = array<i32>} : memref<128x32xf32, #tpu.memory_space<vmem>>, vector<16xf32>,
        tpu.vector_store %arg9[%swap3A_379, %swap3A_380], %get3A_378 {strides = array<i32>} : memref<128x32xf32, #tpu.memory_space<vmem>>, vector<16xf32>,
        %add3A_382 = arith.constant 16 : i32
        %add3A_383 = arith.addi %squeeze3A_371, %add3A_382 : i32
        %get3A_384 = arith.constant 0 : i32
        %get3A_385 = arith.index_cast %get3A_384 : i32 to index
        %get3A_386 = arith.index_cast %add3A_373 : i32 to index
        %get3A_387 = arith.index_cast %add3A_383 : i32 to index
        %get3A_388 = tpu.vector_load %arg8[%get3A_385, %get3A_386, %get3A_387] {strides = array<i32>} : memref<2x128x128xf32, #tpu.memory_space<vmem>>, vector<16xf32>,
        %swap3A_389 = arith.index_cast %add3A_373 : i32 to index
        %swap3A_390 = arith.constant 16 : index
        %swap3A_391 = tpu.vector_load %arg9[%swap3A_389, %swap3A_390] {strides = array<i32>} : memref<128x32xf32, #tpu.memory_space<vmem>>, vector<16xf32>,
        tpu.vector_store %arg9[%swap3A_389, %swap3A_390], %get3A_388 {strides = array<i32>} : memref<128x32xf32, #tpu.memory_space<vmem>>, vector<16xf32>,
        %slice3A_392 = vector.extract_strided_slice %get3A_86 {offsets = [14], sizes = [1], strides = [1]} : vector<16xi32> to vector<1xi32>
        %squeeze3A_393 = vector.extract %slice3A_392[0] : i32 from vector<1xi32>
        %add3A_394 = arith.constant 14 : i32
        %add3A_395 = arith.addi %mul3A_84, %add3A_394 : i32
        %get3A_396 = arith.constant 0 : i32
        %get3A_397 = arith.index_cast %get3A_396 : i32 to index
        %get3A_398 = arith.index_cast %add3A_395 : i32 to index
        %get3A_399 = arith.index_cast %squeeze3A_393 : i32 to index
        %get3A_400 = tpu.vector_load %arg8[%get3A_397, %get3A_398, %get3A_399] {strides = array<i32>} : memref<2x128x128xf32, #tpu.memory_space<vmem>>, vector<16xf32>,
        %swap3A_401 = arith.index_cast %add3A_395 : i32 to index
        %swap3A_402 = arith.constant 0 : index
        %swap3A_403 = tpu.vector_load %arg9[%swap3A_401, %swap3A_402] {strides = array<i32>} : memref<128x32xf32, #tpu.memory_space<vmem>>, vector<16xf32>,
        tpu.vector_store %arg9[%swap3A_401, %swap3A_402], %get3A_400 {strides = array<i32>} : memref<128x32xf32, #tpu.memory_space<vmem>>, vector<16xf32>,
        %add3A_404 = arith.constant 16 : i32
        %add3A_405 = arith.addi %squeeze3A_393, %add3A_404 : i32
        %get3A_406 = arith.constant 0 : i32
        %get3A_407 = arith.index_cast %get3A_406 : i32 to index
        %get3A_408 = arith.index_cast %add3A_395 : i32 to index
        %get3A_409 = arith.index_cast %add3A_405 : i32 to index
        %get3A_410 = tpu.vector_load %arg8[%get3A_407, %get3A_408, %get3A_409] {strides = array<i32>} : memref<2x128x128xf32, #tpu.memory_space<vmem>>, vector<16xf32>,
        %swap3A_411 = arith.index_cast %add3A_395 : i32 to index
        %swap3A_412 = arith.constant 16 : index
        %swap3A_413 = tpu.vector_load %arg9[%swap3A_411, %swap3A_412] {strides = array<i32>} : memref<128x32xf32, #tpu.memory_space<vmem>>, vector<16xf32>,
        tpu.vector_store %arg9[%swap3A_411, %swap3A_412], %get3A_410 {strides = array<i32>} : memref<128x32xf32, #tpu.memory_space<vmem>>, vector<16xf32>,
        %slice3A_414 = vector.extract_strided_slice %get3A_86 {offsets = [15], sizes = [1], strides = [1]} : vector<16xi32> to vector<1xi32>
        %squeeze3A_415 = vector.extract %slice3A_414[0] : i32 from vector<1xi32>
        %add3A_416 = arith.constant 15 : i32
        %add3A_417 = arith.addi %mul3A_84, %add3A_416 : i32
        %get3A_418 = arith.constant 0 : i32
        %get3A_419 = arith.index_cast %get3A_418 : i32 to index
        %get3A_420 = arith.index_cast %add3A_417 : i32 to index
        %get3A_421 = arith.index_cast %squeeze3A_415 : i32 to index
        %get3A_422 = tpu.vector_load %arg8[%get3A_419, %get3A_420, %get3A_421] {strides = array<i32>} : memref<2x128x128xf32, #tpu.memory_space<vmem>>, vector<16xf32>,
        %swap3A_423 = arith.index_cast %add3A_417 : i32 to index
        %swap3A_424 = arith.constant 0 : index
        %swap3A_425 = tpu.vector_load %arg9[%swap3A_423, %swap3A_424] {strides = array<i32>} : memref<128x32xf32, #tpu.memory_space<vmem>>, vector<16xf32>,
        tpu.vector_store %arg9[%swap3A_423, %swap3A_424], %get3A_422 {strides = array<i32>} : memref<128x32xf32, #tpu.memory_space<vmem>>, vector<16xf32>,
        %add3A_426 = arith.constant 16 : i32
        %add3A_427 = arith.addi %squeeze3A_415, %add3A_426 : i32
        %get3A_428 = arith.constant 0 : i32
        %get3A_429 = arith.index_cast %get3A_428 : i32 to index
        %get3A_430 = arith.index_cast %add3A_417 : i32 to index
        %get3A_431 = arith.index_cast %add3A_427 : i32 to index
        %get3A_432 = tpu.vector_load %arg8[%get3A_429, %get3A_430, %get3A_431] {strides = array<i32>} : memref<2x128x128xf32, #tpu.memory_space<vmem>>, vector<16xf32>,
        %swap3A_433 = arith.index_cast %add3A_417 : i32 to index
        %swap3A_434 = arith.constant 16 : index
        %swap3A_435 = tpu.vector_load %arg9[%swap3A_433, %swap3A_434] {strides = array<i32>} : memref<128x32xf32, #tpu.memory_space<vmem>>, vector<16xf32>,
        tpu.vector_store %arg9[%swap3A_433, %swap3A_434], %get3A_432 {strides = array<i32>} : memref<128x32xf32, #tpu.memory_space<vmem>>, vector<16xf32>,
      }
      %scan3A_50 = arith.constant 8 : i32
      %mul3A_51 = arith.constant 128 : i32
      %mul3A_52 = arith.muli %mul3A_21, %mul3A_51 : i32
      %add3A_53 = arith.addi %mul3A_2, %mul3A_52 : i32
      "tpu.region"() ({
        %run_scoped3A = tpu.sem_alloc : memref<!tpu.dma_semaphore, #tpu.memory_space<semaphore_mem>>
        %dma_start3A_82 = arith.constant 0 : i32
        %dma_start3A_83 = tpu.memref_slice %arg5[%add3A_53, %dma_start3A_82] : memref<204800x32xf32, #tpu.memory_space<hbm>> -> memref<128x32xf32, #tpu.memory_space<hbm>>
        %dma_start3A_84 = arith.constant 0 : i32
        %dma_start3A_85 = tpu.memref_slice %arg5[%add3A_53, %dma_start3A_84] : memref<204800x32xf32, #tpu.memory_space<hbm>> -> memref<128x32xf32, #tpu.memory_space<hbm>>
        tpu.enqueue_dma source(%arg9 : memref<128x32xf32, #tpu.memory_space<vmem>>) target(%dma_start3A_85 : memref<128x32xf32, #tpu.memory_space<hbm>>) target_semaphore(%run_scoped3A : memref<!tpu.dma_semaphore, #tpu.memory_space<semaphore_mem>>)
        %dma_wait3A_86 = arith.constant 0 : i32
        %dma_wait3A_87 = tpu.memref_slice %arg5[%add3A_53, %dma_wait3A_86] : memref<204800x32xf32, #tpu.memory_space<hbm>> -> memref<128x32xf32, #tpu.memory_space<hbm>>
        %dma_wait3A_88 = arith.constant 0 : i32
        %dma_wait3A_89 = tpu.memref_slice %arg5[%add3A_53, %dma_wait3A_88] : memref<204800x32xf32, #tpu.memory_space<hbm>> -> memref<128x32xf32, #tpu.memory_space<hbm>>
        tpu.wait_dma2 semaphore(%run_scoped3A : memref<!tpu.dma_semaphore, #tpu.memory_space<semaphore_mem>>) src(%arg9 : memref<128x32xf32, #tpu.memory_space<vmem>>) dst(%dma_wait3A_89 : memref<128x32xf32, #tpu.memory_space<hbm>>)
        tpu.yield
      }) : () -> ()
      %add3A_54 = arith.constant 2 : i32
      %add3A_55 = arith.addi %mul3A_21, %add3A_54 : i32
      %lt3A = arith.constant 50 : i32
      %lt3A_56 = arith.cmpi slt, %add3A_55, %lt3A : i32
      %convert_element_type3A = arith.extui %lt3A_56 : i1 to i32
      %cond3A = arith.constant 0 : i32
      %cond3A_57 = arith.cmpi ne, %convert_element_type3A, %cond3A : i32
      scf.if %cond3A_57 {
        %add3A_82 = arith.constant 2 : i32
        %add3A_83 = arith.addi %mul3A_21, %add3A_82 : i32
        %dma_start3A_84 = arith.constant 0 : i32
        %dma_start3A_85 = arith.constant 0 : i32
        %dma_start3A_86 = arith.constant 0 : i32
        %dma_start3A_87 = tpu.memref_slice %arg8[%dma_start3A_84, %dma_start3A_85, %dma_start3A_86] : memref<2x128x128xf32, #tpu.memory_space<vmem>> -> memref<1x128x128xf32, #tpu.memory_space<vmem>>
        %dma_start3A_88 = tpu.memref_squeeze %dma_start3A_87 : memref<1x128x128xf32, #tpu.memory_space<vmem>> -> memref<128x128xf32, #tpu.memory_space<vmem>>
        %dma_start3A_89 = arith.constant 0 : i32
        %dma_start3A_90 = tpu.memref_slice %arg6[%add3A_83, %dma_start3A_89] : memref<50x128xi32, #tpu.memory_space<vmem>> -> memref<1x128xi32, #tpu.memory_space<vmem>>
        %dma_start3A_91 = tpu.memref_squeeze %dma_start3A_90 : memref<1x128xi32, #tpu.memory_space<vmem>> -> memref<128xi32, #tpu.memory_space<vmem>>
        %dma_start3A_92 = arith.constant 0 : i32
        %dma_start3A_93 = arith.constant 0 : i32
        %dma_start3A_94 = tpu.memref_slice %arg4[%dma_start3A_92, %dma_start3A_93] : memref<262144x128xf32, #tpu.memory_space<hbm>> -> memref<262144x128xf32, #tpu.memory_space<hbm>>
        tpu.enqueue_indirect_dma source(%dma_start3A_94 : memref<262144x128xf32, #tpu.memory_space<hbm>>) target(%dma_start3A_88 : memref<128x128xf32, #tpu.memory_space<vmem>>) offsets(%dma_start3A_91 : memref<128xi32, #tpu.memory_space<vmem>>) semaphore(%arg10 : memref<!tpu.dma_semaphore, #tpu.memory_space<semaphore_mem>>)
      } else {
      }
      %add3A_58 = arith.constant 1 : i32
      %add3A_59 = arith.addi %mul3A_21, %add3A_58 : i32
      %dma_wait3A_60 = arith.constant 1 : i32
      %dma_wait3A_61 = arith.constant 0 : i32
      %dma_wait3A_62 = arith.constant 0 : i32
      %dma_wait3A_63 = tpu.memref_slice %arg8[%dma_wait3A_60, %dma_wait3A_61, %dma_wait3A_62] : memref<2x128x128xf32, #tpu.memory_space<vmem>> -> memref<1x128x128xf32, #tpu.memory_space<vmem>>
      %dma_wait3A_64 = tpu.memref_squeeze %dma_wait3A_63 : memref<1x128x128xf32, #tpu.memory_space<vmem>> -> memref<128x128xf32, #tpu.memory_space<vmem>>
      %dma_wait3A_65 = arith.constant 0 : i32
      %dma_wait3A_66 = tpu.memref_slice %arg6[%add3A_59, %dma_wait3A_65] : memref<50x128xi32, #tpu.memory_space<vmem>> -> memref<1x128xi32, #tpu.memory_space<vmem>>
      %dma_wait3A_67 = tpu.memref_squeeze %dma_wait3A_66 : memref<1x128xi32, #tpu.memory_space<vmem>> -> memref<128xi32, #tpu.memory_space<vmem>>
      %dma_wait3A_68 = arith.constant 0 : i32
      %dma_wait3A_69 = arith.constant 0 : i32
      %dma_wait3A_70 = tpu.memref_slice %arg4[%dma_wait3A_68, %dma_wait3A_69] : memref<262144x128xf32, #tpu.memory_space<hbm>> -> memref<262144x128xf32, #tpu.memory_space<hbm>>
      tpu.wait_indirect_dma semaphore(%arg10 : memref<!tpu.dma_semaphore, #tpu.memory_space<semaphore_mem>>) src(%dma_wait3A_70 : memref<262144x128xf32, #tpu.memory_space<hbm>>) dst(%dma_wait3A_64 : memref<128x128xf32, #tpu.memory_space<vmem>>)
      %add3A_71 = arith.constant 1 : i32
      %add3A_72 = arith.addi %mul3A_21, %add3A_71 : i32
      %scan3A_73 = arith.constant 0 : i32
      %scan3A_74 = arith.constant 0 : i32
      %scan3A_75 = arith.constant 8 : i32
      %scan3A_76 = arith.addi %scan3A_74, %scan3A_75 : i32
      %scan3A_77 = arith.constant 1 : i32
      scf.for %scan3A_82 = %scan3A_74 to %scan3A_76 step %scan3A_77  : i32 {
        %mul3A_83 = arith.constant 16 : i32
        %mul3A_84 = arith.muli %scan3A_82, %mul3A_83 : i32
        %get3A = arith.index_cast %add3A_72 : i32 to index
        %get3A_85 = arith.index_cast %mul3A_84 : i32 to index
        %get3A_86 = tpu.vector_load %arg7[%get3A, %get3A_85] {strides = array<i32>} : memref<50x128xi32, #tpu.memory_space<vmem>>, vector<16xi32>,
        %slice3A = vector.extract_strided_slice %get3A_86 {offsets = [0], sizes = [1], strides = [1]} : vector<16xi32> to vector<1xi32>
        %squeeze3A = vector.extract %slice3A[0] : i32 from vector<1xi32>
        %add3A_87 = arith.constant 0 : i32
        %add3A_88 = arith.addi %mul3A_84, %add3A_87 : i32
        %get3A_89 = arith.constant 1 : i32
        %get3A_90 = arith.index_cast %get3A_89 : i32 to index
        %get3A_91 = arith.index_cast %add3A_88 : i32 to index
        %get3A_92 = arith.index_cast %squeeze3A : i32 to index
        %get3A_93 = tpu.vector_load %arg8[%get3A_90, %get3A_91, %get3A_92] {strides = array<i32>} : memref<2x128x128xf32, #tpu.memory_space<vmem>>, vector<16xf32>,
        %swap3A = arith.index_cast %add3A_88 : i32 to index
        %swap3A_94 = arith.constant 0 : index
        %swap3A_95 = tpu.vector_load %arg9[%swap3A, %swap3A_94] {strides = array<i32>} : memref<128x32xf32, #tpu.memory_space<vmem>>, vector<16xf32>,
        tpu.vector_store %arg9[%swap3A, %swap3A_94], %get3A_93 {strides = array<i32>} : memref<128x32xf32, #tpu.memory_space<vmem>>, vector<16xf32>,
        %add3A_96 = arith.constant 16 : i32
        %add3A_97 = arith.addi %squeeze3A, %add3A_96 : i32
        %get3A_98 = arith.constant 1 : i32
        %get3A_99 = arith.index_cast %get3A_98 : i32 to index
        %get3A_100 = arith.index_cast %add3A_88 : i32 to index
        %get3A_101 = arith.index_cast %add3A_97 : i32 to index
        %get3A_102 = tpu.vector_load %arg8[%get3A_99, %get3A_100, %get3A_101] {strides = array<i32>} : memref<2x128x128xf32, #tpu.memory_space<vmem>>, vector<16xf32>,
        %swap3A_103 = arith.index_cast %add3A_88 : i32 to index
        %swap3A_104 = arith.constant 16 : index
        %swap3A_105 = tpu.vector_load %arg9[%swap3A_103, %swap3A_104] {strides = array<i32>} : memref<128x32xf32, #tpu.memory_space<vmem>>, vector<16xf32>,
        tpu.vector_store %arg9[%swap3A_103, %swap3A_104], %get3A_102 {strides = array<i32>} : memref<128x32xf32, #tpu.memory_space<vmem>>, vector<16xf32>,
        %slice3A_106 = vector.extract_strided_slice %get3A_86 {offsets = [1], sizes = [1], strides = [1]} : vector<16xi32> to vector<1xi32>
        %squeeze3A_107 = vector.extract %slice3A_106[0] : i32 from vector<1xi32>
        %add3A_108 = arith.constant 1 : i32
        %add3A_109 = arith.addi %mul3A_84, %add3A_108 : i32
        %get3A_110 = arith.constant 1 : i32
        %get3A_111 = arith.index_cast %get3A_110 : i32 to index
        %get3A_112 = arith.index_cast %add3A_109 : i32 to index
        %get3A_113 = arith.index_cast %squeeze3A_107 : i32 to index
        %get3A_114 = tpu.vector_load %arg8[%get3A_111, %get3A_112, %get3A_113] {strides = array<i32>} : memref<2x128x128xf32, #tpu.memory_space<vmem>>, vector<16xf32>,
        %swap3A_115 = arith.index_cast %add3A_109 : i32 to index
        %swap3A_116 = arith.constant 0 : index
        %swap3A_117 = tpu.vector_load %arg9[%swap3A_115, %swap3A_116] {strides = array<i32>} : memref<128x32xf32, #tpu.memory_space<vmem>>, vector<16xf32>,
        tpu.vector_store %arg9[%swap3A_115, %swap3A_116], %get3A_114 {strides = array<i32>} : memref<128x32xf32, #tpu.memory_space<vmem>>, vector<16xf32>,
        %add3A_118 = arith.constant 16 : i32
        %add3A_119 = arith.addi %squeeze3A_107, %add3A_118 : i32
        %get3A_120 = arith.constant 1 : i32
        %get3A_121 = arith.index_cast %get3A_120 : i32 to index
        %get3A_122 = arith.index_cast %add3A_109 : i32 to index
        %get3A_123 = arith.index_cast %add3A_119 : i32 to index
        %get3A_124 = tpu.vector_load %arg8[%get3A_121, %get3A_122, %get3A_123] {strides = array<i32>} : memref<2x128x128xf32, #tpu.memory_space<vmem>>, vector<16xf32>,
        %swap3A_125 = arith.index_cast %add3A_109 : i32 to index
        %swap3A_126 = arith.constant 16 : index
        %swap3A_127 = tpu.vector_load %arg9[%swap3A_125, %swap3A_126] {strides = array<i32>} : memref<128x32xf32, #tpu.memory_space<vmem>>, vector<16xf32>,
        tpu.vector_store %arg9[%swap3A_125, %swap3A_126], %get3A_124 {strides = array<i32>} : memref<128x32xf32, #tpu.memory_space<vmem>>, vector<16xf32>,
        %slice3A_128 = vector.extract_strided_slice %get3A_86 {offsets = [2], sizes = [1], strides = [1]} : vector<16xi32> to vector<1xi32>
        %squeeze3A_129 = vector.extract %slice3A_128[0] : i32 from vector<1xi32>
        %add3A_130 = arith.constant 2 : i32
        %add3A_131 = arith.addi %mul3A_84, %add3A_130 : i32
        %get3A_132 = arith.constant 1 : i32
        %get3A_133 = arith.index_cast %get3A_132 : i32 to index
        %get3A_134 = arith.index_cast %add3A_131 : i32 to index
        %get3A_135 = arith.index_cast %squeeze3A_129 : i32 to index
        %get3A_136 = tpu.vector_load %arg8[%get3A_133, %get3A_134, %get3A_135] {strides = array<i32>} : memref<2x128x128xf32, #tpu.memory_space<vmem>>, vector<16xf32>,
        %swap3A_137 = arith.index_cast %add3A_131 : i32 to index
        %swap3A_138 = arith.constant 0 : index
        %swap3A_139 = tpu.vector_load %arg9[%swap3A_137, %swap3A_138] {strides = array<i32>} : memref<128x32xf32, #tpu.memory_space<vmem>>, vector<16xf32>,
        tpu.vector_store %arg9[%swap3A_137, %swap3A_138], %get3A_136 {strides = array<i32>} : memref<128x32xf32, #tpu.memory_space<vmem>>, vector<16xf32>,
        %add3A_140 = arith.constant 16 : i32
        %add3A_141 = arith.addi %squeeze3A_129, %add3A_140 : i32
        %get3A_142 = arith.constant 1 : i32
        %get3A_143 = arith.index_cast %get3A_142 : i32 to index
        %get3A_144 = arith.index_cast %add3A_131 : i32 to index
        %get3A_145 = arith.index_cast %add3A_141 : i32 to index
        %get3A_146 = tpu.vector_load %arg8[%get3A_143, %get3A_144, %get3A_145] {strides = array<i32>} : memref<2x128x128xf32, #tpu.memory_space<vmem>>, vector<16xf32>,
        %swap3A_147 = arith.index_cast %add3A_131 : i32 to index
        %swap3A_148 = arith.constant 16 : index
        %swap3A_149 = tpu.vector_load %arg9[%swap3A_147, %swap3A_148] {strides = array<i32>} : memref<128x32xf32, #tpu.memory_space<vmem>>, vector<16xf32>,
        tpu.vector_store %arg9[%swap3A_147, %swap3A_148], %get3A_146 {strides = array<i32>} : memref<128x32xf32, #tpu.memory_space<vmem>>, vector<16xf32>,
        %slice3A_150 = vector.extract_strided_slice %get3A_86 {offsets = [3], sizes = [1], strides = [1]} : vector<16xi32> to vector<1xi32>
        %squeeze3A_151 = vector.extract %slice3A_150[0] : i32 from vector<1xi32>
        %add3A_152 = arith.constant 3 : i32
        %add3A_153 = arith.addi %mul3A_84, %add3A_152 : i32
        %get3A_154 = arith.constant 1 : i32
        %get3A_155 = arith.index_cast %get3A_154 : i32 to index
        %get3A_156 = arith.index_cast %add3A_153 : i32 to index
        %get3A_157 = arith.index_cast %squeeze3A_151 : i32 to index
        %get3A_158 = tpu.vector_load %arg8[%get3A_155, %get3A_156, %get3A_157] {strides = array<i32>} : memref<2x128x128xf32, #tpu.memory_space<vmem>>, vector<16xf32>,
        %swap3A_159 = arith.index_cast %add3A_153 : i32 to index
        %swap3A_160 = arith.constant 0 : index
        %swap3A_161 = tpu.vector_load %arg9[%swap3A_159, %swap3A_160] {strides = array<i32>} : memref<128x32xf32, #tpu.memory_space<vmem>>, vector<16xf32>,
        tpu.vector_store %arg9[%swap3A_159, %swap3A_160], %get3A_158 {strides = array<i32>} : memref<128x32xf32, #tpu.memory_space<vmem>>, vector<16xf32>,
        %add3A_162 = arith.constant 16 : i32
        %add3A_163 = arith.addi %squeeze3A_151, %add3A_162 : i32
        %get3A_164 = arith.constant 1 : i32
        %get3A_165 = arith.index_cast %get3A_164 : i32 to index
        %get3A_166 = arith.index_cast %add3A_153 : i32 to index
        %get3A_167 = arith.index_cast %add3A_163 : i32 to index
        %get3A_168 = tpu.vector_load %arg8[%get3A_165, %get3A_166, %get3A_167] {strides = array<i32>} : memref<2x128x128xf32, #tpu.memory_space<vmem>>, vector<16xf32>,
        %swap3A_169 = arith.index_cast %add3A_153 : i32 to index
        %swap3A_170 = arith.constant 16 : index
        %swap3A_171 = tpu.vector_load %arg9[%swap3A_169, %swap3A_170] {strides = array<i32>} : memref<128x32xf32, #tpu.memory_space<vmem>>, vector<16xf32>,
        tpu.vector_store %arg9[%swap3A_169, %swap3A_170], %get3A_168 {strides = array<i32>} : memref<128x32xf32, #tpu.memory_space<vmem>>, vector<16xf32>,
        %slice3A_172 = vector.extract_strided_slice %get3A_86 {offsets = [4], sizes = [1], strides = [1]} : vector<16xi32> to vector<1xi32>
        %squeeze3A_173 = vector.extract %slice3A_172[0] : i32 from vector<1xi32>
        %add3A_174 = arith.constant 4 : i32
        %add3A_175 = arith.addi %mul3A_84, %add3A_174 : i32
        %get3A_176 = arith.constant 1 : i32
        %get3A_177 = arith.index_cast %get3A_176 : i32 to index
        %get3A_178 = arith.index_cast %add3A_175 : i32 to index
        %get3A_179 = arith.index_cast %squeeze3A_173 : i32 to index
        %get3A_180 = tpu.vector_load %arg8[%get3A_177, %get3A_178, %get3A_179] {strides = array<i32>} : memref<2x128x128xf32, #tpu.memory_space<vmem>>, vector<16xf32>,
        %swap3A_181 = arith.index_cast %add3A_175 : i32 to index
        %swap3A_182 = arith.constant 0 : index
        %swap3A_183 = tpu.vector_load %arg9[%swap3A_181, %swap3A_182] {strides = array<i32>} : memref<128x32xf32, #tpu.memory_space<vmem>>, vector<16xf32>,
        tpu.vector_store %arg9[%swap3A_181, %swap3A_182], %get3A_180 {strides = array<i32>} : memref<128x32xf32, #tpu.memory_space<vmem>>, vector<16xf32>,
        %add3A_184 = arith.constant 16 : i32
        %add3A_185 = arith.addi %squeeze3A_173, %add3A_184 : i32
        %get3A_186 = arith.constant 1 : i32
        %get3A_187 = arith.index_cast %get3A_186 : i32 to index
        %get3A_188 = arith.index_cast %add3A_175 : i32 to index
        %get3A_189 = arith.index_cast %add3A_185 : i32 to index
        %get3A_190 = tpu.vector_load %arg8[%get3A_187, %get3A_188, %get3A_189] {strides = array<i32>} : memref<2x128x128xf32, #tpu.memory_space<vmem>>, vector<16xf32>,
        %swap3A_191 = arith.index_cast %add3A_175 : i32 to index
        %swap3A_192 = arith.constant 16 : index
        %swap3A_193 = tpu.vector_load %arg9[%swap3A_191, %swap3A_192] {strides = array<i32>} : memref<128x32xf32, #tpu.memory_space<vmem>>, vector<16xf32>,
        tpu.vector_store %arg9[%swap3A_191, %swap3A_192], %get3A_190 {strides = array<i32>} : memref<128x32xf32, #tpu.memory_space<vmem>>, vector<16xf32>,
        %slice3A_194 = vector.extract_strided_slice %get3A_86 {offsets = [5], sizes = [1], strides = [1]} : vector<16xi32> to vector<1xi32>
        %squeeze3A_195 = vector.extract %slice3A_194[0] : i32 from vector<1xi32>
        %add3A_196 = arith.constant 5 : i32
        %add3A_197 = arith.addi %mul3A_84, %add3A_196 : i32
        %get3A_198 = arith.constant 1 : i32
        %get3A_199 = arith.index_cast %get3A_198 : i32 to index
        %get3A_200 = arith.index_cast %add3A_197 : i32 to index
        %get3A_201 = arith.index_cast %squeeze3A_195 : i32 to index
        %get3A_202 = tpu.vector_load %arg8[%get3A_199, %get3A_200, %get3A_201] {strides = array<i32>} : memref<2x128x128xf32, #tpu.memory_space<vmem>>, vector<16xf32>,
        %swap3A_203 = arith.index_cast %add3A_197 : i32 to index
        %swap3A_204 = arith.constant 0 : index
        %swap3A_205 = tpu.vector_load %arg9[%swap3A_203, %swap3A_204] {strides = array<i32>} : memref<128x32xf32, #tpu.memory_space<vmem>>, vector<16xf32>,
        tpu.vector_store %arg9[%swap3A_203, %swap3A_204], %get3A_202 {strides = array<i32>} : memref<128x32xf32, #tpu.memory_space<vmem>>, vector<16xf32>,
        %add3A_206 = arith.constant 16 : i32
        %add3A_207 = arith.addi %squeeze3A_195, %add3A_206 : i32
        %get3A_208 = arith.constant 1 : i32
        %get3A_209 = arith.index_cast %get3A_208 : i32 to index
        %get3A_210 = arith.index_cast %add3A_197 : i32 to index
        %get3A_211 = arith.index_cast %add3A_207 : i32 to index
        %get3A_212 = tpu.vector_load %arg8[%get3A_209, %get3A_210, %get3A_211] {strides = array<i32>} : memref<2x128x128xf32, #tpu.memory_space<vmem>>, vector<16xf32>,
        %swap3A_213 = arith.index_cast %add3A_197 : i32 to index
        %swap3A_214 = arith.constant 16 : index
        %swap3A_215 = tpu.vector_load %arg9[%swap3A_213, %swap3A_214] {strides = array<i32>} : memref<128x32xf32, #tpu.memory_space<vmem>>, vector<16xf32>,
        tpu.vector_store %arg9[%swap3A_213, %swap3A_214], %get3A_212 {strides = array<i32>} : memref<128x32xf32, #tpu.memory_space<vmem>>, vector<16xf32>,
        %slice3A_216 = vector.extract_strided_slice %get3A_86 {offsets = [6], sizes = [1], strides = [1]} : vector<16xi32> to vector<1xi32>
        %squeeze3A_217 = vector.extract %slice3A_216[0] : i32 from vector<1xi32>
        %add3A_218 = arith.constant 6 : i32
        %add3A_219 = arith.addi %mul3A_84, %add3A_218 : i32
        %get3A_220 = arith.constant 1 : i32
        %get3A_221 = arith.index_cast %get3A_220 : i32 to index
        %get3A_222 = arith.index_cast %add3A_219 : i32 to index
        %get3A_223 = arith.index_cast %squeeze3A_217 : i32 to index
        %get3A_224 = tpu.vector_load %arg8[%get3A_221, %get3A_222, %get3A_223] {strides = array<i32>} : memref<2x128x128xf32, #tpu.memory_space<vmem>>, vector<16xf32>,
        %swap3A_225 = arith.index_cast %add3A_219 : i32 to index
        %swap3A_226 = arith.constant 0 : index
        %swap3A_227 = tpu.vector_load %arg9[%swap3A_225, %swap3A_226] {strides = array<i32>} : memref<128x32xf32, #tpu.memory_space<vmem>>, vector<16xf32>,
        tpu.vector_store %arg9[%swap3A_225, %swap3A_226], %get3A_224 {strides = array<i32>} : memref<128x32xf32, #tpu.memory_space<vmem>>, vector<16xf32>,
        %add3A_228 = arith.constant 16 : i32
        %add3A_229 = arith.addi %squeeze3A_217, %add3A_228 : i32
        %get3A_230 = arith.constant 1 : i32
        %get3A_231 = arith.index_cast %get3A_230 : i32 to index
        %get3A_232 = arith.index_cast %add3A_219 : i32 to index
        %get3A_233 = arith.index_cast %add3A_229 : i32 to index
        %get3A_234 = tpu.vector_load %arg8[%get3A_231, %get3A_232, %get3A_233] {strides = array<i32>} : memref<2x128x128xf32, #tpu.memory_space<vmem>>, vector<16xf32>,
        %swap3A_235 = arith.index_cast %add3A_219 : i32 to index
        %swap3A_236 = arith.constant 16 : index
        %swap3A_237 = tpu.vector_load %arg9[%swap3A_235, %swap3A_236] {strides = array<i32>} : memref<128x32xf32, #tpu.memory_space<vmem>>, vector<16xf32>,
        tpu.vector_store %arg9[%swap3A_235, %swap3A_236], %get3A_234 {strides = array<i32>} : memref<128x32xf32, #tpu.memory_space<vmem>>, vector<16xf32>,
        %slice3A_238 = vector.extract_strided_slice %get3A_86 {offsets = [7], sizes = [1], strides = [1]} : vector<16xi32> to vector<1xi32>
        %squeeze3A_239 = vector.extract %slice3A_238[0] : i32 from vector<1xi32>
        %add3A_240 = arith.constant 7 : i32
        %add3A_241 = arith.addi %mul3A_84, %add3A_240 : i32
        %get3A_242 = arith.constant 1 : i32
        %get3A_243 = arith.index_cast %get3A_242 : i32 to index
        %get3A_244 = arith.index_cast %add3A_241 : i32 to index
        %get3A_245 = arith.index_cast %squeeze3A_239 : i32 to index
        %get3A_246 = tpu.vector_load %arg8[%get3A_243, %get3A_244, %get3A_245] {strides = array<i32>} : memref<2x128x128xf32, #tpu.memory_space<vmem>>, vector<16xf32>,
        %swap3A_247 = arith.index_cast %add3A_241 : i32 to index
        %swap3A_248 = arith.constant 0 : index
        %swap3A_249 = tpu.vector_load %arg9[%swap3A_247, %swap3A_248] {strides = array<i32>} : memref<128x32xf32, #tpu.memory_space<vmem>>, vector<16xf32>,
        tpu.vector_store %arg9[%swap3A_247, %swap3A_248], %get3A_246 {strides = array<i32>} : memref<128x32xf32, #tpu.memory_space<vmem>>, vector<16xf32>,
        %add3A_250 = arith.constant 16 : i32
        %add3A_251 = arith.addi %squeeze3A_239, %add3A_250 : i32
        %get3A_252 = arith.constant 1 : i32
        %get3A_253 = arith.index_cast %get3A_252 : i32 to index
        %get3A_254 = arith.index_cast %add3A_241 : i32 to index
        %get3A_255 = arith.index_cast %add3A_251 : i32 to index
        %get3A_256 = tpu.vector_load %arg8[%get3A_253, %get3A_254, %get3A_255] {strides = array<i32>} : memref<2x128x128xf32, #tpu.memory_space<vmem>>, vector<16xf32>,
        %swap3A_257 = arith.index_cast %add3A_241 : i32 to index
        %swap3A_258 = arith.constant 16 : index
        %swap3A_259 = tpu.vector_load %arg9[%swap3A_257, %swap3A_258] {strides = array<i32>} : memref<128x32xf32, #tpu.memory_space<vmem>>, vector<16xf32>,
        tpu.vector_store %arg9[%swap3A_257, %swap3A_258], %get3A_256 {strides = array<i32>} : memref<128x32xf32, #tpu.memory_space<vmem>>, vector<16xf32>,
        %slice3A_260 = vector.extract_strided_slice %get3A_86 {offsets = [8], sizes = [1], strides = [1]} : vector<16xi32> to vector<1xi32>
        %squeeze3A_261 = vector.extract %slice3A_260[0] : i32 from vector<1xi32>
        %add3A_262 = arith.constant 8 : i32
        %add3A_263 = arith.addi %mul3A_84, %add3A_262 : i32
        %get3A_264 = arith.constant 1 : i32
        %get3A_265 = arith.index_cast %get3A_264 : i32 to index
        %get3A_266 = arith.index_cast %add3A_263 : i32 to index
        %get3A_267 = arith.index_cast %squeeze3A_261 : i32 to index
        %get3A_268 = tpu.vector_load %arg8[%get3A_265, %get3A_266, %get3A_267] {strides = array<i32>} : memref<2x128x128xf32, #tpu.memory_space<vmem>>, vector<16xf32>,
        %swap3A_269 = arith.index_cast %add3A_263 : i32 to index
        %swap3A_270 = arith.constant 0 : index
        %swap3A_271 = tpu.vector_load %arg9[%swap3A_269, %swap3A_270] {strides = array<i32>} : memref<128x32xf32, #tpu.memory_space<vmem>>, vector<16xf32>,
        tpu.vector_store %arg9[%swap3A_269, %swap3A_270], %get3A_268 {strides = array<i32>} : memref<128x32xf32, #tpu.memory_space<vmem>>, vector<16xf32>,
        %add3A_272 = arith.constant 16 : i32
        %add3A_273 = arith.addi %squeeze3A_261, %add3A_272 : i32
        %get3A_274 = arith.constant 1 : i32
        %get3A_275 = arith.index_cast %get3A_274 : i32 to index
        %get3A_276 = arith.index_cast %add3A_263 : i32 to index
        %get3A_277 = arith.index_cast %add3A_273 : i32 to index
        %get3A_278 = tpu.vector_load %arg8[%get3A_275, %get3A_276, %get3A_277] {strides = array<i32>} : memref<2x128x128xf32, #tpu.memory_space<vmem>>, vector<16xf32>,
        %swap3A_279 = arith.index_cast %add3A_263 : i32 to index
        %swap3A_280 = arith.constant 16 : index
        %swap3A_281 = tpu.vector_load %arg9[%swap3A_279, %swap3A_280] {strides = array<i32>} : memref<128x32xf32, #tpu.memory_space<vmem>>, vector<16xf32>,
        tpu.vector_store %arg9[%swap3A_279, %swap3A_280], %get3A_278 {strides = array<i32>} : memref<128x32xf32, #tpu.memory_space<vmem>>, vector<16xf32>,
        %slice3A_282 = vector.extract_strided_slice %get3A_86 {offsets = [9], sizes = [1], strides = [1]} : vector<16xi32> to vector<1xi32>
        %squeeze3A_283 = vector.extract %slice3A_282[0] : i32 from vector<1xi32>
        %add3A_284 = arith.constant 9 : i32
        %add3A_285 = arith.addi %mul3A_84, %add3A_284 : i32
        %get3A_286 = arith.constant 1 : i32
        %get3A_287 = arith.index_cast %get3A_286 : i32 to index
        %get3A_288 = arith.index_cast %add3A_285 : i32 to index
        %get3A_289 = arith.index_cast %squeeze3A_283 : i32 to index
        %get3A_290 = tpu.vector_load %arg8[%get3A_287, %get3A_288, %get3A_289] {strides = array<i32>} : memref<2x128x128xf32, #tpu.memory_space<vmem>>, vector<16xf32>,
        %swap3A_291 = arith.index_cast %add3A_285 : i32 to index
        %swap3A_292 = arith.constant 0 : index
        %swap3A_293 = tpu.vector_load %arg9[%swap3A_291, %swap3A_292] {strides = array<i32>} : memref<128x32xf32, #tpu.memory_space<vmem>>, vector<16xf32>,
        tpu.vector_store %arg9[%swap3A_291, %swap3A_292], %get3A_290 {strides = array<i32>} : memref<128x32xf32, #tpu.memory_space<vmem>>, vector<16xf32>,
        %add3A_294 = arith.constant 16 : i32
        %add3A_295 = arith.addi %squeeze3A_283, %add3A_294 : i32
        %get3A_296 = arith.constant 1 : i32
        %get3A_297 = arith.index_cast %get3A_296 : i32 to index
        %get3A_298 = arith.index_cast %add3A_285 : i32 to index
        %get3A_299 = arith.index_cast %add3A_295 : i32 to index
        %get3A_300 = tpu.vector_load %arg8[%get3A_297, %get3A_298, %get3A_299] {strides = array<i32>} : memref<2x128x128xf32, #tpu.memory_space<vmem>>, vector<16xf32>,
        %swap3A_301 = arith.index_cast %add3A_285 : i32 to index
        %swap3A_302 = arith.constant 16 : index
        %swap3A_303 = tpu.vector_load %arg9[%swap3A_301, %swap3A_302] {strides = array<i32>} : memref<128x32xf32, #tpu.memory_space<vmem>>, vector<16xf32>,
        tpu.vector_store %arg9[%swap3A_301, %swap3A_302], %get3A_300 {strides = array<i32>} : memref<128x32xf32, #tpu.memory_space<vmem>>, vector<16xf32>,
        %slice3A_304 = vector.extract_strided_slice %get3A_86 {offsets = [10], sizes = [1], strides = [1]} : vector<16xi32> to vector<1xi32>
        %squeeze3A_305 = vector.extract %slice3A_304[0] : i32 from vector<1xi32>
        %add3A_306 = arith.constant 10 : i32
        %add3A_307 = arith.addi %mul3A_84, %add3A_306 : i32
        %get3A_308 = arith.constant 1 : i32
        %get3A_309 = arith.index_cast %get3A_308 : i32 to index
        %get3A_310 = arith.index_cast %add3A_307 : i32 to index
        %get3A_311 = arith.index_cast %squeeze3A_305 : i32 to index
        %get3A_312 = tpu.vector_load %arg8[%get3A_309, %get3A_310, %get3A_311] {strides = array<i32>} : memref<2x128x128xf32, #tpu.memory_space<vmem>>, vector<16xf32>,
        %swap3A_313 = arith.index_cast %add3A_307 : i32 to index
        %swap3A_314 = arith.constant 0 : index
        %swap3A_315 = tpu.vector_load %arg9[%swap3A_313, %swap3A_314] {strides = array<i32>} : memref<128x32xf32, #tpu.memory_space<vmem>>, vector<16xf32>,
        tpu.vector_store %arg9[%swap3A_313, %swap3A_314], %get3A_312 {strides = array<i32>} : memref<128x32xf32, #tpu.memory_space<vmem>>, vector<16xf32>,
        %add3A_316 = arith.constant 16 : i32
        %add3A_317 = arith.addi %squeeze3A_305, %add3A_316 : i32
        %get3A_318 = arith.constant 1 : i32
        %get3A_319 = arith.index_cast %get3A_318 : i32 to index
        %get3A_320 = arith.index_cast %add3A_307 : i32 to index
        %get3A_321 = arith.index_cast %add3A_317 : i32 to index
        %get3A_322 = tpu.vector_load %arg8[%get3A_319, %get3A_320, %get3A_321] {strides = array<i32>} : memref<2x128x128xf32, #tpu.memory_space<vmem>>, vector<16xf32>,
        %swap3A_323 = arith.index_cast %add3A_307 : i32 to index
        %swap3A_324 = arith.constant 16 : index
        %swap3A_325 = tpu.vector_load %arg9[%swap3A_323, %swap3A_324] {strides = array<i32>} : memref<128x32xf32, #tpu.memory_space<vmem>>, vector<16xf32>,
        tpu.vector_store %arg9[%swap3A_323, %swap3A_324], %get3A_322 {strides = array<i32>} : memref<128x32xf32, #tpu.memory_space<vmem>>, vector<16xf32>,
        %slice3A_326 = vector.extract_strided_slice %get3A_86 {offsets = [11], sizes = [1], strides = [1]} : vector<16xi32> to vector<1xi32>
        %squeeze3A_327 = vector.extract %slice3A_326[0] : i32 from vector<1xi32>
        %add3A_328 = arith.constant 11 : i32
        %add3A_329 = arith.addi %mul3A_84, %add3A_328 : i32
        %get3A_330 = arith.constant 1 : i32
        %get3A_331 = arith.index_cast %get3A_330 : i32 to index
        %get3A_332 = arith.index_cast %add3A_329 : i32 to index
        %get3A_333 = arith.index_cast %squeeze3A_327 : i32 to index
        %get3A_334 = tpu.vector_load %arg8[%get3A_331, %get3A_332, %get3A_333] {strides = array<i32>} : memref<2x128x128xf32, #tpu.memory_space<vmem>>, vector<16xf32>,
        %swap3A_335 = arith.index_cast %add3A_329 : i32 to index
        %swap3A_336 = arith.constant 0 : index
        %swap3A_337 = tpu.vector_load %arg9[%swap3A_335, %swap3A_336] {strides = array<i32>} : memref<128x32xf32, #tpu.memory_space<vmem>>, vector<16xf32>,
        tpu.vector_store %arg9[%swap3A_335, %swap3A_336], %get3A_334 {strides = array<i32>} : memref<128x32xf32, #tpu.memory_space<vmem>>, vector<16xf32>,
        %add3A_338 = arith.constant 16 : i32
        %add3A_339 = arith.addi %squeeze3A_327, %add3A_338 : i32
        %get3A_340 = arith.constant 1 : i32
        %get3A_341 = arith.index_cast %get3A_340 : i32 to index
        %get3A_342 = arith.index_cast %add3A_329 : i32 to index
        %get3A_343 = arith.index_cast %add3A_339 : i32 to index
        %get3A_344 = tpu.vector_load %arg8[%get3A_341, %get3A_342, %get3A_343] {strides = array<i32>} : memref<2x128x128xf32, #tpu.memory_space<vmem>>, vector<16xf32>,
        %swap3A_345 = arith.index_cast %add3A_329 : i32 to index
        %swap3A_346 = arith.constant 16 : index
        %swap3A_347 = tpu.vector_load %arg9[%swap3A_345, %swap3A_346] {strides = array<i32>} : memref<128x32xf32, #tpu.memory_space<vmem>>, vector<16xf32>,
        tpu.vector_store %arg9[%swap3A_345, %swap3A_346], %get3A_344 {strides = array<i32>} : memref<128x32xf32, #tpu.memory_space<vmem>>, vector<16xf32>,
        %slice3A_348 = vector.extract_strided_slice %get3A_86 {offsets = [12], sizes = [1], strides = [1]} : vector<16xi32> to vector<1xi32>
        %squeeze3A_349 = vector.extract %slice3A_348[0] : i32 from vector<1xi32>
        %add3A_350 = arith.constant 12 : i32
        %add3A_351 = arith.addi %mul3A_84, %add3A_350 : i32
        %get3A_352 = arith.constant 1 : i32
        %get3A_353 = arith.index_cast %get3A_352 : i32 to index
        %get3A_354 = arith.index_cast %add3A_351 : i32 to index
        %get3A_355 = arith.index_cast %squeeze3A_349 : i32 to index
        %get3A_356 = tpu.vector_load %arg8[%get3A_353, %get3A_354, %get3A_355] {strides = array<i32>} : memref<2x128x128xf32, #tpu.memory_space<vmem>>, vector<16xf32>,
        %swap3A_357 = arith.index_cast %add3A_351 : i32 to index
        %swap3A_358 = arith.constant 0 : index
        %swap3A_359 = tpu.vector_load %arg9[%swap3A_357, %swap3A_358] {strides = array<i32>} : memref<128x32xf32, #tpu.memory_space<vmem>>, vector<16xf32>,
        tpu.vector_store %arg9[%swap3A_357, %swap3A_358], %get3A_356 {strides = array<i32>} : memref<128x32xf32, #tpu.memory_space<vmem>>, vector<16xf32>,
        %add3A_360 = arith.constant 16 : i32
        %add3A_361 = arith.addi %squeeze3A_349, %add3A_360 : i32
        %get3A_362 = arith.constant 1 : i32
        %get3A_363 = arith.index_cast %get3A_362 : i32 to index
        %get3A_364 = arith.index_cast %add3A_351 : i32 to index
        %get3A_365 = arith.index_cast %add3A_361 : i32 to index
        %get3A_366 = tpu.vector_load %arg8[%get3A_363, %get3A_364, %get3A_365] {strides = array<i32>} : memref<2x128x128xf32, #tpu.memory_space<vmem>>, vector<16xf32>,
        %swap3A_367 = arith.index_cast %add3A_351 : i32 to index
        %swap3A_368 = arith.constant 16 : index
        %swap3A_369 = tpu.vector_load %arg9[%swap3A_367, %swap3A_368] {strides = array<i32>} : memref<128x32xf32, #tpu.memory_space<vmem>>, vector<16xf32>,
        tpu.vector_store %arg9[%swap3A_367, %swap3A_368], %get3A_366 {strides = array<i32>} : memref<128x32xf32, #tpu.memory_space<vmem>>, vector<16xf32>,
        %slice3A_370 = vector.extract_strided_slice %get3A_86 {offsets = [13], sizes = [1], strides = [1]} : vector<16xi32> to vector<1xi32>
        %squeeze3A_371 = vector.extract %slice3A_370[0] : i32 from vector<1xi32>
        %add3A_372 = arith.constant 13 : i32
        %add3A_373 = arith.addi %mul3A_84, %add3A_372 : i32
        %get3A_374 = arith.constant 1 : i32
        %get3A_375 = arith.index_cast %get3A_374 : i32 to index
        %get3A_376 = arith.index_cast %add3A_373 : i32 to index
        %get3A_377 = arith.index_cast %squeeze3A_371 : i32 to index
        %get3A_378 = tpu.vector_load %arg8[%get3A_375, %get3A_376, %get3A_377] {strides = array<i32>} : memref<2x128x128xf32, #tpu.memory_space<vmem>>, vector<16xf32>,
        %swap3A_379 = arith.index_cast %add3A_373 : i32 to index
        %swap3A_380 = arith.constant 0 : index
        %swap3A_381 = tpu.vector_load %arg9[%swap3A_379, %swap3A_380] {strides = array<i32>} : memref<128x32xf32, #tpu.memory_space<vmem>>, vector<16xf32>,
        tpu.vector_store %arg9[%swap3A_379, %swap3A_380], %get3A_378 {strides = array<i32>} : memref<128x32xf32, #tpu.memory_space<vmem>>, vector<16xf32>,
        %add3A_382 = arith.constant 16 : i32
        %add3A_383 = arith.addi %squeeze3A_371, %add3A_382 : i32
        %get3A_384 = arith.constant 1 : i32
        %get3A_385 = arith.index_cast %get3A_384 : i32 to index
        %get3A_386 = arith.index_cast %add3A_373 : i32 to index
        %get3A_387 = arith.index_cast %add3A_383 : i32 to index
        %get3A_388 = tpu.vector_load %arg8[%get3A_385, %get3A_386, %get3A_387] {strides = array<i32>} : memref<2x128x128xf32, #tpu.memory_space<vmem>>, vector<16xf32>,
        %swap3A_389 = arith.index_cast %add3A_373 : i32 to index
        %swap3A_390 = arith.constant 16 : index
        %swap3A_391 = tpu.vector_load %arg9[%swap3A_389, %swap3A_390] {strides = array<i32>} : memref<128x32xf32, #tpu.memory_space<vmem>>, vector<16xf32>,
        tpu.vector_store %arg9[%swap3A_389, %swap3A_390], %get3A_388 {strides = array<i32>} : memref<128x32xf32, #tpu.memory_space<vmem>>, vector<16xf32>,
        %slice3A_392 = vector.extract_strided_slice %get3A_86 {offsets = [14], sizes = [1], strides = [1]} : vector<16xi32> to vector<1xi32>
        %squeeze3A_393 = vector.extract %slice3A_392[0] : i32 from vector<1xi32>
        %add3A_394 = arith.constant 14 : i32
        %add3A_395 = arith.addi %mul3A_84, %add3A_394 : i32
        %get3A_396 = arith.constant 1 : i32
        %get3A_397 = arith.index_cast %get3A_396 : i32 to index
        %get3A_398 = arith.index_cast %add3A_395 : i32 to index
        %get3A_399 = arith.index_cast %squeeze3A_393 : i32 to index
        %get3A_400 = tpu.vector_load %arg8[%get3A_397, %get3A_398, %get3A_399] {strides = array<i32>} : memref<2x128x128xf32, #tpu.memory_space<vmem>>, vector<16xf32>,
        %swap3A_401 = arith.index_cast %add3A_395 : i32 to index
        %swap3A_402 = arith.constant 0 : index
        %swap3A_403 = tpu.vector_load %arg9[%swap3A_401, %swap3A_402] {strides = array<i32>} : memref<128x32xf32, #tpu.memory_space<vmem>>, vector<16xf32>,
        tpu.vector_store %arg9[%swap3A_401, %swap3A_402], %get3A_400 {strides = array<i32>} : memref<128x32xf32, #tpu.memory_space<vmem>>, vector<16xf32>,
        %add3A_404 = arith.constant 16 : i32
        %add3A_405 = arith.addi %squeeze3A_393, %add3A_404 : i32
        %get3A_406 = arith.constant 1 : i32
        %get3A_407 = arith.index_cast %get3A_406 : i32 to index
        %get3A_408 = arith.index_cast %add3A_395 : i32 to index
        %get3A_409 = arith.index_cast %add3A_405 : i32 to index
        %get3A_410 = tpu.vector_load %arg8[%get3A_407, %get3A_408, %get3A_409] {strides = array<i32>} : memref<2x128x128xf32, #tpu.memory_space<vmem>>, vector<16xf32>,
        %swap3A_411 = arith.index_cast %add3A_395 : i32 to index
        %swap3A_412 = arith.constant 16 : index
        %swap3A_413 = tpu.vector_load %arg9[%swap3A_411, %swap3A_412] {strides = array<i32>} : memref<128x32xf32, #tpu.memory_space<vmem>>, vector<16xf32>,
        tpu.vector_store %arg9[%swap3A_411, %swap3A_412], %get3A_410 {strides = array<i32>} : memref<128x32xf32, #tpu.memory_space<vmem>>, vector<16xf32>,
        %slice3A_414 = vector.extract_strided_slice %get3A_86 {offsets = [15], sizes = [1], strides = [1]} : vector<16xi32> to vector<1xi32>
        %squeeze3A_415 = vector.extract %slice3A_414[0] : i32 from vector<1xi32>
        %add3A_416 = arith.constant 15 : i32
        %add3A_417 = arith.addi %mul3A_84, %add3A_416 : i32
        %get3A_418 = arith.constant 1 : i32
        %get3A_419 = arith.index_cast %get3A_418 : i32 to index
        %get3A_420 = arith.index_cast %add3A_417 : i32 to index
        %get3A_421 = arith.index_cast %squeeze3A_415 : i32 to index
        %get3A_422 = tpu.vector_load %arg8[%get3A_419, %get3A_420, %get3A_421] {strides = array<i32>} : memref<2x128x128xf32, #tpu.memory_space<vmem>>, vector<16xf32>,
        %swap3A_423 = arith.index_cast %add3A_417 : i32 to index
        %swap3A_424 = arith.constant 0 : index
        %swap3A_425 = tpu.vector_load %arg9[%swap3A_423, %swap3A_424] {strides = array<i32>} : memref<128x32xf32, #tpu.memory_space<vmem>>, vector<16xf32>,
        tpu.vector_store %arg9[%swap3A_423, %swap3A_424], %get3A_422 {strides = array<i32>} : memref<128x32xf32, #tpu.memory_space<vmem>>, vector<16xf32>,
        %add3A_426 = arith.constant 16 : i32
        %add3A_427 = arith.addi %squeeze3A_415, %add3A_426 : i32
        %get3A_428 = arith.constant 1 : i32
        %get3A_429 = arith.index_cast %get3A_428 : i32 to index
        %get3A_430 = arith.index_cast %add3A_417 : i32 to index
        %get3A_431 = arith.index_cast %add3A_427 : i32 to index
        %get3A_432 = tpu.vector_load %arg8[%get3A_429, %get3A_430, %get3A_431] {strides = array<i32>} : memref<2x128x128xf32, #tpu.memory_space<vmem>>, vector<16xf32>,
        %swap3A_433 = arith.index_cast %add3A_417 : i32 to index
        %swap3A_434 = arith.constant 16 : index
        %swap3A_435 = tpu.vector_load %arg9[%swap3A_433, %swap3A_434] {strides = array<i32>} : memref<128x32xf32, #tpu.memory_space<vmem>>, vector<16xf32>,
        tpu.vector_store %arg9[%swap3A_433, %swap3A_434], %get3A_432 {strides = array<i32>} : memref<128x32xf32, #tpu.memory_space<vmem>>, vector<16xf32>,
      }
      %scan3A_78 = arith.constant 8 : i32
      %mul3A_79 = arith.constant 128 : i32
      %mul3A_80 = arith.muli %add3A_72, %mul3A_79 : i32
      %add3A_81 = arith.addi %mul3A_2, %mul3A_80 : i32
      "tpu.region"() ({
        %run_scoped3A = tpu.sem_alloc : memref<!tpu.dma_semaphore, #tpu.memory_space<semaphore_mem>>
        %dma_start3A_82 = arith.constant 0 : i32
        %dma_start3A_83 = tpu.memref_slice %arg5[%add3A_81, %dma_start3A_82] : memref<204800x32xf32, #tpu.memory_space<hbm>> -> memref<128x32xf32, #tpu.memory_space<hbm>>
        %dma_start3A_84 = arith.constant 0 : i32
        %dma_start3A_85 = tpu.memref_slice %arg5[%add3A_81, %dma_start3A_84] : memref<204800x32xf32, #tpu.memory_space<hbm>> -> memref<128x32xf32, #tpu.memory_space<hbm>>
        tpu.enqueue_dma source(%arg9 : memref<128x32xf32, #tpu.memory_space<vmem>>) target(%dma_start3A_85 : memref<128x32xf32, #tpu.memory_space<hbm>>) target_semaphore(%run_scoped3A : memref<!tpu.dma_semaphore, #tpu.memory_space<semaphore_mem>>)
        %dma_wait3A_86 = arith.constant 0 : i32
        %dma_wait3A_87 = tpu.memref_slice %arg5[%add3A_81, %dma_wait3A_86] : memref<204800x32xf32, #tpu.memory_space<hbm>> -> memref<128x32xf32, #tpu.memory_space<hbm>>
        %dma_wait3A_88 = arith.constant 0 : i32
        %dma_wait3A_89 = tpu.memref_slice %arg5[%add3A_81, %dma_wait3A_88] : memref<204800x32xf32, #tpu.memory_space<hbm>> -> memref<128x32xf32, #tpu.memory_space<hbm>>
        tpu.wait_dma2 semaphore(%run_scoped3A : memref<!tpu.dma_semaphore, #tpu.memory_space<semaphore_mem>>) src(%arg9 : memref<128x32xf32, #tpu.memory_space<vmem>>) dst(%dma_wait3A_89 : memref<128x32xf32, #tpu.memory_space<hbm>>)
        tpu.yield
      }) : () -> ()
    }
    %scan3A_18 = arith.constant 25 : i32
    return
  }
}

module attributes {stable_mosaic.version = 14 : i64} {
  func.func @rp_kernel(%arg0: i32, %arg1: memref<32x8192xf32, #tpu.memory_space<vmem>>, %arg2: memref<32x8192xf32, #tpu.memory_space<vmem>>, %arg3: memref<32x8192xf32, #tpu.memory_space<vmem>>, %arg4: memref<32x8192xf32, #tpu.memory_space<vmem>>, %arg5: memref<8192x128xf32, #tpu.memory_space<vmem>>) attributes {dimension_semantics = [#tpu.dimension_semantics<arbitrary>], iteration_bounds = array<i64: 32>, scalar_prefetch = 0 : i64, scratch_operands = 0 : i64, tpu.core_type = #tpu.core_type<tc>, window_params = [{transform_indices = @transform_0, window_bounds = array<i64: 32, 8192>}, {transform_indices = @transform_1, window_bounds = array<i64: 32, 8192>}, {transform_indices = @transform_2, window_bounds = array<i64: 32, 8192>}, {transform_indices = @transform_3, window_bounds = array<i64: 32, 8192>}, {transform_indices = @transform_4, window_bounds = array<i64: 8192, 128>}]} {
    %get3A = arith.constant 0 : index
    %get3A_0 = arith.constant 0 : index
    %get3A_1 = vector.load %arg1[%get3A, %get3A_0] : memref<32x8192xf32, #tpu.memory_space<vmem>>, vector<32x8192xf32>
    %convert_element_type3A = arith.truncf %get3A_1 : vector<32x8192xf32> to vector<32x8192xbf16>
    %transpose3A = tpu.transpose %convert_element_type3A, [1, 0] : vector<32x8192xbf16> -> vector<8192x32xbf16>
    %convert_element_type3A_2 = arith.extf %transpose3A : vector<8192x32xbf16> to vector<8192x32xf32>
    %get3A_3 = arith.constant 0 : index
    %get3A_4 = arith.constant 0 : index
    %get3A_5 = vector.load %arg2[%get3A_3, %get3A_4] : memref<32x8192xf32, #tpu.memory_space<vmem>>, vector<32x8192xf32>
    %convert_element_type3A_6 = arith.truncf %get3A_5 : vector<32x8192xf32> to vector<32x8192xbf16>
    %transpose3A_7 = tpu.transpose %convert_element_type3A_6, [1, 0] : vector<32x8192xbf16> -> vector<8192x32xbf16>
    %convert_element_type3A_8 = arith.extf %transpose3A_7 : vector<8192x32xbf16> to vector<8192x32xf32>
    %get3A_9 = arith.constant 0 : index
    %get3A_10 = arith.constant 0 : index
    %get3A_11 = vector.load %arg3[%get3A_9, %get3A_10] : memref<32x8192xf32, #tpu.memory_space<vmem>>, vector<32x8192xf32>
    %convert_element_type3A_12 = arith.truncf %get3A_11 : vector<32x8192xf32> to vector<32x8192xbf16>
    %transpose3A_13 = tpu.transpose %convert_element_type3A_12, [1, 0] : vector<32x8192xbf16> -> vector<8192x32xbf16>
    %convert_element_type3A_14 = arith.extf %transpose3A_13 : vector<8192x32xbf16> to vector<8192x32xf32>
    %get3A_15 = arith.constant 0 : index
    %get3A_16 = arith.constant 0 : index
    %get3A_17 = vector.load %arg4[%get3A_15, %get3A_16] : memref<32x8192xf32, #tpu.memory_space<vmem>>, vector<32x8192xf32>
    %convert_element_type3A_18 = arith.truncf %get3A_17 : vector<32x8192xf32> to vector<32x8192xbf16>
    %transpose3A_19 = tpu.transpose %convert_element_type3A_18, [1, 0] : vector<32x8192xbf16> -> vector<8192x32xbf16>
    %convert_element_type3A_20 = arith.extf %transpose3A_19 : vector<8192x32xbf16> to vector<8192x32xf32>
    %concatenate3A = tpu.concatenate %convert_element_type3A_2, %convert_element_type3A_8, %convert_element_type3A_14, %convert_element_type3A_20 in 1 : vector<8192x32xf32>, vector<8192x32xf32>, vector<8192x32xf32>, vector<8192x32xf32> -> vector<8192x128xf32>
    %swap3A = arith.constant 0 : index
    %swap3A_21 = arith.constant 0 : index
    %swap3A_22 = vector.load %arg5[%swap3A, %swap3A_21] : memref<8192x128xf32, #tpu.memory_space<vmem>>, vector<8192x128xf32>
    tpu.vector_store %arg5[%swap3A, %swap3A_21], %concatenate3A {strides = array<i32>} : memref<8192x128xf32, #tpu.memory_space<vmem>>, vector<8192x128xf32>,
    return
  }
  func.func @transform_0(%arg0: i32) -> (i32, i32) {
    %add3A = arith.constant 0 : i32
    %add3A_0 = arith.addi %arg0, %add3A : i32
    %min3A = arith.constant 122 : i32
    %min3A_1 = arith.minsi %add3A_0, %min3A : i32
    %c0_i32 = arith.constant 0 : i32
    %c0_i32_2 = arith.constant 0 : i32
    return %c0_i32, %min3A_1 : i32, i32
  }
  func.func @transform_1(%arg0: i32) -> (i32, i32) {
    %add3A = arith.constant 32 : i32
    %add3A_0 = arith.addi %arg0, %add3A : i32
    %min3A = arith.constant 122 : i32
    %min3A_1 = arith.minsi %add3A_0, %min3A : i32
    %c0_i32 = arith.constant 0 : i32
    %c0_i32_2 = arith.constant 0 : i32
    return %c0_i32, %min3A_1 : i32, i32
  }
  func.func @transform_2(%arg0: i32) -> (i32, i32) {
    %add3A = arith.constant 64 : i32
    %add3A_0 = arith.addi %arg0, %add3A : i32
    %min3A = arith.constant 122 : i32
    %min3A_1 = arith.minsi %add3A_0, %min3A : i32
    %c0_i32 = arith.constant 0 : i32
    %c0_i32_2 = arith.constant 0 : i32
    return %c0_i32, %min3A_1 : i32, i32
  }
  func.func @transform_3(%arg0: i32) -> (i32, i32) {
    %add3A = arith.constant 96 : i32
    %add3A_0 = arith.addi %arg0, %add3A : i32
    %min3A = arith.constant 122 : i32
    %min3A_1 = arith.minsi %add3A_0, %min3A : i32
    %c0_i32 = arith.constant 0 : i32
    %c0_i32_2 = arith.constant 0 : i32
    return %c0_i32, %min3A_1 : i32, i32
  }
  func.func @transform_4(%arg0: i32) -> (i32, i32) {
    %c0_i32 = arith.constant 0 : i32
    %c0_i32_0 = arith.constant 0 : i32
    return %arg0, %c0_i32 : i32, i32
  }
}

module attributes {stable_mosaic.version = 14 : i64} {
  func.func @mm_kernel(%arg0: i32, %arg1: memref<50x512x32xf32, #tpu.memory_space<vmem>>, %arg2: memref<50x32x32xf32, #tpu.memory_space<vmem>>, %arg3: memref<1x32xf32, #tpu.memory_space<vmem>>, %arg4: memref<512x32xf32, #tpu.memory_space<vmem>>) attributes {dimension_semantics = [#tpu.dimension_semantics<arbitrary>], iteration_bounds = array<i64: 8>, scalar_prefetch = 0 : i64, scratch_operands = 0 : i64, tpu.core_type = #tpu.core_type<tc>, window_params = [{transform_indices = @transform_0, window_bounds = array<i64: 50, 512, 32>}, {pipeline_mode = #tpu.pipeline_mode<synchronous>, transform_indices = @transform_1, window_bounds = array<i64: 50, 32, 32>}, {pipeline_mode = #tpu.pipeline_mode<synchronous>, transform_indices = @transform_2, window_bounds = array<i64: 1, 32>}, {transform_indices = @transform_3, window_bounds = array<i64: 512, 32>}]} {
    %get3A = arith.constant 0 : index
    %get3A_0 = arith.constant 0 : index
    %get3A_1 = vector.load %arg3[%get3A, %get3A_0] : memref<1x32xf32, #tpu.memory_space<vmem>>, vector<1x32xf32>
    %broadcast_in_dim3A = vector.shape_cast %get3A_1 : vector<1x32xf32> to vector<1x32xf32>
    %broadcast_in_dim3A_2 = vector.broadcast %broadcast_in_dim3A : vector<1x32xf32> to vector<512x32xf32>
    %get3A_3 = arith.constant 0 : index
    %get3A_4 = arith.constant 0 : index
    %get3A_5 = arith.constant 0 : index
    %get3A_6 = vector.load %arg1[%get3A_3, %get3A_4, %get3A_5] : memref<50x512x32xf32, #tpu.memory_space<vmem>>, vector<1x512x32xf32>
    %get3A_7 = vector.shape_cast %get3A_6 : vector<1x512x32xf32> to vector<512x32xf32>
    %get3A_8 = arith.constant 0 : index
    %get3A_9 = arith.constant 0 : index
    %get3A_10 = arith.constant 0 : index
    %get3A_11 = vector.load %arg2[%get3A_8, %get3A_9, %get3A_10] : memref<50x32x32xf32, #tpu.memory_space<vmem>>, vector<1x32x32xf32>
    %get3A_12 = vector.shape_cast %get3A_11 : vector<1x32x32xf32> to vector<32x32xf32>
    %dot_general3A = arith.constant dense<0.000000e+00> : vector<512x32xf32>
    %dot_general3A_13 = tpu.matmul %get3A_7, %get3A_12, %dot_general3A {dimension_numbers = #tpu.dot_dimension_numbers<[1], [1], [0], [0], [0, 0, 1, 0], [], []>, transpose_lhs_hint = false} : vector<512x32xf32>, vector<32x32xf32>, vector<512x32xf32> -> vector<512x32xf32>
    %add3A = arith.addf %broadcast_in_dim3A_2, %dot_general3A_13 : vector<512x32xf32>
    %get3A_14 = arith.constant 1 : index
    %get3A_15 = arith.constant 0 : index
    %get3A_16 = arith.constant 0 : index
    %get3A_17 = vector.load %arg1[%get3A_14, %get3A_15, %get3A_16] : memref<50x512x32xf32, #tpu.memory_space<vmem>>, vector<1x512x32xf32>
    %get3A_18 = vector.shape_cast %get3A_17 : vector<1x512x32xf32> to vector<512x32xf32>
    %get3A_19 = arith.constant 1 : index
    %get3A_20 = arith.constant 0 : index
    %get3A_21 = arith.constant 0 : index
    %get3A_22 = vector.load %arg2[%get3A_19, %get3A_20, %get3A_21] : memref<50x32x32xf32, #tpu.memory_space<vmem>>, vector<1x32x32xf32>
    %get3A_23 = vector.shape_cast %get3A_22 : vector<1x32x32xf32> to vector<32x32xf32>
    %dot_general3A_24 = arith.constant dense<0.000000e+00> : vector<512x32xf32>
    %dot_general3A_25 = tpu.matmul %get3A_18, %get3A_23, %dot_general3A_24 {dimension_numbers = #tpu.dot_dimension_numbers<[1], [1], [0], [0], [0, 0, 1, 0], [], []>, transpose_lhs_hint = false} : vector<512x32xf32>, vector<32x32xf32>, vector<512x32xf32> -> vector<512x32xf32>
    %add3A_26 = arith.addf %add3A, %dot_general3A_25 : vector<512x32xf32>
    %get3A_27 = arith.constant 2 : index
    %get3A_28 = arith.constant 0 : index
    %get3A_29 = arith.constant 0 : index
    %get3A_30 = vector.load %arg1[%get3A_27, %get3A_28, %get3A_29] : memref<50x512x32xf32, #tpu.memory_space<vmem>>, vector<1x512x32xf32>
    %get3A_31 = vector.shape_cast %get3A_30 : vector<1x512x32xf32> to vector<512x32xf32>
    %get3A_32 = arith.constant 2 : index
    %get3A_33 = arith.constant 0 : index
    %get3A_34 = arith.constant 0 : index
    %get3A_35 = vector.load %arg2[%get3A_32, %get3A_33, %get3A_34] : memref<50x32x32xf32, #tpu.memory_space<vmem>>, vector<1x32x32xf32>
    %get3A_36 = vector.shape_cast %get3A_35 : vector<1x32x32xf32> to vector<32x32xf32>
    %dot_general3A_37 = arith.constant dense<0.000000e+00> : vector<512x32xf32>
    %dot_general3A_38 = tpu.matmul %get3A_31, %get3A_36, %dot_general3A_37 {dimension_numbers = #tpu.dot_dimension_numbers<[1], [1], [0], [0], [0, 0, 1, 0], [], []>, transpose_lhs_hint = false} : vector<512x32xf32>, vector<32x32xf32>, vector<512x32xf32> -> vector<512x32xf32>
    %add3A_39 = arith.addf %add3A_26, %dot_general3A_38 : vector<512x32xf32>
    %get3A_40 = arith.constant 3 : index
    %get3A_41 = arith.constant 0 : index
    %get3A_42 = arith.constant 0 : index
    %get3A_43 = vector.load %arg1[%get3A_40, %get3A_41, %get3A_42] : memref<50x512x32xf32, #tpu.memory_space<vmem>>, vector<1x512x32xf32>
    %get3A_44 = vector.shape_cast %get3A_43 : vector<1x512x32xf32> to vector<512x32xf32>
    %get3A_45 = arith.constant 3 : index
    %get3A_46 = arith.constant 0 : index
    %get3A_47 = arith.constant 0 : index
    %get3A_48 = vector.load %arg2[%get3A_45, %get3A_46, %get3A_47] : memref<50x32x32xf32, #tpu.memory_space<vmem>>, vector<1x32x32xf32>
    %get3A_49 = vector.shape_cast %get3A_48 : vector<1x32x32xf32> to vector<32x32xf32>
    %dot_general3A_50 = arith.constant dense<0.000000e+00> : vector<512x32xf32>
    %dot_general3A_51 = tpu.matmul %get3A_44, %get3A_49, %dot_general3A_50 {dimension_numbers = #tpu.dot_dimension_numbers<[1], [1], [0], [0], [0, 0, 1, 0], [], []>, transpose_lhs_hint = false} : vector<512x32xf32>, vector<32x32xf32>, vector<512x32xf32> -> vector<512x32xf32>
    %add3A_52 = arith.addf %add3A_39, %dot_general3A_51 : vector<512x32xf32>
    %get3A_53 = arith.constant 4 : index
    %get3A_54 = arith.constant 0 : index
    %get3A_55 = arith.constant 0 : index
    %get3A_56 = vector.load %arg1[%get3A_53, %get3A_54, %get3A_55] : memref<50x512x32xf32, #tpu.memory_space<vmem>>, vector<1x512x32xf32>
    %get3A_57 = vector.shape_cast %get3A_56 : vector<1x512x32xf32> to vector<512x32xf32>
    %get3A_58 = arith.constant 4 : index
    %get3A_59 = arith.constant 0 : index
    %get3A_60 = arith.constant 0 : index
    %get3A_61 = vector.load %arg2[%get3A_58, %get3A_59, %get3A_60] : memref<50x32x32xf32, #tpu.memory_space<vmem>>, vector<1x32x32xf32>
    %get3A_62 = vector.shape_cast %get3A_61 : vector<1x32x32xf32> to vector<32x32xf32>
    %dot_general3A_63 = arith.constant dense<0.000000e+00> : vector<512x32xf32>
    %dot_general3A_64 = tpu.matmul %get3A_57, %get3A_62, %dot_general3A_63 {dimension_numbers = #tpu.dot_dimension_numbers<[1], [1], [0], [0], [0, 0, 1, 0], [], []>, transpose_lhs_hint = false} : vector<512x32xf32>, vector<32x32xf32>, vector<512x32xf32> -> vector<512x32xf32>
    %add3A_65 = arith.addf %add3A_52, %dot_general3A_64 : vector<512x32xf32>
    %get3A_66 = arith.constant 5 : index
    %get3A_67 = arith.constant 0 : index
    %get3A_68 = arith.constant 0 : index
    %get3A_69 = vector.load %arg1[%get3A_66, %get3A_67, %get3A_68] : memref<50x512x32xf32, #tpu.memory_space<vmem>>, vector<1x512x32xf32>
    %get3A_70 = vector.shape_cast %get3A_69 : vector<1x512x32xf32> to vector<512x32xf32>
    %get3A_71 = arith.constant 5 : index
    %get3A_72 = arith.constant 0 : index
    %get3A_73 = arith.constant 0 : index
    %get3A_74 = vector.load %arg2[%get3A_71, %get3A_72, %get3A_73] : memref<50x32x32xf32, #tpu.memory_space<vmem>>, vector<1x32x32xf32>
    %get3A_75 = vector.shape_cast %get3A_74 : vector<1x32x32xf32> to vector<32x32xf32>
    %dot_general3A_76 = arith.constant dense<0.000000e+00> : vector<512x32xf32>
    %dot_general3A_77 = tpu.matmul %get3A_70, %get3A_75, %dot_general3A_76 {dimension_numbers = #tpu.dot_dimension_numbers<[1], [1], [0], [0], [0, 0, 1, 0], [], []>, transpose_lhs_hint = false} : vector<512x32xf32>, vector<32x32xf32>, vector<512x32xf32> -> vector<512x32xf32>
    %add3A_78 = arith.addf %add3A_65, %dot_general3A_77 : vector<512x32xf32>
    %get3A_79 = arith.constant 6 : index
    %get3A_80 = arith.constant 0 : index
    %get3A_81 = arith.constant 0 : index
    %get3A_82 = vector.load %arg1[%get3A_79, %get3A_80, %get3A_81] : memref<50x512x32xf32, #tpu.memory_space<vmem>>, vector<1x512x32xf32>
    %get3A_83 = vector.shape_cast %get3A_82 : vector<1x512x32xf32> to vector<512x32xf32>
    %get3A_84 = arith.constant 6 : index
    %get3A_85 = arith.constant 0 : index
    %get3A_86 = arith.constant 0 : index
    %get3A_87 = vector.load %arg2[%get3A_84, %get3A_85, %get3A_86] : memref<50x32x32xf32, #tpu.memory_space<vmem>>, vector<1x32x32xf32>
    %get3A_88 = vector.shape_cast %get3A_87 : vector<1x32x32xf32> to vector<32x32xf32>
    %dot_general3A_89 = arith.constant dense<0.000000e+00> : vector<512x32xf32>
    %dot_general3A_90 = tpu.matmul %get3A_83, %get3A_88, %dot_general3A_89 {dimension_numbers = #tpu.dot_dimension_numbers<[1], [1], [0], [0], [0, 0, 1, 0], [], []>, transpose_lhs_hint = false} : vector<512x32xf32>, vector<32x32xf32>, vector<512x32xf32> -> vector<512x32xf32>
    %add3A_91 = arith.addf %add3A_78, %dot_general3A_90 : vector<512x32xf32>
    %get3A_92 = arith.constant 7 : index
    %get3A_93 = arith.constant 0 : index
    %get3A_94 = arith.constant 0 : index
    %get3A_95 = vector.load %arg1[%get3A_92, %get3A_93, %get3A_94] : memref<50x512x32xf32, #tpu.memory_space<vmem>>, vector<1x512x32xf32>
    %get3A_96 = vector.shape_cast %get3A_95 : vector<1x512x32xf32> to vector<512x32xf32>
    %get3A_97 = arith.constant 7 : index
    %get3A_98 = arith.constant 0 : index
    %get3A_99 = arith.constant 0 : index
    %get3A_100 = vector.load %arg2[%get3A_97, %get3A_98, %get3A_99] : memref<50x32x32xf32, #tpu.memory_space<vmem>>, vector<1x32x32xf32>
    %get3A_101 = vector.shape_cast %get3A_100 : vector<1x32x32xf32> to vector<32x32xf32>
    %dot_general3A_102 = arith.constant dense<0.000000e+00> : vector<512x32xf32>
    %dot_general3A_103 = tpu.matmul %get3A_96, %get3A_101, %dot_general3A_102 {dimension_numbers = #tpu.dot_dimension_numbers<[1], [1], [0], [0], [0, 0, 1, 0], [], []>, transpose_lhs_hint = false} : vector<512x32xf32>, vector<32x32xf32>, vector<512x32xf32> -> vector<512x32xf32>
    %add3A_104 = arith.addf %add3A_91, %dot_general3A_103 : vector<512x32xf32>
    %get3A_105 = arith.constant 8 : index
    %get3A_106 = arith.constant 0 : index
    %get3A_107 = arith.constant 0 : index
    %get3A_108 = vector.load %arg1[%get3A_105, %get3A_106, %get3A_107] : memref<50x512x32xf32, #tpu.memory_space<vmem>>, vector<1x512x32xf32>
    %get3A_109 = vector.shape_cast %get3A_108 : vector<1x512x32xf32> to vector<512x32xf32>
    %get3A_110 = arith.constant 8 : index
    %get3A_111 = arith.constant 0 : index
    %get3A_112 = arith.constant 0 : index
    %get3A_113 = vector.load %arg2[%get3A_110, %get3A_111, %get3A_112] : memref<50x32x32xf32, #tpu.memory_space<vmem>>, vector<1x32x32xf32>
    %get3A_114 = vector.shape_cast %get3A_113 : vector<1x32x32xf32> to vector<32x32xf32>
    %dot_general3A_115 = arith.constant dense<0.000000e+00> : vector<512x32xf32>
    %dot_general3A_116 = tpu.matmul %get3A_109, %get3A_114, %dot_general3A_115 {dimension_numbers = #tpu.dot_dimension_numbers<[1], [1], [0], [0], [0, 0, 1, 0], [], []>, transpose_lhs_hint = false} : vector<512x32xf32>, vector<32x32xf32>, vector<512x32xf32> -> vector<512x32xf32>
    %add3A_117 = arith.addf %add3A_104, %dot_general3A_116 : vector<512x32xf32>
    %get3A_118 = arith.constant 9 : index
    %get3A_119 = arith.constant 0 : index
    %get3A_120 = arith.constant 0 : index
    %get3A_121 = vector.load %arg1[%get3A_118, %get3A_119, %get3A_120] : memref<50x512x32xf32, #tpu.memory_space<vmem>>, vector<1x512x32xf32>
    %get3A_122 = vector.shape_cast %get3A_121 : vector<1x512x32xf32> to vector<512x32xf32>
    %get3A_123 = arith.constant 9 : index
    %get3A_124 = arith.constant 0 : index
    %get3A_125 = arith.constant 0 : index
    %get3A_126 = vector.load %arg2[%get3A_123, %get3A_124, %get3A_125] : memref<50x32x32xf32, #tpu.memory_space<vmem>>, vector<1x32x32xf32>
    %get3A_127 = vector.shape_cast %get3A_126 : vector<1x32x32xf32> to vector<32x32xf32>
    %dot_general3A_128 = arith.constant dense<0.000000e+00> : vector<512x32xf32>
    %dot_general3A_129 = tpu.matmul %get3A_122, %get3A_127, %dot_general3A_128 {dimension_numbers = #tpu.dot_dimension_numbers<[1], [1], [0], [0], [0, 0, 1, 0], [], []>, transpose_lhs_hint = false} : vector<512x32xf32>, vector<32x32xf32>, vector<512x32xf32> -> vector<512x32xf32>
    %add3A_130 = arith.addf %add3A_117, %dot_general3A_129 : vector<512x32xf32>
    %get3A_131 = arith.constant 10 : index
    %get3A_132 = arith.constant 0 : index
    %get3A_133 = arith.constant 0 : index
    %get3A_134 = vector.load %arg1[%get3A_131, %get3A_132, %get3A_133] : memref<50x512x32xf32, #tpu.memory_space<vmem>>, vector<1x512x32xf32>
    %get3A_135 = vector.shape_cast %get3A_134 : vector<1x512x32xf32> to vector<512x32xf32>
    %get3A_136 = arith.constant 10 : index
    %get3A_137 = arith.constant 0 : index
    %get3A_138 = arith.constant 0 : index
    %get3A_139 = vector.load %arg2[%get3A_136, %get3A_137, %get3A_138] : memref<50x32x32xf32, #tpu.memory_space<vmem>>, vector<1x32x32xf32>
    %get3A_140 = vector.shape_cast %get3A_139 : vector<1x32x32xf32> to vector<32x32xf32>
    %dot_general3A_141 = arith.constant dense<0.000000e+00> : vector<512x32xf32>
    %dot_general3A_142 = tpu.matmul %get3A_135, %get3A_140, %dot_general3A_141 {dimension_numbers = #tpu.dot_dimension_numbers<[1], [1], [0], [0], [0, 0, 1, 0], [], []>, transpose_lhs_hint = false} : vector<512x32xf32>, vector<32x32xf32>, vector<512x32xf32> -> vector<512x32xf32>
    %add3A_143 = arith.addf %add3A_130, %dot_general3A_142 : vector<512x32xf32>
    %get3A_144 = arith.constant 11 : index
    %get3A_145 = arith.constant 0 : index
    %get3A_146 = arith.constant 0 : index
    %get3A_147 = vector.load %arg1[%get3A_144, %get3A_145, %get3A_146] : memref<50x512x32xf32, #tpu.memory_space<vmem>>, vector<1x512x32xf32>
    %get3A_148 = vector.shape_cast %get3A_147 : vector<1x512x32xf32> to vector<512x32xf32>
    %get3A_149 = arith.constant 11 : index
    %get3A_150 = arith.constant 0 : index
    %get3A_151 = arith.constant 0 : index
    %get3A_152 = vector.load %arg2[%get3A_149, %get3A_150, %get3A_151] : memref<50x32x32xf32, #tpu.memory_space<vmem>>, vector<1x32x32xf32>
    %get3A_153 = vector.shape_cast %get3A_152 : vector<1x32x32xf32> to vector<32x32xf32>
    %dot_general3A_154 = arith.constant dense<0.000000e+00> : vector<512x32xf32>
    %dot_general3A_155 = tpu.matmul %get3A_148, %get3A_153, %dot_general3A_154 {dimension_numbers = #tpu.dot_dimension_numbers<[1], [1], [0], [0], [0, 0, 1, 0], [], []>, transpose_lhs_hint = false} : vector<512x32xf32>, vector<32x32xf32>, vector<512x32xf32> -> vector<512x32xf32>
    %add3A_156 = arith.addf %add3A_143, %dot_general3A_155 : vector<512x32xf32>
    %get3A_157 = arith.constant 12 : index
    %get3A_158 = arith.constant 0 : index
    %get3A_159 = arith.constant 0 : index
    %get3A_160 = vector.load %arg1[%get3A_157, %get3A_158, %get3A_159] : memref<50x512x32xf32, #tpu.memory_space<vmem>>, vector<1x512x32xf32>
    %get3A_161 = vector.shape_cast %get3A_160 : vector<1x512x32xf32> to vector<512x32xf32>
    %get3A_162 = arith.constant 12 : index
    %get3A_163 = arith.constant 0 : index
    %get3A_164 = arith.constant 0 : index
    %get3A_165 = vector.load %arg2[%get3A_162, %get3A_163, %get3A_164] : memref<50x32x32xf32, #tpu.memory_space<vmem>>, vector<1x32x32xf32>
    %get3A_166 = vector.shape_cast %get3A_165 : vector<1x32x32xf32> to vector<32x32xf32>
    %dot_general3A_167 = arith.constant dense<0.000000e+00> : vector<512x32xf32>
    %dot_general3A_168 = tpu.matmul %get3A_161, %get3A_166, %dot_general3A_167 {dimension_numbers = #tpu.dot_dimension_numbers<[1], [1], [0], [0], [0, 0, 1, 0], [], []>, transpose_lhs_hint = false} : vector<512x32xf32>, vector<32x32xf32>, vector<512x32xf32> -> vector<512x32xf32>
    %add3A_169 = arith.addf %add3A_156, %dot_general3A_168 : vector<512x32xf32>
    %get3A_170 = arith.constant 13 : index
    %get3A_171 = arith.constant 0 : index
    %get3A_172 = arith.constant 0 : index
    %get3A_173 = vector.load %arg1[%get3A_170, %get3A_171, %get3A_172] : memref<50x512x32xf32, #tpu.memory_space<vmem>>, vector<1x512x32xf32>
    %get3A_174 = vector.shape_cast %get3A_173 : vector<1x512x32xf32> to vector<512x32xf32>
    %get3A_175 = arith.constant 13 : index
    %get3A_176 = arith.constant 0 : index
    %get3A_177 = arith.constant 0 : index
    %get3A_178 = vector.load %arg2[%get3A_175, %get3A_176, %get3A_177] : memref<50x32x32xf32, #tpu.memory_space<vmem>>, vector<1x32x32xf32>
    %get3A_179 = vector.shape_cast %get3A_178 : vector<1x32x32xf32> to vector<32x32xf32>
    %dot_general3A_180 = arith.constant dense<0.000000e+00> : vector<512x32xf32>
    %dot_general3A_181 = tpu.matmul %get3A_174, %get3A_179, %dot_general3A_180 {dimension_numbers = #tpu.dot_dimension_numbers<[1], [1], [0], [0], [0, 0, 1, 0], [], []>, transpose_lhs_hint = false} : vector<512x32xf32>, vector<32x32xf32>, vector<512x32xf32> -> vector<512x32xf32>
    %add3A_182 = arith.addf %add3A_169, %dot_general3A_181 : vector<512x32xf32>
    %get3A_183 = arith.constant 14 : index
    %get3A_184 = arith.constant 0 : index
    %get3A_185 = arith.constant 0 : index
    %get3A_186 = vector.load %arg1[%get3A_183, %get3A_184, %get3A_185] : memref<50x512x32xf32, #tpu.memory_space<vmem>>, vector<1x512x32xf32>
    %get3A_187 = vector.shape_cast %get3A_186 : vector<1x512x32xf32> to vector<512x32xf32>
    %get3A_188 = arith.constant 14 : index
    %get3A_189 = arith.constant 0 : index
    %get3A_190 = arith.constant 0 : index
    %get3A_191 = vector.load %arg2[%get3A_188, %get3A_189, %get3A_190] : memref<50x32x32xf32, #tpu.memory_space<vmem>>, vector<1x32x32xf32>
    %get3A_192 = vector.shape_cast %get3A_191 : vector<1x32x32xf32> to vector<32x32xf32>
    %dot_general3A_193 = arith.constant dense<0.000000e+00> : vector<512x32xf32>
    %dot_general3A_194 = tpu.matmul %get3A_187, %get3A_192, %dot_general3A_193 {dimension_numbers = #tpu.dot_dimension_numbers<[1], [1], [0], [0], [0, 0, 1, 0], [], []>, transpose_lhs_hint = false} : vector<512x32xf32>, vector<32x32xf32>, vector<512x32xf32> -> vector<512x32xf32>
    %add3A_195 = arith.addf %add3A_182, %dot_general3A_194 : vector<512x32xf32>
    %get3A_196 = arith.constant 15 : index
    %get3A_197 = arith.constant 0 : index
    %get3A_198 = arith.constant 0 : index
    %get3A_199 = vector.load %arg1[%get3A_196, %get3A_197, %get3A_198] : memref<50x512x32xf32, #tpu.memory_space<vmem>>, vector<1x512x32xf32>
    %get3A_200 = vector.shape_cast %get3A_199 : vector<1x512x32xf32> to vector<512x32xf32>
    %get3A_201 = arith.constant 15 : index
    %get3A_202 = arith.constant 0 : index
    %get3A_203 = arith.constant 0 : index
    %get3A_204 = vector.load %arg2[%get3A_201, %get3A_202, %get3A_203] : memref<50x32x32xf32, #tpu.memory_space<vmem>>, vector<1x32x32xf32>
    %get3A_205 = vector.shape_cast %get3A_204 : vector<1x32x32xf32> to vector<32x32xf32>
    %dot_general3A_206 = arith.constant dense<0.000000e+00> : vector<512x32xf32>
    %dot_general3A_207 = tpu.matmul %get3A_200, %get3A_205, %dot_general3A_206 {dimension_numbers = #tpu.dot_dimension_numbers<[1], [1], [0], [0], [0, 0, 1, 0], [], []>, transpose_lhs_hint = false} : vector<512x32xf32>, vector<32x32xf32>, vector<512x32xf32> -> vector<512x32xf32>
    %add3A_208 = arith.addf %add3A_195, %dot_general3A_207 : vector<512x32xf32>
    %get3A_209 = arith.constant 16 : index
    %get3A_210 = arith.constant 0 : index
    %get3A_211 = arith.constant 0 : index
    %get3A_212 = vector.load %arg1[%get3A_209, %get3A_210, %get3A_211] : memref<50x512x32xf32, #tpu.memory_space<vmem>>, vector<1x512x32xf32>
    %get3A_213 = vector.shape_cast %get3A_212 : vector<1x512x32xf32> to vector<512x32xf32>
    %get3A_214 = arith.constant 16 : index
    %get3A_215 = arith.constant 0 : index
    %get3A_216 = arith.constant 0 : index
    %get3A_217 = vector.load %arg2[%get3A_214, %get3A_215, %get3A_216] : memref<50x32x32xf32, #tpu.memory_space<vmem>>, vector<1x32x32xf32>
    %get3A_218 = vector.shape_cast %get3A_217 : vector<1x32x32xf32> to vector<32x32xf32>
    %dot_general3A_219 = arith.constant dense<0.000000e+00> : vector<512x32xf32>
    %dot_general3A_220 = tpu.matmul %get3A_213, %get3A_218, %dot_general3A_219 {dimension_numbers = #tpu.dot_dimension_numbers<[1], [1], [0], [0], [0, 0, 1, 0], [], []>, transpose_lhs_hint = false} : vector<512x32xf32>, vector<32x32xf32>, vector<512x32xf32> -> vector<512x32xf32>
    %add3A_221 = arith.addf %add3A_208, %dot_general3A_220 : vector<512x32xf32>
    %get3A_222 = arith.constant 17 : index
    %get3A_223 = arith.constant 0 : index
    %get3A_224 = arith.constant 0 : index
    %get3A_225 = vector.load %arg1[%get3A_222, %get3A_223, %get3A_224] : memref<50x512x32xf32, #tpu.memory_space<vmem>>, vector<1x512x32xf32>
    %get3A_226 = vector.shape_cast %get3A_225 : vector<1x512x32xf32> to vector<512x32xf32>
    %get3A_227 = arith.constant 17 : index
    %get3A_228 = arith.constant 0 : index
    %get3A_229 = arith.constant 0 : index
    %get3A_230 = vector.load %arg2[%get3A_227, %get3A_228, %get3A_229] : memref<50x32x32xf32, #tpu.memory_space<vmem>>, vector<1x32x32xf32>
    %get3A_231 = vector.shape_cast %get3A_230 : vector<1x32x32xf32> to vector<32x32xf32>
    %dot_general3A_232 = arith.constant dense<0.000000e+00> : vector<512x32xf32>
    %dot_general3A_233 = tpu.matmul %get3A_226, %get3A_231, %dot_general3A_232 {dimension_numbers = #tpu.dot_dimension_numbers<[1], [1], [0], [0], [0, 0, 1, 0], [], []>, transpose_lhs_hint = false} : vector<512x32xf32>, vector<32x32xf32>, vector<512x32xf32> -> vector<512x32xf32>
    %add3A_234 = arith.addf %add3A_221, %dot_general3A_233 : vector<512x32xf32>
    %get3A_235 = arith.constant 18 : index
    %get3A_236 = arith.constant 0 : index
    %get3A_237 = arith.constant 0 : index
    %get3A_238 = vector.load %arg1[%get3A_235, %get3A_236, %get3A_237] : memref<50x512x32xf32, #tpu.memory_space<vmem>>, vector<1x512x32xf32>
    %get3A_239 = vector.shape_cast %get3A_238 : vector<1x512x32xf32> to vector<512x32xf32>
    %get3A_240 = arith.constant 18 : index
    %get3A_241 = arith.constant 0 : index
    %get3A_242 = arith.constant 0 : index
    %get3A_243 = vector.load %arg2[%get3A_240, %get3A_241, %get3A_242] : memref<50x32x32xf32, #tpu.memory_space<vmem>>, vector<1x32x32xf32>
    %get3A_244 = vector.shape_cast %get3A_243 : vector<1x32x32xf32> to vector<32x32xf32>
    %dot_general3A_245 = arith.constant dense<0.000000e+00> : vector<512x32xf32>
    %dot_general3A_246 = tpu.matmul %get3A_239, %get3A_244, %dot_general3A_245 {dimension_numbers = #tpu.dot_dimension_numbers<[1], [1], [0], [0], [0, 0, 1, 0], [], []>, transpose_lhs_hint = false} : vector<512x32xf32>, vector<32x32xf32>, vector<512x32xf32> -> vector<512x32xf32>
    %add3A_247 = arith.addf %add3A_234, %dot_general3A_246 : vector<512x32xf32>
    %get3A_248 = arith.constant 19 : index
    %get3A_249 = arith.constant 0 : index
    %get3A_250 = arith.constant 0 : index
    %get3A_251 = vector.load %arg1[%get3A_248, %get3A_249, %get3A_250] : memref<50x512x32xf32, #tpu.memory_space<vmem>>, vector<1x512x32xf32>
    %get3A_252 = vector.shape_cast %get3A_251 : vector<1x512x32xf32> to vector<512x32xf32>
    %get3A_253 = arith.constant 19 : index
    %get3A_254 = arith.constant 0 : index
    %get3A_255 = arith.constant 0 : index
    %get3A_256 = vector.load %arg2[%get3A_253, %get3A_254, %get3A_255] : memref<50x32x32xf32, #tpu.memory_space<vmem>>, vector<1x32x32xf32>
    %get3A_257 = vector.shape_cast %get3A_256 : vector<1x32x32xf32> to vector<32x32xf32>
    %dot_general3A_258 = arith.constant dense<0.000000e+00> : vector<512x32xf32>
    %dot_general3A_259 = tpu.matmul %get3A_252, %get3A_257, %dot_general3A_258 {dimension_numbers = #tpu.dot_dimension_numbers<[1], [1], [0], [0], [0, 0, 1, 0], [], []>, transpose_lhs_hint = false} : vector<512x32xf32>, vector<32x32xf32>, vector<512x32xf32> -> vector<512x32xf32>
    %add3A_260 = arith.addf %add3A_247, %dot_general3A_259 : vector<512x32xf32>
    %get3A_261 = arith.constant 20 : index
    %get3A_262 = arith.constant 0 : index
    %get3A_263 = arith.constant 0 : index
    %get3A_264 = vector.load %arg1[%get3A_261, %get3A_262, %get3A_263] : memref<50x512x32xf32, #tpu.memory_space<vmem>>, vector<1x512x32xf32>
    %get3A_265 = vector.shape_cast %get3A_264 : vector<1x512x32xf32> to vector<512x32xf32>
    %get3A_266 = arith.constant 20 : index
    %get3A_267 = arith.constant 0 : index
    %get3A_268 = arith.constant 0 : index
    %get3A_269 = vector.load %arg2[%get3A_266, %get3A_267, %get3A_268] : memref<50x32x32xf32, #tpu.memory_space<vmem>>, vector<1x32x32xf32>
    %get3A_270 = vector.shape_cast %get3A_269 : vector<1x32x32xf32> to vector<32x32xf32>
    %dot_general3A_271 = arith.constant dense<0.000000e+00> : vector<512x32xf32>
    %dot_general3A_272 = tpu.matmul %get3A_265, %get3A_270, %dot_general3A_271 {dimension_numbers = #tpu.dot_dimension_numbers<[1], [1], [0], [0], [0, 0, 1, 0], [], []>, transpose_lhs_hint = false} : vector<512x32xf32>, vector<32x32xf32>, vector<512x32xf32> -> vector<512x32xf32>
    %add3A_273 = arith.addf %add3A_260, %dot_general3A_272 : vector<512x32xf32>
    %get3A_274 = arith.constant 21 : index
    %get3A_275 = arith.constant 0 : index
    %get3A_276 = arith.constant 0 : index
    %get3A_277 = vector.load %arg1[%get3A_274, %get3A_275, %get3A_276] : memref<50x512x32xf32, #tpu.memory_space<vmem>>, vector<1x512x32xf32>
    %get3A_278 = vector.shape_cast %get3A_277 : vector<1x512x32xf32> to vector<512x32xf32>
    %get3A_279 = arith.constant 21 : index
    %get3A_280 = arith.constant 0 : index
    %get3A_281 = arith.constant 0 : index
    %get3A_282 = vector.load %arg2[%get3A_279, %get3A_280, %get3A_281] : memref<50x32x32xf32, #tpu.memory_space<vmem>>, vector<1x32x32xf32>
    %get3A_283 = vector.shape_cast %get3A_282 : vector<1x32x32xf32> to vector<32x32xf32>
    %dot_general3A_284 = arith.constant dense<0.000000e+00> : vector<512x32xf32>
    %dot_general3A_285 = tpu.matmul %get3A_278, %get3A_283, %dot_general3A_284 {dimension_numbers = #tpu.dot_dimension_numbers<[1], [1], [0], [0], [0, 0, 1, 0], [], []>, transpose_lhs_hint = false} : vector<512x32xf32>, vector<32x32xf32>, vector<512x32xf32> -> vector<512x32xf32>
    %add3A_286 = arith.addf %add3A_273, %dot_general3A_285 : vector<512x32xf32>
    %get3A_287 = arith.constant 22 : index
    %get3A_288 = arith.constant 0 : index
    %get3A_289 = arith.constant 0 : index
    %get3A_290 = vector.load %arg1[%get3A_287, %get3A_288, %get3A_289] : memref<50x512x32xf32, #tpu.memory_space<vmem>>, vector<1x512x32xf32>
    %get3A_291 = vector.shape_cast %get3A_290 : vector<1x512x32xf32> to vector<512x32xf32>
    %get3A_292 = arith.constant 22 : index
    %get3A_293 = arith.constant 0 : index
    %get3A_294 = arith.constant 0 : index
    %get3A_295 = vector.load %arg2[%get3A_292, %get3A_293, %get3A_294] : memref<50x32x32xf32, #tpu.memory_space<vmem>>, vector<1x32x32xf32>
    %get3A_296 = vector.shape_cast %get3A_295 : vector<1x32x32xf32> to vector<32x32xf32>
    %dot_general3A_297 = arith.constant dense<0.000000e+00> : vector<512x32xf32>
    %dot_general3A_298 = tpu.matmul %get3A_291, %get3A_296, %dot_general3A_297 {dimension_numbers = #tpu.dot_dimension_numbers<[1], [1], [0], [0], [0, 0, 1, 0], [], []>, transpose_lhs_hint = false} : vector<512x32xf32>, vector<32x32xf32>, vector<512x32xf32> -> vector<512x32xf32>
    %add3A_299 = arith.addf %add3A_286, %dot_general3A_298 : vector<512x32xf32>
    %get3A_300 = arith.constant 23 : index
    %get3A_301 = arith.constant 0 : index
    %get3A_302 = arith.constant 0 : index
    %get3A_303 = vector.load %arg1[%get3A_300, %get3A_301, %get3A_302] : memref<50x512x32xf32, #tpu.memory_space<vmem>>, vector<1x512x32xf32>
    %get3A_304 = vector.shape_cast %get3A_303 : vector<1x512x32xf32> to vector<512x32xf32>
    %get3A_305 = arith.constant 23 : index
    %get3A_306 = arith.constant 0 : index
    %get3A_307 = arith.constant 0 : index
    %get3A_308 = vector.load %arg2[%get3A_305, %get3A_306, %get3A_307] : memref<50x32x32xf32, #tpu.memory_space<vmem>>, vector<1x32x32xf32>
    %get3A_309 = vector.shape_cast %get3A_308 : vector<1x32x32xf32> to vector<32x32xf32>
    %dot_general3A_310 = arith.constant dense<0.000000e+00> : vector<512x32xf32>
    %dot_general3A_311 = tpu.matmul %get3A_304, %get3A_309, %dot_general3A_310 {dimension_numbers = #tpu.dot_dimension_numbers<[1], [1], [0], [0], [0, 0, 1, 0], [], []>, transpose_lhs_hint = false} : vector<512x32xf32>, vector<32x32xf32>, vector<512x32xf32> -> vector<512x32xf32>
    %add3A_312 = arith.addf %add3A_299, %dot_general3A_311 : vector<512x32xf32>
    %get3A_313 = arith.constant 24 : index
    %get3A_314 = arith.constant 0 : index
    %get3A_315 = arith.constant 0 : index
    %get3A_316 = vector.load %arg1[%get3A_313, %get3A_314, %get3A_315] : memref<50x512x32xf32, #tpu.memory_space<vmem>>, vector<1x512x32xf32>
    %get3A_317 = vector.shape_cast %get3A_316 : vector<1x512x32xf32> to vector<512x32xf32>
    %get3A_318 = arith.constant 24 : index
    %get3A_319 = arith.constant 0 : index
    %get3A_320 = arith.constant 0 : index
    %get3A_321 = vector.load %arg2[%get3A_318, %get3A_319, %get3A_320] : memref<50x32x32xf32, #tpu.memory_space<vmem>>, vector<1x32x32xf32>
    %get3A_322 = vector.shape_cast %get3A_321 : vector<1x32x32xf32> to vector<32x32xf32>
    %dot_general3A_323 = arith.constant dense<0.000000e+00> : vector<512x32xf32>
    %dot_general3A_324 = tpu.matmul %get3A_317, %get3A_322, %dot_general3A_323 {dimension_numbers = #tpu.dot_dimension_numbers<[1], [1], [0], [0], [0, 0, 1, 0], [], []>, transpose_lhs_hint = false} : vector<512x32xf32>, vector<32x32xf32>, vector<512x32xf32> -> vector<512x32xf32>
    %add3A_325 = arith.addf %add3A_312, %dot_general3A_324 : vector<512x32xf32>
    %get3A_326 = arith.constant 25 : index
    %get3A_327 = arith.constant 0 : index
    %get3A_328 = arith.constant 0 : index
    %get3A_329 = vector.load %arg1[%get3A_326, %get3A_327, %get3A_328] : memref<50x512x32xf32, #tpu.memory_space<vmem>>, vector<1x512x32xf32>
    %get3A_330 = vector.shape_cast %get3A_329 : vector<1x512x32xf32> to vector<512x32xf32>
    %get3A_331 = arith.constant 25 : index
    %get3A_332 = arith.constant 0 : index
    %get3A_333 = arith.constant 0 : index
    %get3A_334 = vector.load %arg2[%get3A_331, %get3A_332, %get3A_333] : memref<50x32x32xf32, #tpu.memory_space<vmem>>, vector<1x32x32xf32>
    %get3A_335 = vector.shape_cast %get3A_334 : vector<1x32x32xf32> to vector<32x32xf32>
    %dot_general3A_336 = arith.constant dense<0.000000e+00> : vector<512x32xf32>
    %dot_general3A_337 = tpu.matmul %get3A_330, %get3A_335, %dot_general3A_336 {dimension_numbers = #tpu.dot_dimension_numbers<[1], [1], [0], [0], [0, 0, 1, 0], [], []>, transpose_lhs_hint = false} : vector<512x32xf32>, vector<32x32xf32>, vector<512x32xf32> -> vector<512x32xf32>
    %add3A_338 = arith.addf %add3A_325, %dot_general3A_337 : vector<512x32xf32>
    %get3A_339 = arith.constant 26 : index
    %get3A_340 = arith.constant 0 : index
    %get3A_341 = arith.constant 0 : index
    %get3A_342 = vector.load %arg1[%get3A_339, %get3A_340, %get3A_341] : memref<50x512x32xf32, #tpu.memory_space<vmem>>, vector<1x512x32xf32>
    %get3A_343 = vector.shape_cast %get3A_342 : vector<1x512x32xf32> to vector<512x32xf32>
    %get3A_344 = arith.constant 26 : index
    %get3A_345 = arith.constant 0 : index
    %get3A_346 = arith.constant 0 : index
    %get3A_347 = vector.load %arg2[%get3A_344, %get3A_345, %get3A_346] : memref<50x32x32xf32, #tpu.memory_space<vmem>>, vector<1x32x32xf32>
    %get3A_348 = vector.shape_cast %get3A_347 : vector<1x32x32xf32> to vector<32x32xf32>
    %dot_general3A_349 = arith.constant dense<0.000000e+00> : vector<512x32xf32>
    %dot_general3A_350 = tpu.matmul %get3A_343, %get3A_348, %dot_general3A_349 {dimension_numbers = #tpu.dot_dimension_numbers<[1], [1], [0], [0], [0, 0, 1, 0], [], []>, transpose_lhs_hint = false} : vector<512x32xf32>, vector<32x32xf32>, vector<512x32xf32> -> vector<512x32xf32>
    %add3A_351 = arith.addf %add3A_338, %dot_general3A_350 : vector<512x32xf32>
    %get3A_352 = arith.constant 27 : index
    %get3A_353 = arith.constant 0 : index
    %get3A_354 = arith.constant 0 : index
    %get3A_355 = vector.load %arg1[%get3A_352, %get3A_353, %get3A_354] : memref<50x512x32xf32, #tpu.memory_space<vmem>>, vector<1x512x32xf32>
    %get3A_356 = vector.shape_cast %get3A_355 : vector<1x512x32xf32> to vector<512x32xf32>
    %get3A_357 = arith.constant 27 : index
    %get3A_358 = arith.constant 0 : index
    %get3A_359 = arith.constant 0 : index
    %get3A_360 = vector.load %arg2[%get3A_357, %get3A_358, %get3A_359] : memref<50x32x32xf32, #tpu.memory_space<vmem>>, vector<1x32x32xf32>
    %get3A_361 = vector.shape_cast %get3A_360 : vector<1x32x32xf32> to vector<32x32xf32>
    %dot_general3A_362 = arith.constant dense<0.000000e+00> : vector<512x32xf32>
    %dot_general3A_363 = tpu.matmul %get3A_356, %get3A_361, %dot_general3A_362 {dimension_numbers = #tpu.dot_dimension_numbers<[1], [1], [0], [0], [0, 0, 1, 0], [], []>, transpose_lhs_hint = false} : vector<512x32xf32>, vector<32x32xf32>, vector<512x32xf32> -> vector<512x32xf32>
    %add3A_364 = arith.addf %add3A_351, %dot_general3A_363 : vector<512x32xf32>
    %get3A_365 = arith.constant 28 : index
    %get3A_366 = arith.constant 0 : index
    %get3A_367 = arith.constant 0 : index
    %get3A_368 = vector.load %arg1[%get3A_365, %get3A_366, %get3A_367] : memref<50x512x32xf32, #tpu.memory_space<vmem>>, vector<1x512x32xf32>
    %get3A_369 = vector.shape_cast %get3A_368 : vector<1x512x32xf32> to vector<512x32xf32>
    %get3A_370 = arith.constant 28 : index
    %get3A_371 = arith.constant 0 : index
    %get3A_372 = arith.constant 0 : index
    %get3A_373 = vector.load %arg2[%get3A_370, %get3A_371, %get3A_372] : memref<50x32x32xf32, #tpu.memory_space<vmem>>, vector<1x32x32xf32>
    %get3A_374 = vector.shape_cast %get3A_373 : vector<1x32x32xf32> to vector<32x32xf32>
    %dot_general3A_375 = arith.constant dense<0.000000e+00> : vector<512x32xf32>
    %dot_general3A_376 = tpu.matmul %get3A_369, %get3A_374, %dot_general3A_375 {dimension_numbers = #tpu.dot_dimension_numbers<[1], [1], [0], [0], [0, 0, 1, 0], [], []>, transpose_lhs_hint = false} : vector<512x32xf32>, vector<32x32xf32>, vector<512x32xf32> -> vector<512x32xf32>
    %add3A_377 = arith.addf %add3A_364, %dot_general3A_376 : vector<512x32xf32>
    %get3A_378 = arith.constant 29 : index
    %get3A_379 = arith.constant 0 : index
    %get3A_380 = arith.constant 0 : index
    %get3A_381 = vector.load %arg1[%get3A_378, %get3A_379, %get3A_380] : memref<50x512x32xf32, #tpu.memory_space<vmem>>, vector<1x512x32xf32>
    %get3A_382 = vector.shape_cast %get3A_381 : vector<1x512x32xf32> to vector<512x32xf32>
    %get3A_383 = arith.constant 29 : index
    %get3A_384 = arith.constant 0 : index
    %get3A_385 = arith.constant 0 : index
    %get3A_386 = vector.load %arg2[%get3A_383, %get3A_384, %get3A_385] : memref<50x32x32xf32, #tpu.memory_space<vmem>>, vector<1x32x32xf32>
    %get3A_387 = vector.shape_cast %get3A_386 : vector<1x32x32xf32> to vector<32x32xf32>
    %dot_general3A_388 = arith.constant dense<0.000000e+00> : vector<512x32xf32>
    %dot_general3A_389 = tpu.matmul %get3A_382, %get3A_387, %dot_general3A_388 {dimension_numbers = #tpu.dot_dimension_numbers<[1], [1], [0], [0], [0, 0, 1, 0], [], []>, transpose_lhs_hint = false} : vector<512x32xf32>, vector<32x32xf32>, vector<512x32xf32> -> vector<512x32xf32>
    %add3A_390 = arith.addf %add3A_377, %dot_general3A_389 : vector<512x32xf32>
    %get3A_391 = arith.constant 30 : index
    %get3A_392 = arith.constant 0 : index
    %get3A_393 = arith.constant 0 : index
    %get3A_394 = vector.load %arg1[%get3A_391, %get3A_392, %get3A_393] : memref<50x512x32xf32, #tpu.memory_space<vmem>>, vector<1x512x32xf32>
    %get3A_395 = vector.shape_cast %get3A_394 : vector<1x512x32xf32> to vector<512x32xf32>
    %get3A_396 = arith.constant 30 : index
    %get3A_397 = arith.constant 0 : index
    %get3A_398 = arith.constant 0 : index
    %get3A_399 = vector.load %arg2[%get3A_396, %get3A_397, %get3A_398] : memref<50x32x32xf32, #tpu.memory_space<vmem>>, vector<1x32x32xf32>
    %get3A_400 = vector.shape_cast %get3A_399 : vector<1x32x32xf32> to vector<32x32xf32>
    %dot_general3A_401 = arith.constant dense<0.000000e+00> : vector<512x32xf32>
    %dot_general3A_402 = tpu.matmul %get3A_395, %get3A_400, %dot_general3A_401 {dimension_numbers = #tpu.dot_dimension_numbers<[1], [1], [0], [0], [0, 0, 1, 0], [], []>, transpose_lhs_hint = false} : vector<512x32xf32>, vector<32x32xf32>, vector<512x32xf32> -> vector<512x32xf32>
    %add3A_403 = arith.addf %add3A_390, %dot_general3A_402 : vector<512x32xf32>
    %get3A_404 = arith.constant 31 : index
    %get3A_405 = arith.constant 0 : index
    %get3A_406 = arith.constant 0 : index
    %get3A_407 = vector.load %arg1[%get3A_404, %get3A_405, %get3A_406] : memref<50x512x32xf32, #tpu.memory_space<vmem>>, vector<1x512x32xf32>
    %get3A_408 = vector.shape_cast %get3A_407 : vector<1x512x32xf32> to vector<512x32xf32>
    %get3A_409 = arith.constant 31 : index
    %get3A_410 = arith.constant 0 : index
    %get3A_411 = arith.constant 0 : index
    %get3A_412 = vector.load %arg2[%get3A_409, %get3A_410, %get3A_411] : memref<50x32x32xf32, #tpu.memory_space<vmem>>, vector<1x32x32xf32>
    %get3A_413 = vector.shape_cast %get3A_412 : vector<1x32x32xf32> to vector<32x32xf32>
    %dot_general3A_414 = arith.constant dense<0.000000e+00> : vector<512x32xf32>
    %dot_general3A_415 = tpu.matmul %get3A_408, %get3A_413, %dot_general3A_414 {dimension_numbers = #tpu.dot_dimension_numbers<[1], [1], [0], [0], [0, 0, 1, 0], [], []>, transpose_lhs_hint = false} : vector<512x32xf32>, vector<32x32xf32>, vector<512x32xf32> -> vector<512x32xf32>
    %add3A_416 = arith.addf %add3A_403, %dot_general3A_415 : vector<512x32xf32>
    %get3A_417 = arith.constant 32 : index
    %get3A_418 = arith.constant 0 : index
    %get3A_419 = arith.constant 0 : index
    %get3A_420 = vector.load %arg1[%get3A_417, %get3A_418, %get3A_419] : memref<50x512x32xf32, #tpu.memory_space<vmem>>, vector<1x512x32xf32>
    %get3A_421 = vector.shape_cast %get3A_420 : vector<1x512x32xf32> to vector<512x32xf32>
    %get3A_422 = arith.constant 32 : index
    %get3A_423 = arith.constant 0 : index
    %get3A_424 = arith.constant 0 : index
    %get3A_425 = vector.load %arg2[%get3A_422, %get3A_423, %get3A_424] : memref<50x32x32xf32, #tpu.memory_space<vmem>>, vector<1x32x32xf32>
    %get3A_426 = vector.shape_cast %get3A_425 : vector<1x32x32xf32> to vector<32x32xf32>
    %dot_general3A_427 = arith.constant dense<0.000000e+00> : vector<512x32xf32>
    %dot_general3A_428 = tpu.matmul %get3A_421, %get3A_426, %dot_general3A_427 {dimension_numbers = #tpu.dot_dimension_numbers<[1], [1], [0], [0], [0, 0, 1, 0], [], []>, transpose_lhs_hint = false} : vector<512x32xf32>, vector<32x32xf32>, vector<512x32xf32> -> vector<512x32xf32>
    %add3A_429 = arith.addf %add3A_416, %dot_general3A_428 : vector<512x32xf32>
    %get3A_430 = arith.constant 33 : index
    %get3A_431 = arith.constant 0 : index
    %get3A_432 = arith.constant 0 : index
    %get3A_433 = vector.load %arg1[%get3A_430, %get3A_431, %get3A_432] : memref<50x512x32xf32, #tpu.memory_space<vmem>>, vector<1x512x32xf32>
    %get3A_434 = vector.shape_cast %get3A_433 : vector<1x512x32xf32> to vector<512x32xf32>
    %get3A_435 = arith.constant 33 : index
    %get3A_436 = arith.constant 0 : index
    %get3A_437 = arith.constant 0 : index
    %get3A_438 = vector.load %arg2[%get3A_435, %get3A_436, %get3A_437] : memref<50x32x32xf32, #tpu.memory_space<vmem>>, vector<1x32x32xf32>
    %get3A_439 = vector.shape_cast %get3A_438 : vector<1x32x32xf32> to vector<32x32xf32>
    %dot_general3A_440 = arith.constant dense<0.000000e+00> : vector<512x32xf32>
    %dot_general3A_441 = tpu.matmul %get3A_434, %get3A_439, %dot_general3A_440 {dimension_numbers = #tpu.dot_dimension_numbers<[1], [1], [0], [0], [0, 0, 1, 0], [], []>, transpose_lhs_hint = false} : vector<512x32xf32>, vector<32x32xf32>, vector<512x32xf32> -> vector<512x32xf32>
    %add3A_442 = arith.addf %add3A_429, %dot_general3A_441 : vector<512x32xf32>
    %get3A_443 = arith.constant 34 : index
    %get3A_444 = arith.constant 0 : index
    %get3A_445 = arith.constant 0 : index
    %get3A_446 = vector.load %arg1[%get3A_443, %get3A_444, %get3A_445] : memref<50x512x32xf32, #tpu.memory_space<vmem>>, vector<1x512x32xf32>
    %get3A_447 = vector.shape_cast %get3A_446 : vector<1x512x32xf32> to vector<512x32xf32>
    %get3A_448 = arith.constant 34 : index
    %get3A_449 = arith.constant 0 : index
    %get3A_450 = arith.constant 0 : index
    %get3A_451 = vector.load %arg2[%get3A_448, %get3A_449, %get3A_450] : memref<50x32x32xf32, #tpu.memory_space<vmem>>, vector<1x32x32xf32>
    %get3A_452 = vector.shape_cast %get3A_451 : vector<1x32x32xf32> to vector<32x32xf32>
    %dot_general3A_453 = arith.constant dense<0.000000e+00> : vector<512x32xf32>
    %dot_general3A_454 = tpu.matmul %get3A_447, %get3A_452, %dot_general3A_453 {dimension_numbers = #tpu.dot_dimension_numbers<[1], [1], [0], [0], [0, 0, 1, 0], [], []>, transpose_lhs_hint = false} : vector<512x32xf32>, vector<32x32xf32>, vector<512x32xf32> -> vector<512x32xf32>
    %add3A_455 = arith.addf %add3A_442, %dot_general3A_454 : vector<512x32xf32>
    %get3A_456 = arith.constant 35 : index
    %get3A_457 = arith.constant 0 : index
    %get3A_458 = arith.constant 0 : index
    %get3A_459 = vector.load %arg1[%get3A_456, %get3A_457, %get3A_458] : memref<50x512x32xf32, #tpu.memory_space<vmem>>, vector<1x512x32xf32>
    %get3A_460 = vector.shape_cast %get3A_459 : vector<1x512x32xf32> to vector<512x32xf32>
    %get3A_461 = arith.constant 35 : index
    %get3A_462 = arith.constant 0 : index
    %get3A_463 = arith.constant 0 : index
    %get3A_464 = vector.load %arg2[%get3A_461, %get3A_462, %get3A_463] : memref<50x32x32xf32, #tpu.memory_space<vmem>>, vector<1x32x32xf32>
    %get3A_465 = vector.shape_cast %get3A_464 : vector<1x32x32xf32> to vector<32x32xf32>
    %dot_general3A_466 = arith.constant dense<0.000000e+00> : vector<512x32xf32>
    %dot_general3A_467 = tpu.matmul %get3A_460, %get3A_465, %dot_general3A_466 {dimension_numbers = #tpu.dot_dimension_numbers<[1], [1], [0], [0], [0, 0, 1, 0], [], []>, transpose_lhs_hint = false} : vector<512x32xf32>, vector<32x32xf32>, vector<512x32xf32> -> vector<512x32xf32>
    %add3A_468 = arith.addf %add3A_455, %dot_general3A_467 : vector<512x32xf32>
    %get3A_469 = arith.constant 36 : index
    %get3A_470 = arith.constant 0 : index
    %get3A_471 = arith.constant 0 : index
    %get3A_472 = vector.load %arg1[%get3A_469, %get3A_470, %get3A_471] : memref<50x512x32xf32, #tpu.memory_space<vmem>>, vector<1x512x32xf32>
    %get3A_473 = vector.shape_cast %get3A_472 : vector<1x512x32xf32> to vector<512x32xf32>
    %get3A_474 = arith.constant 36 : index
    %get3A_475 = arith.constant 0 : index
    %get3A_476 = arith.constant 0 : index
    %get3A_477 = vector.load %arg2[%get3A_474, %get3A_475, %get3A_476] : memref<50x32x32xf32, #tpu.memory_space<vmem>>, vector<1x32x32xf32>
    %get3A_478 = vector.shape_cast %get3A_477 : vector<1x32x32xf32> to vector<32x32xf32>
    %dot_general3A_479 = arith.constant dense<0.000000e+00> : vector<512x32xf32>
    %dot_general3A_480 = tpu.matmul %get3A_473, %get3A_478, %dot_general3A_479 {dimension_numbers = #tpu.dot_dimension_numbers<[1], [1], [0], [0], [0, 0, 1, 0], [], []>, transpose_lhs_hint = false} : vector<512x32xf32>, vector<32x32xf32>, vector<512x32xf32> -> vector<512x32xf32>
    %add3A_481 = arith.addf %add3A_468, %dot_general3A_480 : vector<512x32xf32>
    %get3A_482 = arith.constant 37 : index
    %get3A_483 = arith.constant 0 : index
    %get3A_484 = arith.constant 0 : index
    %get3A_485 = vector.load %arg1[%get3A_482, %get3A_483, %get3A_484] : memref<50x512x32xf32, #tpu.memory_space<vmem>>, vector<1x512x32xf32>
    %get3A_486 = vector.shape_cast %get3A_485 : vector<1x512x32xf32> to vector<512x32xf32>
    %get3A_487 = arith.constant 37 : index
    %get3A_488 = arith.constant 0 : index
    %get3A_489 = arith.constant 0 : index
    %get3A_490 = vector.load %arg2[%get3A_487, %get3A_488, %get3A_489] : memref<50x32x32xf32, #tpu.memory_space<vmem>>, vector<1x32x32xf32>
    %get3A_491 = vector.shape_cast %get3A_490 : vector<1x32x32xf32> to vector<32x32xf32>
    %dot_general3A_492 = arith.constant dense<0.000000e+00> : vector<512x32xf32>
    %dot_general3A_493 = tpu.matmul %get3A_486, %get3A_491, %dot_general3A_492 {dimension_numbers = #tpu.dot_dimension_numbers<[1], [1], [0], [0], [0, 0, 1, 0], [], []>, transpose_lhs_hint = false} : vector<512x32xf32>, vector<32x32xf32>, vector<512x32xf32> -> vector<512x32xf32>
    %add3A_494 = arith.addf %add3A_481, %dot_general3A_493 : vector<512x32xf32>
    %get3A_495 = arith.constant 38 : index
    %get3A_496 = arith.constant 0 : index
    %get3A_497 = arith.constant 0 : index
    %get3A_498 = vector.load %arg1[%get3A_495, %get3A_496, %get3A_497] : memref<50x512x32xf32, #tpu.memory_space<vmem>>, vector<1x512x32xf32>
    %get3A_499 = vector.shape_cast %get3A_498 : vector<1x512x32xf32> to vector<512x32xf32>
    %get3A_500 = arith.constant 38 : index
    %get3A_501 = arith.constant 0 : index
    %get3A_502 = arith.constant 0 : index
    %get3A_503 = vector.load %arg2[%get3A_500, %get3A_501, %get3A_502] : memref<50x32x32xf32, #tpu.memory_space<vmem>>, vector<1x32x32xf32>
    %get3A_504 = vector.shape_cast %get3A_503 : vector<1x32x32xf32> to vector<32x32xf32>
    %dot_general3A_505 = arith.constant dense<0.000000e+00> : vector<512x32xf32>
    %dot_general3A_506 = tpu.matmul %get3A_499, %get3A_504, %dot_general3A_505 {dimension_numbers = #tpu.dot_dimension_numbers<[1], [1], [0], [0], [0, 0, 1, 0], [], []>, transpose_lhs_hint = false} : vector<512x32xf32>, vector<32x32xf32>, vector<512x32xf32> -> vector<512x32xf32>
    %add3A_507 = arith.addf %add3A_494, %dot_general3A_506 : vector<512x32xf32>
    %get3A_508 = arith.constant 39 : index
    %get3A_509 = arith.constant 0 : index
    %get3A_510 = arith.constant 0 : index
    %get3A_511 = vector.load %arg1[%get3A_508, %get3A_509, %get3A_510] : memref<50x512x32xf32, #tpu.memory_space<vmem>>, vector<1x512x32xf32>
    %get3A_512 = vector.shape_cast %get3A_511 : vector<1x512x32xf32> to vector<512x32xf32>
    %get3A_513 = arith.constant 39 : index
    %get3A_514 = arith.constant 0 : index
    %get3A_515 = arith.constant 0 : index
    %get3A_516 = vector.load %arg2[%get3A_513, %get3A_514, %get3A_515] : memref<50x32x32xf32, #tpu.memory_space<vmem>>, vector<1x32x32xf32>
    %get3A_517 = vector.shape_cast %get3A_516 : vector<1x32x32xf32> to vector<32x32xf32>
    %dot_general3A_518 = arith.constant dense<0.000000e+00> : vector<512x32xf32>
    %dot_general3A_519 = tpu.matmul %get3A_512, %get3A_517, %dot_general3A_518 {dimension_numbers = #tpu.dot_dimension_numbers<[1], [1], [0], [0], [0, 0, 1, 0], [], []>, transpose_lhs_hint = false} : vector<512x32xf32>, vector<32x32xf32>, vector<512x32xf32> -> vector<512x32xf32>
    %add3A_520 = arith.addf %add3A_507, %dot_general3A_519 : vector<512x32xf32>
    %get3A_521 = arith.constant 40 : index
    %get3A_522 = arith.constant 0 : index
    %get3A_523 = arith.constant 0 : index
    %get3A_524 = vector.load %arg1[%get3A_521, %get3A_522, %get3A_523] : memref<50x512x32xf32, #tpu.memory_space<vmem>>, vector<1x512x32xf32>
    %get3A_525 = vector.shape_cast %get3A_524 : vector<1x512x32xf32> to vector<512x32xf32>
    %get3A_526 = arith.constant 40 : index
    %get3A_527 = arith.constant 0 : index
    %get3A_528 = arith.constant 0 : index
    %get3A_529 = vector.load %arg2[%get3A_526, %get3A_527, %get3A_528] : memref<50x32x32xf32, #tpu.memory_space<vmem>>, vector<1x32x32xf32>
    %get3A_530 = vector.shape_cast %get3A_529 : vector<1x32x32xf32> to vector<32x32xf32>
    %dot_general3A_531 = arith.constant dense<0.000000e+00> : vector<512x32xf32>
    %dot_general3A_532 = tpu.matmul %get3A_525, %get3A_530, %dot_general3A_531 {dimension_numbers = #tpu.dot_dimension_numbers<[1], [1], [0], [0], [0, 0, 1, 0], [], []>, transpose_lhs_hint = false} : vector<512x32xf32>, vector<32x32xf32>, vector<512x32xf32> -> vector<512x32xf32>
    %add3A_533 = arith.addf %add3A_520, %dot_general3A_532 : vector<512x32xf32>
    %get3A_534 = arith.constant 41 : index
    %get3A_535 = arith.constant 0 : index
    %get3A_536 = arith.constant 0 : index
    %get3A_537 = vector.load %arg1[%get3A_534, %get3A_535, %get3A_536] : memref<50x512x32xf32, #tpu.memory_space<vmem>>, vector<1x512x32xf32>
    %get3A_538 = vector.shape_cast %get3A_537 : vector<1x512x32xf32> to vector<512x32xf32>
    %get3A_539 = arith.constant 41 : index
    %get3A_540 = arith.constant 0 : index
    %get3A_541 = arith.constant 0 : index
    %get3A_542 = vector.load %arg2[%get3A_539, %get3A_540, %get3A_541] : memref<50x32x32xf32, #tpu.memory_space<vmem>>, vector<1x32x32xf32>
    %get3A_543 = vector.shape_cast %get3A_542 : vector<1x32x32xf32> to vector<32x32xf32>
    %dot_general3A_544 = arith.constant dense<0.000000e+00> : vector<512x32xf32>
    %dot_general3A_545 = tpu.matmul %get3A_538, %get3A_543, %dot_general3A_544 {dimension_numbers = #tpu.dot_dimension_numbers<[1], [1], [0], [0], [0, 0, 1, 0], [], []>, transpose_lhs_hint = false} : vector<512x32xf32>, vector<32x32xf32>, vector<512x32xf32> -> vector<512x32xf32>
    %add3A_546 = arith.addf %add3A_533, %dot_general3A_545 : vector<512x32xf32>
    %get3A_547 = arith.constant 42 : index
    %get3A_548 = arith.constant 0 : index
    %get3A_549 = arith.constant 0 : index
    %get3A_550 = vector.load %arg1[%get3A_547, %get3A_548, %get3A_549] : memref<50x512x32xf32, #tpu.memory_space<vmem>>, vector<1x512x32xf32>
    %get3A_551 = vector.shape_cast %get3A_550 : vector<1x512x32xf32> to vector<512x32xf32>
    %get3A_552 = arith.constant 42 : index
    %get3A_553 = arith.constant 0 : index
    %get3A_554 = arith.constant 0 : index
    %get3A_555 = vector.load %arg2[%get3A_552, %get3A_553, %get3A_554] : memref<50x32x32xf32, #tpu.memory_space<vmem>>, vector<1x32x32xf32>
    %get3A_556 = vector.shape_cast %get3A_555 : vector<1x32x32xf32> to vector<32x32xf32>
    %dot_general3A_557 = arith.constant dense<0.000000e+00> : vector<512x32xf32>
    %dot_general3A_558 = tpu.matmul %get3A_551, %get3A_556, %dot_general3A_557 {dimension_numbers = #tpu.dot_dimension_numbers<[1], [1], [0], [0], [0, 0, 1, 0], [], []>, transpose_lhs_hint = false} : vector<512x32xf32>, vector<32x32xf32>, vector<512x32xf32> -> vector<512x32xf32>
    %add3A_559 = arith.addf %add3A_546, %dot_general3A_558 : vector<512x32xf32>
    %get3A_560 = arith.constant 43 : index
    %get3A_561 = arith.constant 0 : index
    %get3A_562 = arith.constant 0 : index
    %get3A_563 = vector.load %arg1[%get3A_560, %get3A_561, %get3A_562] : memref<50x512x32xf32, #tpu.memory_space<vmem>>, vector<1x512x32xf32>
    %get3A_564 = vector.shape_cast %get3A_563 : vector<1x512x32xf32> to vector<512x32xf32>
    %get3A_565 = arith.constant 43 : index
    %get3A_566 = arith.constant 0 : index
    %get3A_567 = arith.constant 0 : index
    %get3A_568 = vector.load %arg2[%get3A_565, %get3A_566, %get3A_567] : memref<50x32x32xf32, #tpu.memory_space<vmem>>, vector<1x32x32xf32>
    %get3A_569 = vector.shape_cast %get3A_568 : vector<1x32x32xf32> to vector<32x32xf32>
    %dot_general3A_570 = arith.constant dense<0.000000e+00> : vector<512x32xf32>
    %dot_general3A_571 = tpu.matmul %get3A_564, %get3A_569, %dot_general3A_570 {dimension_numbers = #tpu.dot_dimension_numbers<[1], [1], [0], [0], [0, 0, 1, 0], [], []>, transpose_lhs_hint = false} : vector<512x32xf32>, vector<32x32xf32>, vector<512x32xf32> -> vector<512x32xf32>
    %add3A_572 = arith.addf %add3A_559, %dot_general3A_571 : vector<512x32xf32>
    %get3A_573 = arith.constant 44 : index
    %get3A_574 = arith.constant 0 : index
    %get3A_575 = arith.constant 0 : index
    %get3A_576 = vector.load %arg1[%get3A_573, %get3A_574, %get3A_575] : memref<50x512x32xf32, #tpu.memory_space<vmem>>, vector<1x512x32xf32>
    %get3A_577 = vector.shape_cast %get3A_576 : vector<1x512x32xf32> to vector<512x32xf32>
    %get3A_578 = arith.constant 44 : index
    %get3A_579 = arith.constant 0 : index
    %get3A_580 = arith.constant 0 : index
    %get3A_581 = vector.load %arg2[%get3A_578, %get3A_579, %get3A_580] : memref<50x32x32xf32, #tpu.memory_space<vmem>>, vector<1x32x32xf32>
    %get3A_582 = vector.shape_cast %get3A_581 : vector<1x32x32xf32> to vector<32x32xf32>
    %dot_general3A_583 = arith.constant dense<0.000000e+00> : vector<512x32xf32>
    %dot_general3A_584 = tpu.matmul %get3A_577, %get3A_582, %dot_general3A_583 {dimension_numbers = #tpu.dot_dimension_numbers<[1], [1], [0], [0], [0, 0, 1, 0], [], []>, transpose_lhs_hint = false} : vector<512x32xf32>, vector<32x32xf32>, vector<512x32xf32> -> vector<512x32xf32>
    %add3A_585 = arith.addf %add3A_572, %dot_general3A_584 : vector<512x32xf32>
    %get3A_586 = arith.constant 45 : index
    %get3A_587 = arith.constant 0 : index
    %get3A_588 = arith.constant 0 : index
    %get3A_589 = vector.load %arg1[%get3A_586, %get3A_587, %get3A_588] : memref<50x512x32xf32, #tpu.memory_space<vmem>>, vector<1x512x32xf32>
    %get3A_590 = vector.shape_cast %get3A_589 : vector<1x512x32xf32> to vector<512x32xf32>
    %get3A_591 = arith.constant 45 : index
    %get3A_592 = arith.constant 0 : index
    %get3A_593 = arith.constant 0 : index
    %get3A_594 = vector.load %arg2[%get3A_591, %get3A_592, %get3A_593] : memref<50x32x32xf32, #tpu.memory_space<vmem>>, vector<1x32x32xf32>
    %get3A_595 = vector.shape_cast %get3A_594 : vector<1x32x32xf32> to vector<32x32xf32>
    %dot_general3A_596 = arith.constant dense<0.000000e+00> : vector<512x32xf32>
    %dot_general3A_597 = tpu.matmul %get3A_590, %get3A_595, %dot_general3A_596 {dimension_numbers = #tpu.dot_dimension_numbers<[1], [1], [0], [0], [0, 0, 1, 0], [], []>, transpose_lhs_hint = false} : vector<512x32xf32>, vector<32x32xf32>, vector<512x32xf32> -> vector<512x32xf32>
    %add3A_598 = arith.addf %add3A_585, %dot_general3A_597 : vector<512x32xf32>
    %get3A_599 = arith.constant 46 : index
    %get3A_600 = arith.constant 0 : index
    %get3A_601 = arith.constant 0 : index
    %get3A_602 = vector.load %arg1[%get3A_599, %get3A_600, %get3A_601] : memref<50x512x32xf32, #tpu.memory_space<vmem>>, vector<1x512x32xf32>
    %get3A_603 = vector.shape_cast %get3A_602 : vector<1x512x32xf32> to vector<512x32xf32>
    %get3A_604 = arith.constant 46 : index
    %get3A_605 = arith.constant 0 : index
    %get3A_606 = arith.constant 0 : index
    %get3A_607 = vector.load %arg2[%get3A_604, %get3A_605, %get3A_606] : memref<50x32x32xf32, #tpu.memory_space<vmem>>, vector<1x32x32xf32>
    %get3A_608 = vector.shape_cast %get3A_607 : vector<1x32x32xf32> to vector<32x32xf32>
    %dot_general3A_609 = arith.constant dense<0.000000e+00> : vector<512x32xf32>
    %dot_general3A_610 = tpu.matmul %get3A_603, %get3A_608, %dot_general3A_609 {dimension_numbers = #tpu.dot_dimension_numbers<[1], [1], [0], [0], [0, 0, 1, 0], [], []>, transpose_lhs_hint = false} : vector<512x32xf32>, vector<32x32xf32>, vector<512x32xf32> -> vector<512x32xf32>
    %add3A_611 = arith.addf %add3A_598, %dot_general3A_610 : vector<512x32xf32>
    %get3A_612 = arith.constant 47 : index
    %get3A_613 = arith.constant 0 : index
    %get3A_614 = arith.constant 0 : index
    %get3A_615 = vector.load %arg1[%get3A_612, %get3A_613, %get3A_614] : memref<50x512x32xf32, #tpu.memory_space<vmem>>, vector<1x512x32xf32>
    %get3A_616 = vector.shape_cast %get3A_615 : vector<1x512x32xf32> to vector<512x32xf32>
    %get3A_617 = arith.constant 47 : index
    %get3A_618 = arith.constant 0 : index
    %get3A_619 = arith.constant 0 : index
    %get3A_620 = vector.load %arg2[%get3A_617, %get3A_618, %get3A_619] : memref<50x32x32xf32, #tpu.memory_space<vmem>>, vector<1x32x32xf32>
    %get3A_621 = vector.shape_cast %get3A_620 : vector<1x32x32xf32> to vector<32x32xf32>
    %dot_general3A_622 = arith.constant dense<0.000000e+00> : vector<512x32xf32>
    %dot_general3A_623 = tpu.matmul %get3A_616, %get3A_621, %dot_general3A_622 {dimension_numbers = #tpu.dot_dimension_numbers<[1], [1], [0], [0], [0, 0, 1, 0], [], []>, transpose_lhs_hint = false} : vector<512x32xf32>, vector<32x32xf32>, vector<512x32xf32> -> vector<512x32xf32>
    %add3A_624 = arith.addf %add3A_611, %dot_general3A_623 : vector<512x32xf32>
    %get3A_625 = arith.constant 48 : index
    %get3A_626 = arith.constant 0 : index
    %get3A_627 = arith.constant 0 : index
    %get3A_628 = vector.load %arg1[%get3A_625, %get3A_626, %get3A_627] : memref<50x512x32xf32, #tpu.memory_space<vmem>>, vector<1x512x32xf32>
    %get3A_629 = vector.shape_cast %get3A_628 : vector<1x512x32xf32> to vector<512x32xf32>
    %get3A_630 = arith.constant 48 : index
    %get3A_631 = arith.constant 0 : index
    %get3A_632 = arith.constant 0 : index
    %get3A_633 = vector.load %arg2[%get3A_630, %get3A_631, %get3A_632] : memref<50x32x32xf32, #tpu.memory_space<vmem>>, vector<1x32x32xf32>
    %get3A_634 = vector.shape_cast %get3A_633 : vector<1x32x32xf32> to vector<32x32xf32>
    %dot_general3A_635 = arith.constant dense<0.000000e+00> : vector<512x32xf32>
    %dot_general3A_636 = tpu.matmul %get3A_629, %get3A_634, %dot_general3A_635 {dimension_numbers = #tpu.dot_dimension_numbers<[1], [1], [0], [0], [0, 0, 1, 0], [], []>, transpose_lhs_hint = false} : vector<512x32xf32>, vector<32x32xf32>, vector<512x32xf32> -> vector<512x32xf32>
    %add3A_637 = arith.addf %add3A_624, %dot_general3A_636 : vector<512x32xf32>
    %get3A_638 = arith.constant 49 : index
    %get3A_639 = arith.constant 0 : index
    %get3A_640 = arith.constant 0 : index
    %get3A_641 = vector.load %arg1[%get3A_638, %get3A_639, %get3A_640] : memref<50x512x32xf32, #tpu.memory_space<vmem>>, vector<1x512x32xf32>
    %get3A_642 = vector.shape_cast %get3A_641 : vector<1x512x32xf32> to vector<512x32xf32>
    %get3A_643 = arith.constant 49 : index
    %get3A_644 = arith.constant 0 : index
    %get3A_645 = arith.constant 0 : index
    %get3A_646 = vector.load %arg2[%get3A_643, %get3A_644, %get3A_645] : memref<50x32x32xf32, #tpu.memory_space<vmem>>, vector<1x32x32xf32>
    %get3A_647 = vector.shape_cast %get3A_646 : vector<1x32x32xf32> to vector<32x32xf32>
    %dot_general3A_648 = arith.constant dense<0.000000e+00> : vector<512x32xf32>
    %dot_general3A_649 = tpu.matmul %get3A_642, %get3A_647, %dot_general3A_648 {dimension_numbers = #tpu.dot_dimension_numbers<[1], [1], [0], [0], [0, 0, 1, 0], [], []>, transpose_lhs_hint = false} : vector<512x32xf32>, vector<32x32xf32>, vector<512x32xf32> -> vector<512x32xf32>
    %add3A_650 = arith.addf %add3A_637, %dot_general3A_649 : vector<512x32xf32>
    %swap3A = arith.constant 0 : index
    %swap3A_651 = arith.constant 0 : index
    %swap3A_652 = vector.load %arg4[%swap3A, %swap3A_651] : memref<512x32xf32, #tpu.memory_space<vmem>>, vector<512x32xf32>
    tpu.vector_store %arg4[%swap3A, %swap3A_651], %add3A_650 {strides = array<i32>} : memref<512x32xf32, #tpu.memory_space<vmem>>, vector<512x32xf32>,
    return
  }
  func.func @transform_0(%arg0: i32) -> (i32, i32, i32) {
    %c0_i32 = arith.constant 0 : i32
    %c0_i32_0 = arith.constant 0 : i32
    %c0_i32_1 = arith.constant 0 : i32
    return %c0_i32, %arg0, %c0_i32_0 : i32, i32, i32
  }
  func.func @transform_1(%arg0: i32) -> (i32, i32, i32) {
    %c0_i32 = arith.constant 0 : i32
    %c0_i32_0 = arith.constant 0 : i32
    %c0_i32_1 = arith.constant 0 : i32
    %c0_i32_2 = arith.constant 0 : i32
    return %c0_i32, %c0_i32_0, %c0_i32_1 : i32, i32, i32
  }
  func.func @transform_2(%arg0: i32) -> (i32, i32) {
    %c0_i32 = arith.constant 0 : i32
    %c0_i32_0 = arith.constant 0 : i32
    %c0_i32_1 = arith.constant 0 : i32
    return %c0_i32, %c0_i32_0 : i32, i32
  }
  func.func @transform_3(%arg0: i32) -> (i32, i32) {
    %c0_i32 = arith.constant 0 : i32
    %c0_i32_0 = arith.constant 0 : i32
    return %arg0, %c0_i32 : i32, i32
  }
}

</mosaic_0001>

<sc_bundles>
// kernel: kernel.5.cloned.1.call-start
scs
__scs_entry_jumppad:
0x0: {  	(pc) =	sbr.rel $0x88, $3  }
0x1: {  	(tag) =	ssettag $0x0;
	lr =	simm.s32 $0x1  }
0x2: {  	[smem:$0x3F9D] =	sst lr;
	_ =	strace $0xD0000000  }
0x3: {  	_ = 	snop  }
0x4: {  	_ = 	snop  }
0x5: {  	_ = 	snop  }
0x6: {  	_ = 	snop  }
0x7: {  	_ = 	snop  }
__scs_overlays_trampoline_lowered:
0x8: {  	[smem:$0x3FAC] =	sst s0  }
0x9: {  	[smem:$0x3FAD] =	sst s1  }
0xa: {  	[smem:$0x3FAE] =	sst s2  }
0xb: {  	[smem:$0x3FAF] =	sst s3  }
0xc: {  	[smem:$0x3FB0] =	sst s4  }
0xd: {  	[smem:$0x3FB1] =	sst s5  }
0xe: {  	[smem:$0x3FB2] =	sst s6  }
0xf: {  	[smem:$0x3FB3] =	sst s7  }
0x10: {  	[smem:$0x3FB4] =	sst s8  }
0x11: {  	[smem:$0x3FB5] =	sst s9;
	s0 =	simm.s32 @!p0 $0x0  }
0x12: {  	s1 =	sld [smem:$0x3F9B];
	s0 =	simm.s32 @p0 $0x1  }
0x13: {  	[smem:$0x3FB6] =	sst s0;
	s0 =	simm.s32 @!p1 $0x0  }
0x14: {  	s2 =	sld [smem:$0x3F9A];
	s0 =	simm.s32 @p1 $0x1  }
0x15: {  	[smem:$0x3FB7] =	sst s0;
	s0 =	simm.s32 @!p2 $0x0  }
0x16: {  	s3 =	sld [smem:$0x3FDB];
	s0 =	simm.s32 @p2 $0x1  }
0x17: {  	s4 =	simm.s32 $0x1BF5;
	[smem:$0x3FB9] =	sst s0  }
0x18: {  	s0 =	sld [smem:$0x3F9C];
	_ =	swait.ge [sflag:s4], $0x0  }
0x19: {  	s7 =	sld [smem:$0x3F9D]  }
0x1a: {  	s8 =	sadd.s32 $0xFFFFE003, lr  }
0x1b: {  	s9 =	sadd.s32 $0xFFFFFEF7, lr;
	s5 =	simm.s32 $0xFFFFFFFF;
	p2 =	slt.u32 s8, $0xFFFFF086  }
0x1c: {  	p1 =	slt.u32 s9, $0xF7A;
	s5 =	simm.s32 @!p2 $0x0  }
0x1d: {  	s5 =	simm.s32 @p1 $0x1;
	p0 =	seq.s32 s7, s2  }
0x1e: {  	s7 =	smul.u32 @!p0 $0xF7A, s2;
	p2 =	seq.s32 @!p0 s5, $0x0  }
0x1f: {  	s9 =	smul.u32 $0xF7A, s1;
	s8 =	simm.s32 @!p0 $0x1BF5;
	p2 =	por !p2, p0  }
0x20: {  	[sflag:s8] =	ssyncset.s32 @!p0 $0xFFFFF086;
	s6 =	sadd.s32 @!p0 s3, s7;
	s7 =	simm.s32 @!p0 $0x108  }
0x21: {  	s3 =	sadd.s32 s3, s9;
	s6 =	sadd.s32 @!p0 $0x88, s6;
	s7 =	simm.s32 @p2 $0x1082  }
0x22: {  	[simem:s7], [sflag:s8] =	dma.local @!p0 [hbm:s6], $0xF7A  }
0x23: {  	s9 =	sor.u32 $0xD0000000, s2;
	s6 =	simm.s32 $0x108;
	_ =	swait.ge @!p0 [sflag:s8], $0x0  }
0x24: {  	s3 =	sadd.s32 $0x88, s3;
	s6 =	simm.s32 @!p1 $0x1082;
	[sflag:s4] =	ssyncset.s32 $0xFFFFF086  }
0x25: {  	[simem:s6], [sflag:s4] =	dma.local [hbm:s3], $0xF7A  }
0x26: {  	[smem:$0x3F9D] =	sst s1;
	(tag) =	ssettag s2;
	_ =	strace s9  }
0x27: {  	s1 =	sld [smem:$0x3FAD]  }
0x28: {  	s2 =	sld [smem:$0x3FAE]  }
0x29: {  	s4 =	sld [smem:$0x3FB0]  }
0x2a: {  	p0 =	seq.s32 s5, $0x0;
	s5 =	sld [smem:$0x3FB1]  }
0x2b: {  	s6 =	sld [smem:$0x3FB2]  }
0x2c: {  	s7 =	sld [smem:$0x3FB3]  }
0x2d: {  	s3 =	simm.s32 $0x108;
	s8 =	sld [smem:$0x3FB4]  }
0x2e: {  	s3 =	simm.s32 @!p0 $0x1082;
	s9 =	sld [smem:$0x3FB5]  }
0x2f: {  	lr =	sadd.s32 s0, s3;
	s0 =	sld [smem:$0x3FAC]  }
0x30: {  	s3 =	sld [smem:$0x3FAF]  }
0x31: {  	[smem:$0x3FB8] =	sst s10  }
0x32: {  	s10 =	sld [smem:$0x3FB6];
	_ =	sdelay $0x3  }
0x33: {  	p0 =	seq.s32 s10, $0x1;
	s10 =	sld [smem:$0x3FB8];
	_ =	sdelay $0x3  }
0x34: {  	[smem:$0x3FB8] =	sst s10  }
0x35: {  	s10 =	sld [smem:$0x3FB7];
	_ =	sdelay $0x3  }
0x36: {  	p1 =	seq.s32 s10, $0x1;
	s10 =	sld [smem:$0x3FB8];
	_ =	sdelay $0x3  }
0x37: {  	[smem:$0x3FB8] =	sst s10  }
0x38: {  	s10 =	sld [smem:$0x3FB9]  }
0x39: {  	_ = 	snop;
	(pc) =	sbr.ind lr, $3  }
0x3a: {  	_ = 	snop  }
0x3b: {  	_ = 	snop  }
0x3c: {  	p2 =	seq.s32 s10, $0x1;
	s10 =	sld [smem:$0x3FB8]  }
0x3d: {  	_ =	shalt  }
0x3e: {  	_ =	shalt  }
0x3f: {  	_ =	shalt  }
0x40: {  	_ =	shalt  }
0x41: {  	_ =	shalt  }
0x42: {  	_ =	shalt  }
0x43: {  	_ =	shalt  }
0x44: {  	_ =	shalt  }
0x45: {  	_ =	shalt  }
0x46: {  	_ =	shalt  }
0x47: {  	_ =	shalt  }
0x48: {  	_ =	shalt  }
0x49: {  	_ =	shalt  }
0x4a: {  	_ =	shalt  }
0x4b: {  	_ =	shalt  }
0x4c: {  	_ =	shalt  }
0x4d: {  	_ =	shalt  }
0x4e: {  	_ =	shalt  }
0x4f: {  	_ =	shalt  }
0x50: {  	_ =	shalt  }
0x51: {  	_ =	shalt  }
0x52: {  	_ =	shalt  }
0x53: {  	_ =	shalt  }
0x54: {  	_ =	shalt  }
0x55: {  	_ =	shalt  }
0x56: {  	_ =	shalt  }
0x57: {  	_ =	shalt  }
0x58: {  	_ =	shalt  }
0x59: {  	_ =	shalt  }
0x5a: {  	_ =	shalt  }
0x5b: {  	_ =	shalt  }
0x5c: {  	_ =	shalt  }
0x5d: {  	_ =	shalt  }
0x5e: {  	_ =	shalt  }
0x5f: {  	_ =	shalt  }
0x60: {  	_ =	shalt  }
0x61: {  	_ =	shalt  }
0x62: {  	_ =	shalt  }
0x63: {  	_ =	shalt  }
0x64: {  	_ =	shalt  }
0x65: {  	_ =	shalt  }
0x66: {  	_ =	shalt  }
0x67: {  	_ =	shalt  }
0x68: {  	_ =	shalt  }
0x69: {  	_ =	shalt  }
0x6a: {  	_ =	shalt  }
0x6b: {  	_ =	shalt  }
0x6c: {  	_ =	shalt  }
0x6d: {  	_ =	shalt  }
0x6e: {  	_ =	shalt  }
0x6f: {  	_ =	shalt  }
0x70: {  	_ =	shalt  }
0x71: {  	_ =	shalt  }
0x72: {  	_ =	shalt  }
0x73: {  	_ =	shalt  }
0x74: {  	_ =	shalt  }
0x75: {  	_ =	shalt  }
0x76: {  	_ =	shalt  }
0x77: {  	_ =	shalt  }
0x78: {  	_ =	shalt  }
0x79: {  	_ =	shalt  }
0x7a: {  	_ =	shalt  }
0x7b: {  	_ =	shalt  }
0x7c: {  	_ =	shalt  }
0x7d: {  	_ =	shalt  }
0x7e: {  	_ =	shalt  }
0x7f: {  	_ =	shalt  }
0x80: {  	_ =	shalt  }
0x81: {  	_ =	shalt  }
0x82: {  	_ =	shalt  }
0x83: {  	_ =	shalt  }
0x84: {  	_ =	shalt  }
0x85: {  	_ =	shalt  }
0x86: {  	_ =	shalt  }
0x87: {  	_ =	shalt  }
.Lfunc_end0:
.L_simem_size_0:
called_computation_lowered:
.L_overlay_start_0:
0x88: {  	s2 =	sld [smem:$0x3FD9]  }
0x89: {  	s3 =	sld [smem:$0x3FFE];
	_ =	sdelay $0x1  }
0x8a: {  	s1 =	srdreg.scid  }
0x8b: {  	s0 =	sand.u32 $0x1, s1  }
0x8c: {  	s16 =	sshll.u32 s0, $0xA;
	s2 =	sadd.s32 s3, s2  }
0x8d: {  	s2 =	sadd.s32 s2, s16  }
0x8e: {  	[smem:$0x3FC4] =	sst s2  }
0x8f: {  	_ = 	snop  }
0x90: {  	(tm) =	ssettm $0x1  }
0x91: {  	s17 =	sld [smem:$0x3FFB];
	_ =	sdelay $0x3  }
0x92: {  	_ =	strace s17  }
0x93: {  	s2 =	sld [smem:$0x3FFC];
	_ =	sdelay $0x3  }
0x94: {  	_ =	strace s2  }
0x95: {  	s2 =	sld [smem:$0x3FFD];
	_ =	sdelay $0x3  }
0x96: {  	_ =	strace s2  }
0x97: {  	_ =	strace $0x8FFFFFFF  }
0x98: {  	s18 =	sld [smem:$0x3FDB];
	_ =	sdelay $0x1  }
0x99: {  	s19 =	simm.s32 $_scs_section_size  }
0x9a: {  	s4 =	simm.s32 $_size__tile_overlayer_lowered;
	s5 =	simm.s32 $_tile_overlayer_lowered  }
0x9b: {  	s22 =	simm.s32 $0x1BFF;
	s21 =	sshll.u32 s5, $0x1;
	s2 =	sadd.s32 s19, s18  }
0x9c: {  	s6 =	simm.s32 $0x0;
	s20 =	sshll.u32 s4, $0x1;
	s4 =	sadd.s32 s21, s2  }
0x9d: {  	[timem:s6], [sflag:s22] =	dma.local [hbm:s4], s20  }
0x9e: {  	_ =	swait.ge [sflag:s22], s20  }
0x9f: {  	s3 =	ssub.s32 $0x0, s20;
	[sflag:s22] =	ssyncset.done $0x0  }
0xa0: {  	[sflag:s22] =	ssyncadd.s32 s3;
	_ =	sdelay $0x1  }
0xa1: {  	s23 =	simm.s32 $0x1B8B  }
0xa2: {  	_ =	swait.ge [sflag:s23], $0x1  }
0xa3: {  	[sflag:s23] =	ssyncset.done $0x0  }
0xa4: {  	s25 =	simm.s32 $0x1B8E;
	s24 =	sld [smem:$0x3FFE];
	[sflag:s23] =	ssyncadd.s32 $0xFFFFFFFF  }
0xa5: {  	s26 =	simm.s32 $execute0_lowered;
	[smem:$0x3FD2] =	sst s25  }
0xa6: {  	s4 =	sshll.u32 s26, $0x1;
	_ =	strace $0x80000046;
	[dreg:$0x1] =	wrdreg $0xFFFFFFFF  }
0xa7: {  	s28 =	simm.s32 $_size_execute0_lowered;
	s2 =	sadd.s32 s2, s4;
	[dreg:$0x0] =	wrdreg $0x0  }
0xa8: {  	s4 =	sshll.u32 s28, $0x1;
	[dreg:$0x2] =	wrdreg s2  }
0xa9: {  	[dreg:$0x3] =	wrdreg s4  }
0xaa: {  	[dreg:$0x4] =	wrdreg $0xC0  }
0xab: {  	_ =	task [dreg:s6], $0x5FFFF  }
0xac: {  	[dreg:$0x1] =	wrdreg $0xFFFFFFFF  }
0xad: {  	[dreg:$0x0] =	wrdreg $0x60  }
0xae: {  	[dreg:$0x2] =	wrdreg s24  }
0xaf: {  	[dreg:$0x3] =	wrdreg $0x9  }
0xb0: {  	_ =	task.clear_ibuf [dreg:s6], $0x4FFFF;
	_ =	strace $0x90000046  }
0xb1: {  	s29 =	simm.s32 $0x9;
	_ =	strace $0x80000048  }
0xb2: {  	_ =	swait.ge [sflag:s29], $0x1  }
0xb3: {  	[sflag:s29] =	ssyncadd.s32 $0xFFFFFFFF  }
0xb4: {  	_ =	strace $0x90000048  }
0xb5: {  	_ =	sfence  }
0xb6: {  	s30 =	sld [smem:$0x0];
	_ =	sdelay $0x2  }
0xb7: {  	s31 =	sshll.u32 s1, $0xD;
	s1 =	sshrl.u32 s1, $0x2  }
0xb8: {  	s3 =	sand.u32 $0x4000, s31;
	s1 =	sadd.s32 s1, s30  }
0xb9: {  	s0 =	sor.u32 s3, s0;
	s1 =	sshll.u32 s1, $0x11  }
0xba: {  	s0 =	sor.u32 s1, s0  }
0xbb: {  	s0 =	sadd.s32 $0x8F2B, s0  }
0xbc: {  	[sflag:s0] =	ssyncadd.remote.s32 $0x1  }
0xbd: {  	_ =	sfence.sel $0xFFFF  }
0xbe: {  	[dreg:$0x0] =	wrdreg $0xFFFFFFFF;
	(pc) =	sbr.abs _section_cstart, $3  }
0xbf: {  	[dreg:$0x1] =	wrdreg $0xFFFFFFFF  }
0xc0: {  	_ =	task.clear_ibuf [dreg:s6], $0x2FFFF;
	_ =	strace $0x9FFFFFFF  }
0xc1: {  	(tm) =	ssettm $0x7FFFFFFF  }
tec
execute0_lowered:
.L_overlay_start_1:
0x0: {  	(tag) =	ssettag $0x1  }
0x1: {  	s0 =	srdreg.scid;
	s1 =	stileid.u32  }
0x2: {  	s0 =	sand.u32 $0x1, s0;
	s1 =	sshll.u32 s1, $0x1  }
0x3: {  	s4 =	rddreg [dreg:$0x0];
	s31 =	simm.s32 $0x0;
	s1 =	sor.u32 s0, s1  }
0x4: {  	[smem:$0x7FF] =	sst s31;
	s2 =	sadd.s32 $0x40EA00, s4;
	s3 =	smul.u32 $0x380, s1  }
0x5: {  	s0 =	ssub.s32 $0x2, s0;
	_ =	strace $0x80000047;
	s28 =	smul.u32 $0x1900, s1  }
0x6: {  	[dreg:$0x2] =	wrdreg s2;
	s6 =	sshrl.u32 s0, $0x1;
	s1 =	smul.u32 $0xC8000, s1  }
0x7: {  	s0 =	ssub.s32 s0, s6;
	[dreg:$0x3] =	wrdreg s28  }
0x8: {  	s5 =	sadd.s32 s3, s4;
	[dreg:$0x6] =	wrdreg s1;
	s0 =	smax.u32 s0, $0x1  }
0x9: {  	s10 =	simm.s32 $0x2;
	s29 =	sadd.s32 $0xA00, s5;
	[dreg:$0x7] =	wrdreg s0  }
0xa: {  	s14 =	simm.s32 $0x1;
	s30 =	sadd.s32 $0x7A00, s5;
	[dreg:$0x4] =	wrdreg s29  }
0xb: {  	s3 =	sadd.s32 $0xEA00, s4;
	s1 =	simm.s32 $0x0;
	[dreg:$0x5] =	wrdreg s30  }
.LBB2_1:
0xc: {  	[dreg:$0x8] =	wrdreg s1  }
0xd: {  	s0 =	rddreg [dreg:$0x4]  }
0xe: {  	[tilespmem:s31], [sflag:$0x2] =	stream.linear.gather [hbm4b:s0+s31], $0x1900, $0x38;
	[tilespmem:$0xF800] =	vst v63  }
0xf: {  	_ =	swait.ge [sflag:s10], $0x1900  }
0x10: {  	[sflag:s10] =	ssyncset.done $0x0  }
0x11: {  	s17 =	simm.s32 $0x1C00;
	s28 =	rddreg [dreg:$0x5];
	[sflag:s10] =	ssyncadd.s32 $0xFFFFE700  }
0x12: {  	[tilespmem:s17], [sflag:$0x2] =	stream.linear.gather [hbm4b:s28+s31], $0x1900, $0x38;
	[tilespmem:$0xF800] =	vst v63  }
0x13: {  	_ =	swait.ge [sflag:s10], $0x1900  }
0x14: {  	s29 =	simm.s32 $0x80;
	s30 =	simm.s32 $0x3800;
	[sflag:s10] =	ssyncset.done $0x0  }
0x15: {  	s18 =	simm.s32 $0x1C80;
	s19 =	simm.s32 $0x0;
	[sflag:s10] =	ssyncadd.s32 $0xFFFFE700  }
0x16: {  	[tilespmem:s30], [sflag:$0x1] =	stream.indirect.gather [hbm4b:s3+s29], $0x80, s31, s29, $0xb8;
	[tilespmem:$0xF800] =	vst v63  }
.LBB2_2:
0x17: {  	s0 =	sshll.u32 s19, $0x8  }
0x18: {  	s28 =	simm.s32 $0x80;
	s1 =	simm.s32 $0x7800;
	s20 =	sor.u32 $0x80, s0  }
0x19: {  	[tilespmem:s1], [sflag:$0x1] =	stream.indirect.gather [hbm4b:s3+s28], $0x80, s20, s28, $0xb8;
	[tilespmem:$0xF800] =	vst v63  }
0x1a: {  	_ =	swait.ge [sflag:s14], $0x4000  }
0x1b: {  	[sflag:s14] =	ssyncset.done $0x0  }
0x1c: {  	[sflag:s14] =	ssyncadd.s32 $0xFFFFC000  }
0x1d: {  	v0 =	vld [tilespmem:s17+$0x0];
	_ =	sdelay $0x4  }
0x1e: {  	(v2sf) =	vpush v0, $0x0;
	_ =	sdelay $0xb  }
0x1f: {  	(v2sf) =	vpush v0, $0x1;
	_ =	sdelay $0x2  }
0x20: {  	s29 =	spop (v2sf)  }
0x21: {  	s30 =	sand.u32 $0x7F, s29;
	s5 =	sshll.u32 s29, $0x2  }
0x22: {  	s5 =	sand.u32 $0xFFFFFE00, s5;
	s1 =	sshll.u32 s30, $0x2  }
0x23: {  	s1 =	sor.u32 s1, s5  }
0x24: {  	s1 =	sshra.s32 s1, $0x2  }
0x25: {  	s1 =	sadd.s32 $0x0, s1  }
0x26: {  	s0 =	sadd.s32 $0x10, s29;
	v1 =	vld [tilespmem:s1+$0x3800]  }
0x27: {  	s31 =	sand.u32 $0x7F, s0;
	s0 =	sshll.u32 s0, $0x2  }
0x28: {  	s0 =	sand.u32 $0xFFFFFE00, s0;
	s1 =	sshll.u32 s31, $0x2  }
0x29: {  	(v2sf) =	vpush v0, $0x2;
	s0 =	sor.u32 s1, s0  }
0x2a: {  	s21 =	simm.s32 $0x0;
	s0 =	sshra.s32 s0, $0x2  }
0x2b: {  	s0 =	sadd.s32 $0x0, s0;
	[tilespmem:s21+$0xB800] =	vst v1  }
0x2c: {  	s2 =	spop (v2sf);
	v1 =	vld [tilespmem:s0+$0x3800]  }
0x2d: {  	s4 =	sand.u32 $0x7F, s2;
	s6 =	sshll.u32 s2, $0x2  }
0x2e: {  	s5 =	sand.u32 $0xFFFFFE00, s6;
	s0 =	sshll.u32 s4, $0x2  }
0x2f: {  	s0 =	sor.u32 s0, s5  }
0x30: {  	s0 =	sshra.s32 s0, $0x2  }
0x31: {  	s0 =	sadd.s32 $0x0, s0;
	[tilespmem:s21+$0xB810] =	vst v1  }
0x32: {  	s1 =	sadd.s32 $0x10, s2;
	v1 =	vld [tilespmem:s0+$0x3880]  }
0x33: {  	s7 =	sand.u32 $0x7F, s1;
	s1 =	sshll.u32 s1, $0x2  }
0x34: {  	s1 =	sand.u32 $0xFFFFFE00, s1;
	s0 =	sshll.u32 s7, $0x2  }
0x35: {  	(v2sf) =	vpush v0, $0x3;
	s0 =	sor.u32 s0, s1  }
0x36: {  	s0 =	sshra.s32 s0, $0x2  }
0x37: {  	s0 =	sadd.s32 $0x0, s0;
	[tilespmem:s21+$0xB880] =	vst v1  }
0x38: {  	s8 =	spop (v2sf);
	v1 =	vld [tilespmem:s0+$0x3880]  }
0x39: {  	s9 =	sand.u32 $0x7F, s8;
	s11 =	sshll.u32 s8, $0x2  }
0x3a: {  	s5 =	sand.u32 $0xFFFFFE00, s11;
	s0 =	sshll.u32 s9, $0x2  }
0x3b: {  	s0 =	sor.u32 s0, s5  }
0x3c: {  	s0 =	sshra.s32 s0, $0x2  }
0x3d: {  	s0 =	sadd.s32 $0x0, s0;
	[tilespmem:s21+$0xB890] =	vst v1  }
0x3e: {  	s1 =	sadd.s32 $0x10, s8;
	v1 =	vld [tilespmem:s0+$0x3900]  }
0x3f: {  	s12 =	sand.u32 $0x7F, s1;
	s1 =	sshll.u32 s1, $0x2  }
0x40: {  	s1 =	sand.u32 $0xFFFFFE00, s1;
	s0 =	sshll.u32 s12, $0x2  }
0x41: {  	(v2sf) =	vpush v0, $0x4;
	s0 =	sor.u32 s0, s1  }
0x42: {  	s0 =	sshra.s32 s0, $0x2  }
0x43: {  	s0 =	sadd.s32 $0x0, s0;
	[tilespmem:s21+$0xB900] =	vst v1  }
0x44: {  	s13 =	spop (v2sf);
	v1 =	vld [tilespmem:s0+$0x3900]  }
0x45: {  	s15 =	sand.u32 $0x7F, s13;
	s16 =	sshll.u32 s13, $0x2  }
0x46: {  	s5 =	sand.u32 $0xFFFFFE00, s16;
	s0 =	sshll.u32 s15, $0x2  }
0x47: {  	s0 =	sor.u32 s0, s5  }
0x48: {  	s0 =	sshra.s32 s0, $0x2  }
0x49: {  	s0 =	sadd.s32 $0x0, s0;
	[tilespmem:s21+$0xB910] =	vst v1  }
0x4a: {  	s1 =	sadd.s32 $0x10, s13;
	v1 =	vld [tilespmem:s0+$0x3980]  }
0x4b: {  	s22 =	sand.u32 $0x7F, s1;
	s1 =	sshll.u32 s1, $0x2  }
0x4c: {  	s1 =	sand.u32 $0xFFFFFE00, s1;
	s0 =	sshll.u32 s22, $0x2  }
0x4d: {  	(v2sf) =	vpush v0, $0x5;
	s0 =	sor.u32 s0, s1  }
0x4e: {  	s0 =	sshra.s32 s0, $0x2  }
0x4f: {  	s0 =	sadd.s32 $0x0, s0;
	[tilespmem:s21+$0xB980] =	vst v1  }
0x50: {  	s23 =	spop (v2sf);
	v1 =	vld [tilespmem:s0+$0x3980]  }
0x51: {  	s24 =	sand.u32 $0x7F, s23;
	s25 =	sshll.u32 s23, $0x2  }
0x52: {  	s5 =	sand.u32 $0xFFFFFE00, s25;
	s0 =	sshll.u32 s24, $0x2  }
0x53: {  	s0 =	sor.u32 s0, s5  }
0x54: {  	s0 =	sshra.s32 s0, $0x2  }
0x55: {  	s0 =	sadd.s32 $0x0, s0;
	[tilespmem:s21+$0xB990] =	vst v1  }
0x56: {  	s1 =	sadd.s32 $0x10, s23;
	v1 =	vld [tilespmem:s0+$0x3A00]  }
0x57: {  	s26 =	sand.u32 $0x7F, s1;
	s1 =	sshll.u32 s1, $0x2  }
0x58: {  	s1 =	sand.u32 $0xFFFFFE00, s1;
	s0 =	sshll.u32 s26, $0x2  }
0x59: {  	(v2sf) =	vpush v0, $0x6;
	s0 =	sor.u32 s0, s1  }
0x5a: {  	s0 =	sshra.s32 s0, $0x2  }
0x5b: {  	s0 =	sadd.s32 $0x0, s0;
	[tilespmem:s21+$0xBA00] =	vst v1  }
0x5c: {  	s28 =	spop (v2sf);
	v1 =	vld [tilespmem:s0+$0x3A00]  }
0x5d: {  	s29 =	sand.u32 $0x7F, s28;
	s30 =	sshll.u32 s28, $0x2  }
0x5e: {  	s5 =	sand.u32 $0xFFFFFE00, s30;
	s0 =	sshll.u32 s29, $0x2  }
0x5f: {  	s0 =	sor.u32 s0, s5  }
0x60: {  	s0 =	sshra.s32 s0, $0x2  }
0x61: {  	s0 =	sadd.s32 $0x0, s0;
	[tilespmem:s21+$0xBA10] =	vst v1  }
0x62: {  	s1 =	sadd.s32 $0x10, s28;
	v1 =	vld [tilespmem:s0+$0x3A80]  }
0x63: {  	s31 =	sand.u32 $0x7F, s1;
	s1 =	sshll.u32 s1, $0x2  }
0x64: {  	s1 =	sand.u32 $0xFFFFFE00, s1;
	s0 =	sshll.u32 s31, $0x2  }
0x65: {  	(v2sf) =	vpush v0, $0x7;
	s0 =	sor.u32 s0, s1  }
0x66: {  	s0 =	sshra.s32 s0, $0x2  }
0x67: {  	s0 =	sadd.s32 $0x0, s0;
	[tilespmem:s21+$0xBA80] =	vst v1  }
0x68: {  	s2 =	spop (v2sf);
	v1 =	vld [tilespmem:s0+$0x3A80]  }
0x69: {  	s4 =	sand.u32 $0x7F, s2;
	s6 =	sshll.u32 s2, $0x2  }
0x6a: {  	s5 =	sand.u32 $0xFFFFFE00, s6;
	s0 =	sshll.u32 s4, $0x2  }
0x6b: {  	s0 =	sor.u32 s0, s5  }
0x6c: {  	s0 =	sshra.s32 s0, $0x2  }
0x6d: {  	s0 =	sadd.s32 $0x0, s0;
	[tilespmem:s21+$0xBA90] =	vst v1  }
0x6e: {  	s1 =	sadd.s32 $0x10, s2;
	v1 =	vld [tilespmem:s0+$0x3B00]  }
0x6f: {  	s7 =	sand.u32 $0x7F, s1;
	s1 =	sshll.u32 s1, $0x2  }
0x70: {  	s1 =	sand.u32 $0xFFFFFE00, s1;
	s0 =	sshll.u32 s7, $0x2  }
0x71: {  	(v2sf) =	vpush v0, $0x8;
	s0 =	sor.u32 s0, s1  }
0x72: {  	s0 =	sshra.s32 s0, $0x2  }
0x73: {  	s0 =	sadd.s32 $0x0, s0;
	[tilespmem:s21+$0xBB00] =	vst v1  }
0x74: {  	s8 =	spop (v2sf);
	v1 =	vld [tilespmem:s0+$0x3B00]  }
0x75: {  	s9 =	sand.u32 $0x7F, s8;
	s11 =	sshll.u32 s8, $0x2  }
0x76: {  	s5 =	sand.u32 $0xFFFFFE00, s11;
	s0 =	sshll.u32 s9, $0x2  }
0x77: {  	s0 =	sor.u32 s0, s5  }
0x78: {  	s0 =	sshra.s32 s0, $0x2  }
0x79: {  	s0 =	sadd.s32 $0x0, s0;
	[tilespmem:s21+$0xBB10] =	vst v1  }
0x7a: {  	s1 =	sadd.s32 $0x10, s8;
	v1 =	vld [tilespmem:s0+$0x3B80]  }
0x7b: {  	s12 =	sand.u32 $0x7F, s1;
	s1 =	sshll.u32 s1, $0x2  }
0x7c: {  	s1 =	sand.u32 $0xFFFFFE00, s1;
	s0 =	sshll.u32 s12, $0x2  }
0x7d: {  	(v2sf) =	vpush v0, $0x9;
	s0 =	sor.u32 s0, s1  }
0x7e: {  	s0 =	sshra.s32 s0, $0x2  }
0x7f: {  	s0 =	sadd.s32 $0x0, s0;
	[tilespmem:s21+$0xBB80] =	vst v1  }
0x80: {  	s13 =	spop (v2sf);
	v1 =	vld [tilespmem:s0+$0x3B80]  }
0x81: {  	s15 =	sand.u32 $0x7F, s13;
	s16 =	sshll.u32 s13, $0x2  }
0x82: {  	s5 =	sand.u32 $0xFFFFFE00, s16;
	s0 =	sshll.u32 s15, $0x2  }
0x83: {  	s0 =	sor.u32 s0, s5  }
0x84: {  	s0 =	sshra.s32 s0, $0x2  }
0x85: {  	s0 =	sadd.s32 $0x0, s0;
	[tilespmem:s21+$0xBB90] =	vst v1  }
0x86: {  	s1 =	sadd.s32 $0x10, s13;
	v1 =	vld [tilespmem:s0+$0x3C00]  }
0x87: {  	s22 =	sand.u32 $0x7F, s1;
	s1 =	sshll.u32 s1, $0x2  }
0x88: {  	s1 =	sand.u32 $0xFFFFFE00, s1;
	s0 =	sshll.u32 s22, $0x2  }
0x89: {  	(v2sf) =	vpush v0, $0xA;
	s0 =	sor.u32 s0, s1  }
0x8a: {  	s0 =	sshra.s32 s0, $0x2  }
0x8b: {  	s0 =	sadd.s32 $0x0, s0;
	[tilespmem:s21+$0xBC00] =	vst v1  }
0x8c: {  	s23 =	spop (v2sf);
	v1 =	vld [tilespmem:s0+$0x3C00]  }
0x8d: {  	s24 =	sand.u32 $0x7F, s23;
	s25 =	sshll.u32 s23, $0x2  }
0x8e: {  	s5 =	sand.u32 $0xFFFFFE00, s25;
	s0 =	sshll.u32 s24, $0x2  }
0x8f: {  	s0 =	sor.u32 s0, s5  }
0x90: {  	s0 =	sshra.s32 s0, $0x2  }
0x91: {  	s0 =	sadd.s32 $0x0, s0;
	[tilespmem:s21+$0xBC10] =	vst v1  }
0x92: {  	s1 =	sadd.s32 $0x10, s23;
	v1 =	vld [tilespmem:s0+$0x3C80]  }
0x93: {  	s26 =	sand.u32 $0x7F, s1;
	s1 =	sshll.u32 s1, $0x2  }
0x94: {  	s1 =	sand.u32 $0xFFFFFE00, s1;
	s0 =	sshll.u32 s26, $0x2  }
0x95: {  	(v2sf) =	vpush v0, $0xB;
	s0 =	sor.u32 s0, s1  }
0x96: {  	s0 =	sshra.s32 s0, $0x2  }
0x97: {  	s0 =	sadd.s32 $0x0, s0;
	[tilespmem:s21+$0xBC80] =	vst v1  }
0x98: {  	s28 =	spop (v2sf);
	v1 =	vld [tilespmem:s0+$0x3C80]  }
0x99: {  	s29 =	sand.u32 $0x7F, s28;
	s30 =	sshll.u32 s28, $0x2  }
0x9a: {  	s5 =	sand.u32 $0xFFFFFE00, s30;
	s0 =	sshll.u32 s29, $0x2  }
0x9b: {  	s0 =	sor.u32 s0, s5  }
0x9c: {  	s0 =	sshra.s32 s0, $0x2  }
0x9d: {  	s0 =	sadd.s32 $0x0, s0;
	[tilespmem:s21+$0xBC90] =	vst v1  }
0x9e: {  	s1 =	sadd.s32 $0x10, s28;
	v1 =	vld [tilespmem:s0+$0x3D00]  }
0x9f: {  	s31 =	sand.u32 $0x7F, s1;
	s1 =	sshll.u32 s1, $0x2  }
0xa0: {  	s1 =	sand.u32 $0xFFFFFE00, s1;
	s0 =	sshll.u32 s31, $0x2  }
0xa1: {  	(v2sf) =	vpush v0, $0xC;
	s0 =	sor.u32 s0, s1  }
0xa2: {  	s0 =	sshra.s32 s0, $0x2  }
0xa3: {  	s0 =	sadd.s32 $0x0, s0;
	[tilespmem:s21+$0xBD00] =	vst v1  }
0xa4: {  	s2 =	spop (v2sf);
	v1 =	vld [tilespmem:s0+$0x3D00]  }
0xa5: {  	s4 =	sand.u32 $0x7F, s2;
	s6 =	sshll.u32 s2, $0x2  }
0xa6: {  	s5 =	sand.u32 $0xFFFFFE00, s6;
	s0 =	sshll.u32 s4, $0x2  }
0xa7: {  	s0 =	sor.u32 s0, s5  }
0xa8: {  	s0 =	sshra.s32 s0, $0x2  }
0xa9: {  	s0 =	sadd.s32 $0x0, s0;
	[tilespmem:s21+$0xBD10] =	vst v1  }
0xaa: {  	s1 =	sadd.s32 $0x10, s2;
	v1 =	vld [tilespmem:s0+$0x3D80]  }
0xab: {  	s7 =	sand.u32 $0x7F, s1;
	s1 =	sshll.u32 s1, $0x2  }
0xac: {  	s1 =	sand.u32 $0xFFFFFE00, s1;
	s0 =	sshll.u32 s7, $0x2  }
0xad: {  	(v2sf) =	vpush v0, $0xD;
	s0 =	sor.u32 s0, s1  }
0xae: {  	s0 =	sshra.s32 s0, $0x2  }
0xaf: {  	s0 =	sadd.s32 $0x0, s0;
	[tilespmem:s21+$0xBD80] =	vst v1  }
0xb0: {  	s8 =	spop (v2sf);
	v1 =	vld [tilespmem:s0+$0x3D80]  }
0xb1: {  	s9 =	sand.u32 $0x7F, s8;
	s11 =	sshll.u32 s8, $0x2  }
0xb2: {  	s5 =	sand.u32 $0xFFFFFE00, s11;
	s0 =	sshll.u32 s9, $0x2  }
0xb3: {  	s0 =	sor.u32 s0, s5  }
0xb4: {  	s0 =	sshra.s32 s0, $0x2  }
0xb5: {  	s0 =	sadd.s32 $0x0, s0;
	[tilespmem:s21+$0xBD90] =	vst v1  }
0xb6: {  	s1 =	sadd.s32 $0x10, s8;
	v1 =	vld [tilespmem:s0+$0x3E00]  }
0xb7: {  	s12 =	sand.u32 $0x7F, s1;
	s1 =	sshll.u32 s1, $0x2  }
0xb8: {  	s1 =	sand.u32 $0xFFFFFE00, s1;
	s0 =	sshll.u32 s12, $0x2  }
0xb9: {  	(v2sf) =	vpush v0, $0xE;
	s0 =	sor.u32 s0, s1  }
0xba: {  	s0 =	sshra.s32 s0, $0x2  }
0xbb: {  	s0 =	sadd.s32 $0x0, s0;
	[tilespmem:s21+$0xBE00] =	vst v1  }
0xbc: {  	s13 =	spop (v2sf);
	v1 =	vld [tilespmem:s0+$0x3E00]  }
0xbd: {  	s16 =	sshll.u32 s13, $0x2;
	s15 =	sand.u32 $0x7F, s13  }
0xbe: {  	s5 =	sand.u32 $0xFFFFFE00, s16;
	s0 =	sshll.u32 s15, $0x2  }
0xbf: {  	s0 =	sor.u32 s0, s5  }
0xc0: {  	s0 =	sshra.s32 s0, $0x2  }
0xc1: {  	s0 =	sadd.s32 $0x0, s0;
	[tilespmem:s21+$0xBE10] =	vst v1  }
0xc2: {  	s1 =	sadd.s32 $0x10, s13;
	v1 =	vld [tilespmem:s0+$0x3E80]  }
0xc3: {  	s22 =	sand.u32 $0x7F, s1;
	s1 =	sshll.u32 s1, $0x2  }
0xc4: {  	s1 =	sand.u32 $0xFFFFFE00, s1;
	s0 =	sshll.u32 s22, $0x2  }
0xc5: {  	(v2sf) =	vpush v0, $0xF;
	s0 =	sor.u32 s0, s1  }
0xc6: {  	s0 =	sshra.s32 s0, $0x2  }
0xc7: {  	s0 =	sadd.s32 $0x0, s0;
	[tilespmem:s21+$0xBE80] =	vst v1  }
0xc8: {  	s23 =	spop (v2sf);
	v0 =	vld [tilespmem:s0+$0x3E80]  }
0xc9: {  	s25 =	sshll.u32 s23, $0x2;
	s24 =	sand.u32 $0x7F, s23  }
0xca: {  	s5 =	sand.u32 $0xFFFFFE00, s25;
	s0 =	sshll.u32 s24, $0x2  }
0xcb: {  	s0 =	sor.u32 s0, s5  }
0xcc: {  	s0 =	sshra.s32 s0, $0x2  }
0xcd: {  	s0 =	sadd.s32 $0x0, s0;
	[tilespmem:s21+$0xBE90] =	vst v0  }
0xce: {  	s1 =	sadd.s32 $0x10, s23;
	v0 =	vld [tilespmem:s0+$0x3F00]  }
0xcf: {  	s26 =	sand.u32 $0x7F, s1;
	s1 =	sshll.u32 s1, $0x2  }
0xd0: {  	s1 =	sand.u32 $0xFFFFFE00, s1;
	s0 =	sshll.u32 s26, $0x2  }
0xd1: {  	s0 =	sor.u32 s0, s1  }
0xd2: {  	s0 =	sshra.s32 s0, $0x2  }
0xd3: {  	s0 =	sadd.s32 $0x0, s0;
	[tilespmem:s21+$0xBF00] =	vst v0  }
0xd4: {  	s28 =	spop (v2sf);
	v0 =	vld [tilespmem:s0+$0x3F00]  }
0xd5: {  	s30 =	sshll.u32 s28, $0x2;
	s29 =	sand.u32 $0x7F, s28  }
0xd6: {  	s5 =	sand.u32 $0xFFFFFE00, s30;
	s0 =	sshll.u32 s29, $0x2  }
0xd7: {  	s0 =	sor.u32 s0, s5  }
0xd8: {  	s0 =	sshra.s32 s0, $0x2  }
0xd9: {  	s0 =	sadd.s32 $0x0, s0;
	[tilespmem:s21+$0xBF10] =	vst v0  }
0xda: {  	s1 =	sadd.s32 $0x10, s28;
	v0 =	vld [tilespmem:s0+$0x3F80]  }
0xdb: {  	s31 =	sand.u32 $0x7F, s1;
	s1 =	sshll.u32 s1, $0x2  }
0xdc: {  	s1 =	sand.u32 $0xFFFFFE00, s1;
	s0 =	sshll.u32 s31, $0x2  }
0xdd: {  	s0 =	sor.u32 s0, s1  }
0xde: {  	s0 =	sshra.s32 s0, $0x2  }
0xdf: {  	s0 =	sadd.s32 $0x0, s0;
	[tilespmem:s21+$0xBF80] =	vst v0  }
0xe0: {  	s22 =	sshll.u32 s19, $0xA;
	s23 =	simm.s32 $0x2000;
	s24 =	smov.u32 s17;
	v0 =	vld [tilespmem:s0+$0x3F80]  }
.LBB2_3:
0xe1: {  	_ =	sdelay $0x2  }
0xe2: {  	p0 =	sne.s32 s23, $0xE000  }
0xe3: {  	s24 =	sadd.s32 $0x10, s24;
	s0 =	smov.u32 s23;
	s23 =	sadd.s32 $0x2000, s23;
	[tilespmem:s21+$0xBF90] =	vst v0  }
0xe4: {  	v0 =	vld [tilespmem:s24+$0x0];
	_ =	sdelay $0x4  }
0xe5: {  	(v2sf) =	vpush v0, $0x0;
	_ =	sdelay $0x3  }
0xe6: {  	(v2sf) =	vpush v0, $0x1;
	_ =	sdelay $0x1  }
0xe7: {  	(v2sf) =	vpush v0, $0x2;
	_ =	sdelay $0x7  }
0xe8: {  	(v2sf) =	vpush v0, $0x3  }
0xe9: {  	s21 =	sshra.s32 s0, $0x2;
	s0 =	spop (v2sf)  }
0xea: {  	s1 =	sand.u32 $0x7F, s0;
	s5 =	sshll.u32 s0, $0x2;
	s0 =	sadd.s32 $0x10, s0  }
0xeb: {  	s5 =	sand.u32 $0xFFFFFE00, s5;
	s1 =	sshll.u32 s1, $0x2;
	s6 =	sand.u32 $0x7F, s0  }
0xec: {  	s0 =	sshll.u32 s0, $0x2;
	s1 =	sor.u32 s1, s5;
	s5 =	sshll.u32 s6, $0x2  }
0xed: {  	s0 =	sand.u32 $0xFFFFFE00, s0;
	s1 =	sshra.s32 s1, $0x2;
	s6 =	spop (v2sf)  }
0xee: {  	s0 =	sor.u32 s5, s0;
	s1 =	sadd.s32 s21, s1;
	s5 =	sand.u32 $0x7F, s6;
	(v2sf) =	vpush v0, $0x4  }
0xef: {  	v1 =	vld [tilespmem:s1+$0x3800];
	s1 =	sshll.u32 s6, $0x2;
	s6 =	sadd.s32 $0x10, s6;
	s8 =	spop (v2sf)  }
0xf0: {  	s5 =	sshll.u32 s5, $0x2;
	s1 =	sand.u32 $0xFFFFFE00, s1;
	s7 =	sand.u32 $0x7F, s8  }
0xf1: {  	s1 =	sor.u32 s5, s1;
	s5 =	sand.u32 $0x7F, s6;
	s6 =	sshll.u32 s6, $0x2  }
0xf2: {  	s9 =	sshra.s32 s1, $0x2;
	s1 =	sand.u32 $0xFFFFFE00, s6;
	s6 =	sshll.u32 s8, $0x2  }
0xf3: {  	s0 =	sshra.s32 s0, $0x2;
	s7 =	sshll.u32 s7, $0x2;
	s6 =	sand.u32 $0xFFFFFE00, s6  }
0xf4: {  	s0 =	sadd.s32 s21, s0;
	s5 =	sshll.u32 s5, $0x2;
	[tilespmem:s21+$0xB800] =	vst v1;
	s6 =	sor.u32 s7, s6;
	(v2sf) =	vpush v0, $0x5  }
0xf5: {  	v1 =	vld [tilespmem:s0+$0x3800];
	s0 =	sor.u32 s5, s1;
	s7 =	sshra.s32 s6, $0x2;
	s1 =	sadd.s32 $0x10, s8  }
0xf6: {  	s0 =	sshra.s32 s0, $0x2;
	s5 =	sand.u32 $0x7F, s1;
	s1 =	sshll.u32 s1, $0x2  }
0xf7: {  	s1 =	sand.u32 $0xFFFFFE00, s1;
	s5 =	sshll.u32 s5, $0x2;
	s6 =	spop (v2sf)  }
0xf8: {  	s1 =	sor.u32 s5, s1;
	s5 =	sand.u32 $0x7F, s6;
	s8 =	sshll.u32 s6, $0x2  }
0xf9: {  	s1 =	sshra.s32 s1, $0x2;
	s8 =	sand.u32 $0xFFFFFE00, s8;
	s5 =	sshll.u32 s5, $0x2  }
0xfa: {  	s9 =	sadd.s32 s21, s9;
	s6 =	sadd.s32 $0x10, s6;
	[tilespmem:s21+$0xB810] =	vst v1;
	s5 =	sor.u32 s5, s8;
	(v2sf) =	vpush v0, $0x6  }
0xfb: {  	v1 =	vld [tilespmem:s9+$0x3880];
	s5 =	sshra.s32 s5, $0x2;
	s9 =	sand.u32 $0x7F, s6;
	s6 =	sshll.u32 s6, $0x2  }
0xfc: {  	s8 =	sadd.s32 s21, s5;
	s5 =	sand.u32 $0xFFFFFE00, s6;
	s6 =	sshll.u32 s9, $0x2  }
0xfd: {  	s5 =	sor.u32 s6, s5;
	s9 =	spop (v2sf)  }
0xfe: {  	s5 =	sshra.s32 s5, $0x2;
	s11 =	sand.u32 $0x7F, s9;
	s12 =	sshll.u32 s9, $0x2  }
0xff: {  	s6 =	sadd.s32 s21, s5;
	s5 =	sand.u32 $0xFFFFFE00, s12;
	s11 =	sshll.u32 s11, $0x2  }
0x100: {  	s0 =	sadd.s32 s21, s0;
	s9 =	sadd.s32 $0x10, s9;
	[tilespmem:s21+$0xB880] =	vst v1;
	s5 =	sor.u32 s11, s5;
	(v2sf) =	vpush v0, $0x7  }
0x101: {  	v1 =	vld [tilespmem:s0+$0x3880];
	s0 =	sshra.s32 s5, $0x2;
	s5 =	sand.u32 $0x7F, s9;
	s9 =	sshll.u32 s9, $0x2  }
0x102: {  	s0 =	sadd.s32 s21, s0;
	s9 =	sand.u32 $0xFFFFFE00, s9;
	s5 =	sshll.u32 s5, $0x2  }
0x103: {  	s5 =	sor.u32 s5, s9;
	s9 =	spop (v2sf);
	(v2sf) =	vpush v0, $0x8  }
0x104: {  	s5 =	sshra.s32 s5, $0x2;
	s11 =	sand.u32 $0x7F, s9;
	s12 =	sshll.u32 s9, $0x2  }
0x105: {  	s5 =	sadd.s32 s21, s5;
	s12 =	sand.u32 $0xFFFFFE00, s12;
	s11 =	sshll.u32 s11, $0x2  }
0x106: {  	s7 =	sadd.s32 s21, s7;
	s9 =	sadd.s32 $0x10, s9;
	[tilespmem:s21+$0xB890] =	vst v1;
	s11 =	sor.u32 s11, s12  }
0x107: {  	v1 =	vld [tilespmem:s7+$0x3900];
	s7 =	sshra.s32 s11, $0x2;
	s11 =	sand.u32 $0x7F, s9;
	s9 =	sshll.u32 s9, $0x2  }
0x108: {  	s13 =	sadd.s32 s21, s7;
	s7 =	sand.u32 $0xFFFFFE00, s9;
	s9 =	sshll.u32 s11, $0x2  }
0x109: {  	s7 =	sor.u32 s9, s7;
	s9 =	spop (v2sf)  }
0x10a: {  	s7 =	sshra.s32 s7, $0x2;
	s11 =	sand.u32 $0x7F, s9;
	s12 =	sshll.u32 s9, $0x2  }
0x10b: {  	s7 =	sadd.s32 s21, s7;
	s12 =	sand.u32 $0xFFFFFE00, s12;
	s11 =	sshll.u32 s11, $0x2;
	(v2sf) =	vpush v0, $0x9  }
0x10c: {  	s1 =	sadd.s32 s21, s1;
	s9 =	sadd.s32 $0x10, s9;
	[tilespmem:s21+$0xB900] =	vst v1;
	s11 =	sor.u32 s11, s12  }
0x10d: {  	v1 =	vld [tilespmem:s1+$0x3900];
	s1 =	sshra.s32 s11, $0x2;
	s11 =	sand.u32 $0x7F, s9;
	s9 =	sshll.u32 s9, $0x2  }
0x10e: {  	s1 =	sadd.s32 s21, s1;
	s9 =	sand.u32 $0xFFFFFE00, s9;
	s11 =	sshll.u32 s11, $0x2;
	(v2sf) =	vpush v0, $0xA  }
0x10f: {  	s9 =	sor.u32 s11, s9;
	s11 =	spop (v2sf)  }
0x110: {  	s9 =	sshra.s32 s9, $0x2;
	s12 =	sand.u32 $0x7F, s11;
	s16 =	sshll.u32 s11, $0x2  }
0x111: {  	s29 =	sadd.s32 s21, s9;
	s9 =	sand.u32 $0xFFFFFE00, s16;
	s12 =	sshll.u32 s12, $0x2  }
0x112: {  	s11 =	sadd.s32 $0x10, s11;
	[tilespmem:s21+$0xB910] =	vst v1;
	s9 =	sor.u32 s12, s9;
	s12 =	spop (v2sf)  }
0x113: {  	v1 =	vld [tilespmem:s8+$0x3980];
	s8 =	sshra.s32 s9, $0x2;
	s9 =	sand.u32 $0x7F, s11;
	s11 =	sshll.u32 s11, $0x2  }
0x114: {  	s25 =	sadd.s32 s21, s8;
	s8 =	sand.u32 $0xFFFFFE00, s11;
	s9 =	sshll.u32 s9, $0x2  }
0x115: {  	s11 =	sshll.u32 s12, $0x2;
	s8 =	sor.u32 s9, s8;
	s9 =	sand.u32 $0x7F, s12  }
0x116: {  	s11 =	sand.u32 $0xFFFFFE00, s11;
	s8 =	sshra.s32 s8, $0x2;
	s9 =	sshll.u32 s9, $0x2;
	(v2sf) =	vpush v0, $0xB  }
0x117: {  	s26 =	sadd.s32 s21, s8;
	s8 =	sor.u32 s9, s11;
	s9 =	sadd.s32 $0x10, s12  }
0x118: {  	[tilespmem:s21+$0xB980] =	vst v1;
	s8 =	sshra.s32 s8, $0x2;
	s11 =	sand.u32 $0x7F, s9;
	s9 =	sshll.u32 s9, $0x2  }
0x119: {  	v1 =	vld [tilespmem:s6+$0x3980];
	s28 =	sadd.s32 s21, s8;
	s6 =	sand.u32 $0xFFFFFE00, s9;
	s8 =	sshll.u32 s11, $0x2;
	(v2sf) =	vpush v0, $0xC  }
0x11a: {  	s6 =	sor.u32 s8, s6;
	s8 =	spop (v2sf)  }
0x11b: {  	s6 =	sshra.s32 s6, $0x2;
	s9 =	sand.u32 $0x7F, s8;
	s11 =	sshll.u32 s8, $0x2  }
0x11c: {  	s30 =	sadd.s32 s21, s6;
	s6 =	sand.u32 $0xFFFFFE00, s11;
	s9 =	sshll.u32 s9, $0x2  }
0x11d: {  	s8 =	sadd.s32 $0x10, s8;
	s6 =	sor.u32 s9, s6;
	s9 =	spop (v2sf)  }
0x11e: {  	s11 =	sand.u32 $0x7F, s8;
	s8 =	sshll.u32 s8, $0x2;
	[tilespmem:s21+$0xB990] =	vst v1;
	s6 =	sshra.s32 s6, $0x2  }
0x11f: {  	v1 =	vld [tilespmem:s0+$0x3A00];
	s31 =	sadd.s32 s21, s6;
	s0 =	sand.u32 $0xFFFFFE00, s8;
	s6 =	sshll.u32 s11, $0x2  }
0x120: {  	s8 =	sshll.u32 s9, $0x2;
	s0 =	sor.u32 s6, s0;
	s6 =	sand.u32 $0x7F, s9  }
0x121: {  	s8 =	sand.u32 $0xFFFFFE00, s8;
	s0 =	sshra.s32 s0, $0x2;
	s6 =	sshll.u32 s6, $0x2;
	(v2sf) =	vpush v0, $0xD  }
0x122: {  	s0 =	sadd.s32 s21, s0;
	s6 =	sor.u32 s6, s8;
	s8 =	sadd.s32 $0x10, s9  }
0x123: {  	s6 =	sshra.s32 s6, $0x2;
	s9 =	sand.u32 $0x7F, s8;
	s8 =	sshll.u32 s8, $0x2  }
0x124: {  	[tilespmem:s21+$0xBA00] =	vst v1;
	s12 =	sadd.s32 s21, s6;
	s6 =	sand.u32 $0xFFFFFE00, s8;
	s8 =	sshll.u32 s9, $0x2;
	(v2sf) =	vpush v0, $0xE  }
0x125: {  	v1 =	vld [tilespmem:s5+$0x3A00];
	s5 =	sor.u32 s8, s6;
	s8 =	spop (v2sf)  }
0x126: {  	s5 =	sshra.s32 s5, $0x2;
	s9 =	sand.u32 $0x7F, s8;
	s11 =	sshll.u32 s8, $0x2  }
0x127: {  	s6 =	sadd.s32 s21, s5;
	s5 =	sand.u32 $0xFFFFFE00, s11;
	s9 =	sshll.u32 s9, $0x2  }
0x128: {  	s8 =	sadd.s32 $0x10, s8;
	s5 =	sor.u32 s9, s5;
	s11 =	spop (v2sf)  }
0x129: {  	s16 =	sand.u32 $0x7F, s8;
	s8 =	sshll.u32 s8, $0x2;
	s5 =	sshra.s32 s5, $0x2  }
0x12a: {  	[tilespmem:s21+$0xBA10] =	vst v1;
	s9 =	sadd.s32 s21, s5;
	s5 =	sand.u32 $0xFFFFFE00, s8;
	s8 =	sshll.u32 s16, $0x2  }
0x12b: {  	v1 =	vld [tilespmem:s13+$0x3A80];
	s5 =	sor.u32 s8, s5;
	s8 =	sand.u32 $0x7F, s11;
	s13 =	sshll.u32 s11, $0x2  }
0x12c: {  	s5 =	sshra.s32 s5, $0x2;
	s13 =	sand.u32 $0xFFFFFE00, s13;
	s8 =	sshll.u32 s8, $0x2;
	(v2sf) =	vpush v0, $0xF  }
0x12d: {  	s16 =	sadd.s32 s21, s5;
	s5 =	sor.u32 s8, s13;
	s8 =	sadd.s32 $0x10, s11  }
0x12e: {  	s5 =	sshra.s32 s5, $0x2;
	s11 =	sand.u32 $0x7F, s8;
	s8 =	sshll.u32 s8, $0x2  }
0x12f: {  	s13 =	sadd.s32 s21, s5;
	s5 =	sand.u32 $0xFFFFFE00, s8;
	s8 =	sshll.u32 s11, $0x2  }
0x130: {  	[tilespmem:s21+$0xBA80] =	vst v1;
	s5 =	sor.u32 s8, s5;
	s8 =	spop (v2sf)  }
0x131: {  	v0 =	vld [tilespmem:s7+$0x3A80];
	s5 =	sshra.s32 s5, $0x2;
	s11 =	sand.u32 $0x7F, s8;
	s15 =	sshll.u32 s8, $0x2  }
0x132: {  	s7 =	sadd.s32 s21, s5;
	s5 =	sand.u32 $0xFFFFFE00, s15;
	s11 =	sshll.u32 s11, $0x2  }
0x133: {  	s8 =	sadd.s32 $0x10, s8;
	s5 =	sor.u32 s11, s5;
	s15 =	spop (v2sf)  }
0x134: {  	s2 =	sand.u32 $0x7F, s8;
	s8 =	sshll.u32 s8, $0x2;
	s5 =	sshra.s32 s5, $0x2  }
0x135: {  	s2 =	sshll.u32 s2, $0x2;
	s11 =	sadd.s32 s21, s5;
	s5 =	sand.u32 $0xFFFFFE00, s8  }
0x136: {  	s8 =	sshll.u32 s15, $0x2;
	[tilespmem:s21+$0xBA90] =	vst v0;
	s2 =	sor.u32 s2, s5;
	s5 =	sand.u32 $0x7F, s15  }
0x137: {  	v0 =	vld [tilespmem:s1+$0x3B00];
	s1 =	sshra.s32 s2, $0x2;
	s2 =	sand.u32 $0xFFFFFE00, s8;
	s5 =	sshll.u32 s5, $0x2  }
0x138: {  	s1 =	sadd.s32 s21, s1;
	s2 =	sor.u32 s5, s2;
	s5 =	sadd.s32 $0x10, s15  }
0x139: {  	s2 =	sshra.s32 s2, $0x2;
	s8 =	sand.u32 $0x7F, s5;
	s15 =	sshll.u32 s5, $0x2  }
0x13a: {  	s5 =	sadd.s32 s21, s2;
	s2 =	sand.u32 $0xFFFFFE00, s15;
	s8 =	sshll.u32 s8, $0x2  }
0x13b: {  	s2 =	sor.u32 s8, s2;
	s8 =	spop (v2sf)  }
0x13c: {  	[tilespmem:s21+$0xBB00] =	vst v0;
	s2 =	sshra.s32 s2, $0x2;
	s15 =	sand.u32 $0x7F, s8;
	s4 =	sshll.u32 s8, $0x2  }
0x13d: {  	v0 =	vld [tilespmem:s29+$0x3B00];
	s29 =	sadd.s32 s21, s2;
	s2 =	sand.u32 $0xFFFFFE00, s4;
	s4 =	sshll.u32 s15, $0x2  }
0x13e: {  	s2 =	sor.u32 s4, s2;
	s4 =	sadd.s32 $0x10, s8  }
0x13f: {  	s2 =	sshra.s32 s2, $0x2;
	s15 =	sand.u32 $0x7F, s4;
	s4 =	sshll.u32 s4, $0x2  }
0x140: {  	s8 =	sadd.s32 s21, s2;
	s2 =	sand.u32 $0xFFFFFE00, s4;
	s4 =	sshll.u32 s15, $0x2  }
0x141: {  	s2 =	sor.u32 s4, s2  }
0x142: {  	[tilespmem:s21+$0xBB10] =	vst v0;
	s2 =	sshra.s32 s2, $0x2  }
0x143: {  	v0 =	vld [tilespmem:s25+$0x3B80];
	s25 =	sadd.s32 s21, s2;
	_ =	sdelay $0x4  }
0x144: {  	[tilespmem:s21+$0xBB80] =	vst v0  }
0x145: {  	v0 =	vld [tilespmem:s26+$0x3B80];
	_ =	sdelay $0x4  }
0x146: {  	[tilespmem:s21+$0xBB90] =	vst v0  }
0x147: {  	v0 =	vld [tilespmem:s28+$0x3C00];
	_ =	sdelay $0x4  }
0x148: {  	[tilespmem:s21+$0xBC00] =	vst v0  }
0x149: {  	v0 =	vld [tilespmem:s30+$0x3C00];
	_ =	sdelay $0x4  }
0x14a: {  	[tilespmem:s21+$0xBC10] =	vst v0  }
0x14b: {  	v0 =	vld [tilespmem:s31+$0x3C80];
	_ =	sdelay $0x4  }
0x14c: {  	[tilespmem:s21+$0xBC80] =	vst v0  }
0x14d: {  	v0 =	vld [tilespmem:s0+$0x3C80];
	_ =	sdelay $0x4  }
0x14e: {  	[tilespmem:s21+$0xBC90] =	vst v0  }
0x14f: {  	v0 =	vld [tilespmem:s12+$0x3D00];
	_ =	sdelay $0x4  }
0x150: {  	[tilespmem:s21+$0xBD00] =	vst v0  }
0x151: {  	v0 =	vld [tilespmem:s6+$0x3D00];
	_ =	sdelay $0x4  }
0x152: {  	[tilespmem:s21+$0xBD10] =	vst v0  }
0x153: {  	v0 =	vld [tilespmem:s9+$0x3D80];
	_ =	sdelay $0x4  }
0x154: {  	[tilespmem:s21+$0xBD80] =	vst v0  }
0x155: {  	v0 =	vld [tilespmem:s16+$0x3D80];
	_ =	sdelay $0x4  }
0x156: {  	[tilespmem:s21+$0xBD90] =	vst v0  }
0x157: {  	v0 =	vld [tilespmem:s13+$0x3E00];
	_ =	sdelay $0x4  }
0x158: {  	[tilespmem:s21+$0xBE00] =	vst v0  }
0x159: {  	v0 =	vld [tilespmem:s7+$0x3E00];
	_ =	sdelay $0x4  }
0x15a: {  	[tilespmem:s21+$0xBE10] =	vst v0  }
0x15b: {  	v0 =	vld [tilespmem:s11+$0x3E80];
	_ =	sdelay $0x4  }
0x15c: {  	[tilespmem:s21+$0xBE80] =	vst v0  }
0x15d: {  	v0 =	vld [tilespmem:s1+$0x3E80];
	_ =	sdelay $0x4  }
0x15e: {  	[tilespmem:s21+$0xBE90] =	vst v0  }
0x15f: {  	v0 =	vld [tilespmem:s5+$0x3F00];
	_ =	sdelay $0x4  }
0x160: {  	[tilespmem:s21+$0xBF00] =	vst v0  }
0x161: {  	v0 =	vld [tilespmem:s29+$0x3F00];
	_ =	sdelay $0x4  }
0x162: {  	[tilespmem:s21+$0xBF10] =	vst v0  }
0x163: {  	v0 =	vld [tilespmem:s8+$0x3F80];
	_ =	sdelay $0x1  }
.Ltmp0:
0x164: {  	(pc) =	sbr.rel @p0 .LBB2_3-.Ltmp0, $3  }
0x165: {  	_ =	sdelay $0x1  }
0x166: {  	[tilespmem:s21+$0xBF80] =	vst v0  }
0x167: {  	v0 =	vld [tilespmem:s25+$0x3F80]  }
0x168: {  	_ = 	snop  }
0x169: {  	s0 =	sshll.u32 s19, $0xF;
	s1 =	rddreg [dreg:$0x6]  }
0x16a: {  	s0 =	sadd.s32 s1, s0  }
0x16b: {  	s16 =	rddreg [dreg:$0x2];
	s0 =	sshrl.u32 s0, $0x3  }
0x16c: {  	s31 =	simm.s32 $0x0;
	s0 =	sadd.s32 s16, s0;
	[tilespmem:s21+$0xBF90] =	vst v0;
	s21 =	simm.s32 $0xB800  }
0x16d: {  	[hbm4b:s0+s31] =	stream.linear.scatter [tilespmem:s21], [sflag:$0x2], $0x4000, $0x38;
	[tilespmem:$0xF800] =	vst v63  }
0x16e: {  	p0 =	seq.s32 s19, $0x18;
	_ =	swait.ge [sflag:s10], $0x4000  }
0x16f: {  	s1 =	simm.s32 @!p0 $0x80;
	s0 =	sshrl.u32 @!p0 s22, $0x2;
	[sflag:s10] =	ssyncset.done $0x0  }
0x170: {  	s2 =	simm.s32 @!p0 $0x3800;
	s0 =	sadd.s32 @!p0 $0x100, s0;
	[sflag:s10] =	ssyncadd.s32 $0xFFFFC000  }
0x171: {  	[tilespmem:s2], [sflag:$0x1] =	stream.indirect.gather @!p0 [hbm4b:s3+s1], $0x80, s0, s1, $0xb8;
	[tilespmem:$0xF800] =	vst v63  }
0x172: {  	_ =	swait.ge [sflag:s14], $0x4000  }
0x173: {  	[sflag:s14] =	ssyncset.done $0x0  }
0x174: {  	[sflag:s14] =	ssyncadd.s32 $0xFFFFC000  }
0x175: {  	v0 =	vld [tilespmem:s18+$0x0];
	_ =	sdelay $0x4  }
0x176: {  	(v2sf) =	vpush v0, $0x0;
	_ =	sdelay $0xb  }
0x177: {  	(v2sf) =	vpush v0, $0x1;
	_ =	sdelay $0x2  }
0x178: {  	s23 =	spop (v2sf)  }
0x179: {  	s24 =	sand.u32 $0x7F, s23;
	s25 =	sshll.u32 s23, $0x2  }
0x17a: {  	s2 =	sand.u32 $0xFFFFFE00, s25;
	s1 =	sshll.u32 s24, $0x2  }
0x17b: {  	s1 =	sor.u32 s1, s2  }
0x17c: {  	s1 =	sshra.s32 s1, $0x2  }
0x17d: {  	s1 =	sadd.s32 $0x0, s1  }
0x17e: {  	s0 =	sadd.s32 $0x10, s23;
	v1 =	vld [tilespmem:s1+$0x7800]  }
0x17f: {  	s26 =	sand.u32 $0x7F, s0;
	s0 =	sshll.u32 s0, $0x2  }
0x180: {  	s0 =	sand.u32 $0xFFFFFE00, s0;
	s1 =	sshll.u32 s26, $0x2  }
0x181: {  	(v2sf) =	vpush v0, $0x2;
	s0 =	sor.u32 s1, s0  }
0x182: {  	s21 =	simm.s32 $0x0;
	s0 =	sshra.s32 s0, $0x2  }
0x183: {  	s0 =	sadd.s32 $0x0, s0;
	[tilespmem:s21+$0xB800] =	vst v1  }
0x184: {  	s28 =	spop (v2sf);
	v1 =	vld [tilespmem:s0+$0x7800]  }
0x185: {  	s29 =	sand.u32 $0x7F, s28;
	s30 =	sshll.u32 s28, $0x2  }
0x186: {  	s2 =	sand.u32 $0xFFFFFE00, s30;
	s0 =	sshll.u32 s29, $0x2  }
0x187: {  	s0 =	sor.u32 s0, s2  }
0x188: {  	s0 =	sshra.s32 s0, $0x2  }
0x189: {  	s0 =	sadd.s32 $0x0, s0;
	[tilespmem:s21+$0xB810] =	vst v1  }
0x18a: {  	s1 =	sadd.s32 $0x10, s28;
	v1 =	vld [tilespmem:s0+$0x7880]  }
0x18b: {  	s4 =	sand.u32 $0x7F, s1;
	s1 =	sshll.u32 s1, $0x2  }
0x18c: {  	s1 =	sand.u32 $0xFFFFFE00, s1;
	s0 =	sshll.u32 s4, $0x2  }
0x18d: {  	(v2sf) =	vpush v0, $0x3;
	s0 =	sor.u32 s0, s1  }
0x18e: {  	s0 =	sshra.s32 s0, $0x2  }
0x18f: {  	s0 =	sadd.s32 $0x0, s0;
	[tilespmem:s21+$0xB880] =	vst v1  }
0x190: {  	s5 =	spop (v2sf);
	v1 =	vld [tilespmem:s0+$0x7880]  }
0x191: {  	s6 =	sand.u32 $0x7F, s5;
	s7 =	sshll.u32 s5, $0x2  }
0x192: {  	s2 =	sand.u32 $0xFFFFFE00, s7;
	s0 =	sshll.u32 s6, $0x2  }
0x193: {  	s0 =	sor.u32 s0, s2  }
0x194: {  	s0 =	sshra.s32 s0, $0x2  }
0x195: {  	s0 =	sadd.s32 $0x0, s0;
	[tilespmem:s21+$0xB890] =	vst v1  }
0x196: {  	s1 =	sadd.s32 $0x10, s5;
	v1 =	vld [tilespmem:s0+$0x7900]  }
0x197: {  	s8 =	sand.u32 $0x7F, s1;
	s1 =	sshll.u32 s1, $0x2  }
0x198: {  	s1 =	sand.u32 $0xFFFFFE00, s1;
	s0 =	sshll.u32 s8, $0x2  }
0x199: {  	(v2sf) =	vpush v0, $0x4;
	s0 =	sor.u32 s0, s1  }
0x19a: {  	s0 =	sshra.s32 s0, $0x2  }
0x19b: {  	s0 =	sadd.s32 $0x0, s0;
	[tilespmem:s21+$0xB900] =	vst v1  }
0x19c: {  	s9 =	spop (v2sf);
	v1 =	vld [tilespmem:s0+$0x7900]  }
0x19d: {  	s11 =	sand.u32 $0x7F, s9;
	s12 =	sshll.u32 s9, $0x2  }
0x19e: {  	s2 =	sand.u32 $0xFFFFFE00, s12;
	s0 =	sshll.u32 s11, $0x2  }
0x19f: {  	s0 =	sor.u32 s0, s2  }
0x1a0: {  	s0 =	sshra.s32 s0, $0x2  }
0x1a1: {  	s0 =	sadd.s32 $0x0, s0;
	[tilespmem:s21+$0xB910] =	vst v1  }
0x1a2: {  	s1 =	sadd.s32 $0x10, s9;
	v1 =	vld [tilespmem:s0+$0x7980]  }
0x1a3: {  	s13 =	sand.u32 $0x7F, s1;
	s1 =	sshll.u32 s1, $0x2  }
0x1a4: {  	s1 =	sand.u32 $0xFFFFFE00, s1;
	s0 =	sshll.u32 s13, $0x2  }
0x1a5: {  	(v2sf) =	vpush v0, $0x5;
	s0 =	sor.u32 s0, s1  }
0x1a6: {  	s0 =	sshra.s32 s0, $0x2  }
0x1a7: {  	s0 =	sadd.s32 $0x0, s0;
	[tilespmem:s21+$0xB980] =	vst v1  }
0x1a8: {  	s15 =	spop (v2sf);
	v1 =	vld [tilespmem:s0+$0x7980]  }
0x1a9: {  	s16 =	sand.u32 $0x7F, s15;
	s22 =	sshll.u32 s15, $0x2  }
0x1aa: {  	s2 =	sand.u32 $0xFFFFFE00, s22;
	s0 =	sshll.u32 s16, $0x2  }
0x1ab: {  	s0 =	sor.u32 s0, s2  }
0x1ac: {  	s0 =	sshra.s32 s0, $0x2  }
0x1ad: {  	s0 =	sadd.s32 $0x0, s0;
	[tilespmem:s21+$0xB990] =	vst v1  }
0x1ae: {  	s1 =	sadd.s32 $0x10, s15;
	v1 =	vld [tilespmem:s0+$0x7A00]  }
0x1af: {  	s23 =	sand.u32 $0x7F, s1;
	s1 =	sshll.u32 s1, $0x2  }
0x1b0: {  	s1 =	sand.u32 $0xFFFFFE00, s1;
	s0 =	sshll.u32 s23, $0x2  }
0x1b1: {  	(v2sf) =	vpush v0, $0x6;
	s0 =	sor.u32 s0, s1  }
0x1b2: {  	s0 =	sshra.s32 s0, $0x2  }
0x1b3: {  	s0 =	sadd.s32 $0x0, s0;
	[tilespmem:s21+$0xBA00] =	vst v1  }
0x1b4: {  	s24 =	spop (v2sf);
	v1 =	vld [tilespmem:s0+$0x7A00]  }
0x1b5: {  	s25 =	sand.u32 $0x7F, s24;
	s26 =	sshll.u32 s24, $0x2  }
0x1b6: {  	s2 =	sand.u32 $0xFFFFFE00, s26;
	s0 =	sshll.u32 s25, $0x2  }
0x1b7: {  	s0 =	sor.u32 s0, s2  }
0x1b8: {  	s0 =	sshra.s32 s0, $0x2  }
0x1b9: {  	s0 =	sadd.s32 $0x0, s0;
	[tilespmem:s21+$0xBA10] =	vst v1  }
0x1ba: {  	s1 =	sadd.s32 $0x10, s24;
	v1 =	vld [tilespmem:s0+$0x7A80]  }
0x1bb: {  	s28 =	sand.u32 $0x7F, s1;
	s1 =	sshll.u32 s1, $0x2  }
0x1bc: {  	s1 =	sand.u32 $0xFFFFFE00, s1;
	s0 =	sshll.u32 s28, $0x2  }
0x1bd: {  	(v2sf) =	vpush v0, $0x7;
	s0 =	sor.u32 s0, s1  }
0x1be: {  	s0 =	sshra.s32 s0, $0x2  }
0x1bf: {  	s0 =	sadd.s32 $0x0, s0;
	[tilespmem:s21+$0xBA80] =	vst v1  }
0x1c0: {  	s29 =	spop (v2sf);
	v1 =	vld [tilespmem:s0+$0x7A80]  }
0x1c1: {  	s30 =	sand.u32 $0x7F, s29;
	s4 =	sshll.u32 s29, $0x2  }
0x1c2: {  	s2 =	sand.u32 $0xFFFFFE00, s4;
	s0 =	sshll.u32 s30, $0x2  }
0x1c3: {  	s0 =	sor.u32 s0, s2  }
0x1c4: {  	s0 =	sshra.s32 s0, $0x2  }
0x1c5: {  	s0 =	sadd.s32 $0x0, s0;
	[tilespmem:s21+$0xBA90] =	vst v1  }
0x1c6: {  	s1 =	sadd.s32 $0x10, s29;
	v1 =	vld [tilespmem:s0+$0x7B00]  }
0x1c7: {  	s5 =	sand.u32 $0x7F, s1;
	s1 =	sshll.u32 s1, $0x2  }
0x1c8: {  	s1 =	sand.u32 $0xFFFFFE00, s1;
	s0 =	sshll.u32 s5, $0x2  }
0x1c9: {  	(v2sf) =	vpush v0, $0x8;
	s0 =	sor.u32 s0, s1  }
0x1ca: {  	s0 =	sshra.s32 s0, $0x2  }
0x1cb: {  	s0 =	sadd.s32 $0x0, s0;
	[tilespmem:s21+$0xBB00] =	vst v1  }
0x1cc: {  	s6 =	spop (v2sf);
	v1 =	vld [tilespmem:s0+$0x7B00]  }
0x1cd: {  	s7 =	sand.u32 $0x7F, s6;
	s8 =	sshll.u32 s6, $0x2  }
0x1ce: {  	s2 =	sand.u32 $0xFFFFFE00, s8;
	s0 =	sshll.u32 s7, $0x2  }
0x1cf: {  	s0 =	sor.u32 s0, s2  }
0x1d0: {  	s0 =	sshra.s32 s0, $0x2  }
0x1d1: {  	s0 =	sadd.s32 $0x0, s0;
	[tilespmem:s21+$0xBB10] =	vst v1  }
0x1d2: {  	s1 =	sadd.s32 $0x10, s6;
	v1 =	vld [tilespmem:s0+$0x7B80]  }
0x1d3: {  	s9 =	sand.u32 $0x7F, s1;
	s1 =	sshll.u32 s1, $0x2  }
0x1d4: {  	s1 =	sand.u32 $0xFFFFFE00, s1;
	s0 =	sshll.u32 s9, $0x2  }
0x1d5: {  	(v2sf) =	vpush v0, $0x9;
	s0 =	sor.u32 s0, s1  }
0x1d6: {  	s0 =	sshra.s32 s0, $0x2  }
0x1d7: {  	s0 =	sadd.s32 $0x0, s0;
	[tilespmem:s21+$0xBB80] =	vst v1  }
0x1d8: {  	s11 =	spop (v2sf);
	v1 =	vld [tilespmem:s0+$0x7B80]  }
0x1d9: {  	s12 =	sand.u32 $0x7F, s11;
	s13 =	sshll.u32 s11, $0x2  }
0x1da: {  	s2 =	sand.u32 $0xFFFFFE00, s13;
	s0 =	sshll.u32 s12, $0x2  }
0x1db: {  	s0 =	sor.u32 s0, s2  }
0x1dc: {  	s0 =	sshra.s32 s0, $0x2  }
0x1dd: {  	s0 =	sadd.s32 $0x0, s0;
	[tilespmem:s21+$0xBB90] =	vst v1  }
0x1de: {  	s1 =	sadd.s32 $0x10, s11;
	v1 =	vld [tilespmem:s0+$0x7C00]  }
0x1df: {  	s15 =	sand.u32 $0x7F, s1;
	s1 =	sshll.u32 s1, $0x2  }
0x1e0: {  	s1 =	sand.u32 $0xFFFFFE00, s1;
	s0 =	sshll.u32 s15, $0x2  }
0x1e1: {  	(v2sf) =	vpush v0, $0xA;
	s0 =	sor.u32 s0, s1  }
0x1e2: {  	s0 =	sshra.s32 s0, $0x2  }
0x1e3: {  	s0 =	sadd.s32 $0x0, s0;
	[tilespmem:s21+$0xBC00] =	vst v1  }
0x1e4: {  	s16 =	spop (v2sf);
	v1 =	vld [tilespmem:s0+$0x7C00]  }
0x1e5: {  	s22 =	sand.u32 $0x7F, s16;
	s23 =	sshll.u32 s16, $0x2  }
0x1e6: {  	s2 =	sand.u32 $0xFFFFFE00, s23;
	s0 =	sshll.u32 s22, $0x2  }
0x1e7: {  	s0 =	sor.u32 s0, s2  }
0x1e8: {  	s0 =	sshra.s32 s0, $0x2  }
0x1e9: {  	s0 =	sadd.s32 $0x0, s0;
	[tilespmem:s21+$0xBC10] =	vst v1  }
0x1ea: {  	s1 =	sadd.s32 $0x10, s16;
	v1 =	vld [tilespmem:s0+$0x7C80]  }
0x1eb: {  	s24 =	sand.u32 $0x7F, s1;
	s1 =	sshll.u32 s1, $0x2  }
0x1ec: {  	s1 =	sand.u32 $0xFFFFFE00, s1;
	s0 =	sshll.u32 s24, $0x2  }
0x1ed: {  	(v2sf) =	vpush v0, $0xB;
	s0 =	sor.u32 s0, s1  }
0x1ee: {  	s0 =	sshra.s32 s0, $0x2  }
0x1ef: {  	s0 =	sadd.s32 $0x0, s0;
	[tilespmem:s21+$0xBC80] =	vst v1  }
0x1f0: {  	s25 =	spop (v2sf);
	v1 =	vld [tilespmem:s0+$0x7C80]  }
0x1f1: {  	s26 =	sand.u32 $0x7F, s25;
	s28 =	sshll.u32 s25, $0x2  }
0x1f2: {  	s2 =	sand.u32 $0xFFFFFE00, s28;
	s0 =	sshll.u32 s26, $0x2  }
0x1f3: {  	s0 =	sor.u32 s0, s2  }
0x1f4: {  	s0 =	sshra.s32 s0, $0x2  }
0x1f5: {  	s0 =	sadd.s32 $0x0, s0;
	[tilespmem:s21+$0xBC90] =	vst v1  }
0x1f6: {  	s1 =	sadd.s32 $0x10, s25;
	v1 =	vld [tilespmem:s0+$0x7D00]  }
0x1f7: {  	s29 =	sand.u32 $0x7F, s1;
	s1 =	sshll.u32 s1, $0x2  }
0x1f8: {  	s1 =	sand.u32 $0xFFFFFE00, s1;
	s0 =	sshll.u32 s29, $0x2  }
0x1f9: {  	(v2sf) =	vpush v0, $0xC;
	s0 =	sor.u32 s0, s1  }
0x1fa: {  	s0 =	sshra.s32 s0, $0x2  }
0x1fb: {  	s0 =	sadd.s32 $0x0, s0;
	[tilespmem:s21+$0xBD00] =	vst v1  }
0x1fc: {  	s30 =	spop (v2sf);
	v1 =	vld [tilespmem:s0+$0x7D00]  }
0x1fd: {  	s4 =	sand.u32 $0x7F, s30;
	s5 =	sshll.u32 s30, $0x2  }
0x1fe: {  	s2 =	sand.u32 $0xFFFFFE00, s5;
	s0 =	sshll.u32 s4, $0x2  }
0x1ff: {  	s0 =	sor.u32 s0, s2  }
0x200: {  	s0 =	sshra.s32 s0, $0x2  }
0x201: {  	s0 =	sadd.s32 $0x0, s0;
	[tilespmem:s21+$0xBD10] =	vst v1  }
0x202: {  	s1 =	sadd.s32 $0x10, s30;
	v1 =	vld [tilespmem:s0+$0x7D80]  }
0x203: {  	s6 =	sand.u32 $0x7F, s1;
	s1 =	sshll.u32 s1, $0x2  }
0x204: {  	s1 =	sand.u32 $0xFFFFFE00, s1;
	s0 =	sshll.u32 s6, $0x2  }
0x205: {  	(v2sf) =	vpush v0, $0xD;
	s0 =	sor.u32 s0, s1  }
0x206: {  	s0 =	sshra.s32 s0, $0x2  }
0x207: {  	s0 =	sadd.s32 $0x0, s0;
	[tilespmem:s21+$0xBD80] =	vst v1  }
0x208: {  	s7 =	spop (v2sf);
	v1 =	vld [tilespmem:s0+$0x7D80]  }
0x209: {  	s8 =	sand.u32 $0x7F, s7;
	s9 =	sshll.u32 s7, $0x2  }
0x20a: {  	s2 =	sand.u32 $0xFFFFFE00, s9;
	s0 =	sshll.u32 s8, $0x2  }
0x20b: {  	s0 =	sor.u32 s0, s2  }
0x20c: {  	s0 =	sshra.s32 s0, $0x2  }
0x20d: {  	s0 =	sadd.s32 $0x0, s0;
	[tilespmem:s21+$0xBD90] =	vst v1  }
0x20e: {  	s1 =	sadd.s32 $0x10, s7;
	v1 =	vld [tilespmem:s0+$0x7E00]  }
0x20f: {  	s11 =	sand.u32 $0x7F, s1;
	s1 =	sshll.u32 s1, $0x2  }
0x210: {  	s1 =	sand.u32 $0xFFFFFE00, s1;
	s0 =	sshll.u32 s11, $0x2  }
0x211: {  	(v2sf) =	vpush v0, $0xE;
	s0 =	sor.u32 s0, s1  }
0x212: {  	s0 =	sshra.s32 s0, $0x2  }
0x213: {  	s0 =	sadd.s32 $0x0, s0;
	[tilespmem:s21+$0xBE00] =	vst v1  }
0x214: {  	s12 =	spop (v2sf);
	v1 =	vld [tilespmem:s0+$0x7E00]  }
0x215: {  	s13 =	sand.u32 $0x7F, s12;
	s15 =	sshll.u32 s12, $0x2  }
0x216: {  	s2 =	sand.u32 $0xFFFFFE00, s15;
	s0 =	sshll.u32 s13, $0x2  }
0x217: {  	s0 =	sor.u32 s0, s2  }
0x218: {  	s0 =	sshra.s32 s0, $0x2  }
0x219: {  	s0 =	sadd.s32 $0x0, s0;
	[tilespmem:s21+$0xBE10] =	vst v1  }
0x21a: {  	s1 =	sadd.s32 $0x10, s12;
	v1 =	vld [tilespmem:s0+$0x7E80]  }
0x21b: {  	s16 =	sand.u32 $0x7F, s1;
	s1 =	sshll.u32 s1, $0x2  }
0x21c: {  	s1 =	sand.u32 $0xFFFFFE00, s1;
	s0 =	sshll.u32 s16, $0x2  }
0x21d: {  	(v2sf) =	vpush v0, $0xF;
	s0 =	sor.u32 s0, s1  }
0x21e: {  	s0 =	sshra.s32 s0, $0x2  }
0x21f: {  	s0 =	sadd.s32 $0x0, s0;
	[tilespmem:s21+$0xBE80] =	vst v1  }
0x220: {  	s22 =	spop (v2sf);
	v0 =	vld [tilespmem:s0+$0x7E80]  }
0x221: {  	s23 =	sand.u32 $0x7F, s22;
	s24 =	sshll.u32 s22, $0x2  }
0x222: {  	s2 =	sand.u32 $0xFFFFFE00, s24;
	s0 =	sshll.u32 s23, $0x2  }
0x223: {  	s0 =	sor.u32 s0, s2  }
0x224: {  	s0 =	sshra.s32 s0, $0x2  }
0x225: {  	s0 =	sadd.s32 $0x0, s0;
	[tilespmem:s21+$0xBE90] =	vst v0  }
0x226: {  	s1 =	sadd.s32 $0x10, s22;
	v0 =	vld [tilespmem:s0+$0x7F00]  }
0x227: {  	s25 =	sand.u32 $0x7F, s1;
	s1 =	sshll.u32 s1, $0x2  }
0x228: {  	s1 =	sand.u32 $0xFFFFFE00, s1;
	s0 =	sshll.u32 s25, $0x2  }
0x229: {  	s0 =	sor.u32 s0, s1  }
0x22a: {  	s0 =	sshra.s32 s0, $0x2  }
0x22b: {  	s0 =	sadd.s32 $0x0, s0;
	[tilespmem:s21+$0xBF00] =	vst v0  }
0x22c: {  	s26 =	spop (v2sf);
	v0 =	vld [tilespmem:s0+$0x7F00]  }
0x22d: {  	s28 =	sand.u32 $0x7F, s26;
	s29 =	sshll.u32 s26, $0x2  }
0x22e: {  	s2 =	sand.u32 $0xFFFFFE00, s29;
	s0 =	sshll.u32 s28, $0x2  }
0x22f: {  	s0 =	sor.u32 s0, s2  }
0x230: {  	s0 =	sshra.s32 s0, $0x2  }
0x231: {  	s0 =	sadd.s32 $0x0, s0;
	[tilespmem:s21+$0xBF10] =	vst v0  }
0x232: {  	s1 =	sadd.s32 $0x10, s26;
	v0 =	vld [tilespmem:s0+$0x7F80]  }
0x233: {  	s30 =	sand.u32 $0x7F, s1;
	s1 =	sshll.u32 s1, $0x2  }
0x234: {  	s1 =	sand.u32 $0xFFFFFE00, s1;
	s0 =	sshll.u32 s30, $0x2  }
0x235: {  	s0 =	sor.u32 s0, s1  }
0x236: {  	s0 =	sshra.s32 s0, $0x2  }
0x237: {  	s0 =	sadd.s32 $0x0, s0;
	[tilespmem:s21+$0xBF80] =	vst v0  }
0x238: {  	s22 =	simm.s32 $0x2000;
	s23 =	smov.u32 s18;
	v0 =	vld [tilespmem:s0+$0x7F80]  }
.LBB2_5:
0x239: {  	_ =	sdelay $0x2  }
0x23a: {  	p0 =	sne.s32 s22, $0xE000  }
0x23b: {  	s23 =	sadd.s32 $0x10, s23;
	s0 =	smov.u32 s22;
	s22 =	sadd.s32 $0x2000, s22;
	[tilespmem:s21+$0xBF90] =	vst v0  }
0x23c: {  	v0 =	vld [tilespmem:s23+$0x0];
	_ =	sdelay $0x4  }
0x23d: {  	(v2sf) =	vpush v0, $0x0;
	_ =	sdelay $0x3  }
0x23e: {  	(v2sf) =	vpush v0, $0x1;
	_ =	sdelay $0x1  }
0x23f: {  	(v2sf) =	vpush v0, $0x2;
	_ =	sdelay $0x7  }
0x240: {  	(v2sf) =	vpush v0, $0x3  }
0x241: {  	s21 =	sshra.s32 s0, $0x2;
	s0 =	spop (v2sf)  }
0x242: {  	s1 =	sand.u32 $0x7F, s0;
	s2 =	sshll.u32 s0, $0x2;
	s0 =	sadd.s32 $0x10, s0  }
0x243: {  	s2 =	sand.u32 $0xFFFFFE00, s2;
	s1 =	sshll.u32 s1, $0x2;
	s4 =	sand.u32 $0x7F, s0  }
0x244: {  	s0 =	sshll.u32 s0, $0x2;
	s1 =	sor.u32 s1, s2;
	s2 =	sshll.u32 s4, $0x2  }
0x245: {  	s0 =	sand.u32 $0xFFFFFE00, s0;
	s1 =	sshra.s32 s1, $0x2;
	s4 =	spop (v2sf)  }
0x246: {  	s0 =	sor.u32 s2, s0;
	s1 =	sadd.s32 s21, s1;
	s2 =	sand.u32 $0x7F, s4;
	(v2sf) =	vpush v0, $0x4  }
0x247: {  	v1 =	vld [tilespmem:s1+$0x7800];
	s1 =	sshll.u32 s4, $0x2;
	s4 =	sadd.s32 $0x10, s4;
	s5 =	spop (v2sf)  }
0x248: {  	s2 =	sshll.u32 s2, $0x2;
	s1 =	sand.u32 $0xFFFFFE00, s1;
	s6 =	sand.u32 $0x7F, s5  }
0x249: {  	s1 =	sor.u32 s2, s1;
	s2 =	sand.u32 $0x7F, s4;
	s4 =	sshll.u32 s4, $0x2  }
0x24a: {  	s8 =	sshra.s32 s1, $0x2;
	s1 =	sand.u32 $0xFFFFFE00, s4;
	s4 =	sshll.u32 s5, $0x2  }
0x24b: {  	s0 =	sshra.s32 s0, $0x2;
	s6 =	sshll.u32 s6, $0x2;
	s4 =	sand.u32 $0xFFFFFE00, s4  }
0x24c: {  	s0 =	sadd.s32 s21, s0;
	s2 =	sshll.u32 s2, $0x2;
	[tilespmem:s21+$0xB800] =	vst v1;
	s4 =	sor.u32 s6, s4;
	(v2sf) =	vpush v0, $0x5  }
0x24d: {  	v1 =	vld [tilespmem:s0+$0x7800];
	s0 =	sor.u32 s2, s1;
	s7 =	sshra.s32 s4, $0x2;
	s1 =	sadd.s32 $0x10, s5  }
0x24e: {  	s0 =	sshra.s32 s0, $0x2;
	s2 =	sand.u32 $0x7F, s1;
	s1 =	sshll.u32 s1, $0x2  }
0x24f: {  	s1 =	sand.u32 $0xFFFFFE00, s1;
	s2 =	sshll.u32 s2, $0x2;
	s4 =	spop (v2sf)  }
0x250: {  	s1 =	sor.u32 s2, s1;
	s2 =	sand.u32 $0x7F, s4;
	s5 =	sshll.u32 s4, $0x2  }
0x251: {  	s1 =	sshra.s32 s1, $0x2;
	s5 =	sand.u32 $0xFFFFFE00, s5;
	s2 =	sshll.u32 s2, $0x2  }
0x252: {  	s6 =	sadd.s32 s21, s8;
	s4 =	sadd.s32 $0x10, s4;
	[tilespmem:s21+$0xB810] =	vst v1;
	s2 =	sor.u32 s2, s5;
	(v2sf) =	vpush v0, $0x6  }
0x253: {  	s5 =	sand.u32 $0x7F, s4;
	s4 =	sshll.u32 s4, $0x2;
	v1 =	vld [tilespmem:s6+$0x7880];
	s2 =	sshra.s32 s2, $0x2  }
0x254: {  	s8 =	sadd.s32 s21, s2;
	s2 =	sand.u32 $0xFFFFFE00, s4;
	s4 =	sshll.u32 s5, $0x2  }
0x255: {  	s2 =	sor.u32 s4, s2;
	s4 =	spop (v2sf)  }
0x256: {  	s2 =	sshra.s32 s2, $0x2;
	s5 =	sand.u32 $0x7F, s4;
	s9 =	sshll.u32 s4, $0x2  }
0x257: {  	s6 =	sadd.s32 s21, s2;
	s2 =	sand.u32 $0xFFFFFE00, s9;
	s5 =	sshll.u32 s5, $0x2  }
0x258: {  	s0 =	sadd.s32 s21, s0;
	s4 =	sadd.s32 $0x10, s4;
	[tilespmem:s21+$0xB880] =	vst v1;
	s2 =	sor.u32 s5, s2;
	(v2sf) =	vpush v0, $0x7  }
0x259: {  	v1 =	vld [tilespmem:s0+$0x7880];
	s0 =	sshra.s32 s2, $0x2;
	s2 =	sand.u32 $0x7F, s4;
	s4 =	sshll.u32 s4, $0x2  }
0x25a: {  	s0 =	sadd.s32 s21, s0;
	s4 =	sand.u32 $0xFFFFFE00, s4;
	s2 =	sshll.u32 s2, $0x2  }
0x25b: {  	s2 =	sor.u32 s2, s4;
	s4 =	spop (v2sf);
	(v2sf) =	vpush v0, $0x8  }
0x25c: {  	s2 =	sshra.s32 s2, $0x2;
	s9 =	sand.u32 $0x7F, s4;
	s11 =	sshll.u32 s4, $0x2  }
0x25d: {  	s5 =	sadd.s32 s21, s2;
	s2 =	sand.u32 $0xFFFFFE00, s11;
	s9 =	sshll.u32 s9, $0x2  }
0x25e: {  	s7 =	sadd.s32 s21, s7;
	s4 =	sadd.s32 $0x10, s4;
	[tilespmem:s21+$0xB890] =	vst v1;
	s2 =	sor.u32 s9, s2  }
0x25f: {  	v1 =	vld [tilespmem:s7+$0x7900];
	s2 =	sshra.s32 s2, $0x2;
	s7 =	sand.u32 $0x7F, s4;
	s4 =	sshll.u32 s4, $0x2  }
0x260: {  	s13 =	sadd.s32 s21, s2;
	s2 =	sand.u32 $0xFFFFFE00, s4;
	s4 =	sshll.u32 s7, $0x2  }
0x261: {  	s2 =	sor.u32 s4, s2;
	s4 =	spop (v2sf)  }
0x262: {  	s2 =	sshra.s32 s2, $0x2;
	s9 =	sand.u32 $0x7F, s4;
	s11 =	sshll.u32 s4, $0x2  }
0x263: {  	s7 =	sadd.s32 s21, s2;
	s2 =	sand.u32 $0xFFFFFE00, s11;
	s9 =	sshll.u32 s9, $0x2;
	(v2sf) =	vpush v0, $0x9  }
0x264: {  	s1 =	sadd.s32 s21, s1;
	s4 =	sadd.s32 $0x10, s4;
	[tilespmem:s21+$0xB900] =	vst v1;
	s2 =	sor.u32 s9, s2  }
0x265: {  	v1 =	vld [tilespmem:s1+$0x7900];
	s1 =	sshra.s32 s2, $0x2;
	s2 =	sand.u32 $0x7F, s4;
	s4 =	sshll.u32 s4, $0x2  }
0x266: {  	s1 =	sadd.s32 s21, s1;
	s4 =	sand.u32 $0xFFFFFE00, s4;
	s2 =	sshll.u32 s2, $0x2;
	(v2sf) =	vpush v0, $0xA  }
0x267: {  	s2 =	sor.u32 s2, s4;
	s4 =	spop (v2sf)  }
0x268: {  	s2 =	sshra.s32 s2, $0x2;
	s9 =	sand.u32 $0x7F, s4;
	s11 =	sshll.u32 s4, $0x2  }
0x269: {  	s28 =	sadd.s32 s21, s2;
	s2 =	sand.u32 $0xFFFFFE00, s11;
	s9 =	sshll.u32 s9, $0x2  }
0x26a: {  	s4 =	sadd.s32 $0x10, s4;
	[tilespmem:s21+$0xB910] =	vst v1;
	s2 =	sor.u32 s9, s2;
	s9 =	spop (v2sf)  }
0x26b: {  	v1 =	vld [tilespmem:s8+$0x7980];
	s2 =	sshra.s32 s2, $0x2;
	s8 =	sand.u32 $0x7F, s4;
	s4 =	sshll.u32 s4, $0x2  }
0x26c: {  	s24 =	sadd.s32 s21, s2;
	s2 =	sand.u32 $0xFFFFFE00, s4;
	s4 =	sshll.u32 s8, $0x2  }
0x26d: {  	s8 =	sshll.u32 s9, $0x2;
	s2 =	sor.u32 s4, s2;
	s4 =	sand.u32 $0x7F, s9  }
0x26e: {  	s8 =	sand.u32 $0xFFFFFE00, s8;
	s2 =	sshra.s32 s2, $0x2;
	s4 =	sshll.u32 s4, $0x2;
	(v2sf) =	vpush v0, $0xB  }
0x26f: {  	s25 =	sadd.s32 s21, s2;
	s2 =	sor.u32 s4, s8;
	s4 =	sadd.s32 $0x10, s9  }
0x270: {  	[tilespmem:s21+$0xB980] =	vst v1;
	s2 =	sshra.s32 s2, $0x2;
	s8 =	sand.u32 $0x7F, s4;
	s4 =	sshll.u32 s4, $0x2  }
0x271: {  	v1 =	vld [tilespmem:s6+$0x7980];
	s26 =	sadd.s32 s21, s2;
	s2 =	sand.u32 $0xFFFFFE00, s4;
	s4 =	sshll.u32 s8, $0x2;
	(v2sf) =	vpush v0, $0xC  }
0x272: {  	s2 =	sor.u32 s4, s2;
	s4 =	spop (v2sf)  }
0x273: {  	s2 =	sshra.s32 s2, $0x2;
	s6 =	sand.u32 $0x7F, s4;
	s8 =	sshll.u32 s4, $0x2  }
0x274: {  	s29 =	sadd.s32 s21, s2;
	s2 =	sand.u32 $0xFFFFFE00, s8;
	s6 =	sshll.u32 s6, $0x2  }
0x275: {  	s4 =	sadd.s32 $0x10, s4;
	s2 =	sor.u32 s6, s2;
	s6 =	spop (v2sf)  }
0x276: {  	s8 =	sand.u32 $0x7F, s4;
	s4 =	sshll.u32 s4, $0x2;
	[tilespmem:s21+$0xB990] =	vst v1;
	s2 =	sshra.s32 s2, $0x2  }
0x277: {  	v1 =	vld [tilespmem:s0+$0x7A00];
	s30 =	sadd.s32 s21, s2;
	s0 =	sand.u32 $0xFFFFFE00, s4;
	s2 =	sshll.u32 s8, $0x2  }
0x278: {  	s4 =	sshll.u32 s6, $0x2;
	s0 =	sor.u32 s2, s0;
	s2 =	sand.u32 $0x7F, s6  }
0x279: {  	s4 =	sand.u32 $0xFFFFFE00, s4;
	s0 =	sshra.s32 s0, $0x2;
	s2 =	sshll.u32 s2, $0x2;
	(v2sf) =	vpush v0, $0xD  }
0x27a: {  	s0 =	sadd.s32 s21, s0;
	s2 =	sor.u32 s2, s4;
	s4 =	sadd.s32 $0x10, s6  }
0x27b: {  	s2 =	sshra.s32 s2, $0x2;
	s6 =	sand.u32 $0x7F, s4;
	s4 =	sshll.u32 s4, $0x2  }
0x27c: {  	[tilespmem:s21+$0xBA00] =	vst v1;
	s12 =	sadd.s32 s21, s2;
	s2 =	sand.u32 $0xFFFFFE00, s4;
	s4 =	sshll.u32 s6, $0x2;
	(v2sf) =	vpush v0, $0xE  }
0x27d: {  	v1 =	vld [tilespmem:s5+$0x7A00];
	s2 =	sor.u32 s4, s2;
	s4 =	spop (v2sf)  }
0x27e: {  	s2 =	sshra.s32 s2, $0x2;
	s5 =	sand.u32 $0x7F, s4;
	s8 =	sshll.u32 s4, $0x2  }
0x27f: {  	s6 =	sadd.s32 s21, s2;
	s2 =	sand.u32 $0xFFFFFE00, s8;
	s5 =	sshll.u32 s5, $0x2  }
0x280: {  	s4 =	sadd.s32 $0x10, s4;
	s2 =	sor.u32 s5, s2;
	s5 =	spop (v2sf)  }
0x281: {  	s8 =	sand.u32 $0x7F, s4;
	s4 =	sshll.u32 s4, $0x2;
	s2 =	sshra.s32 s2, $0x2  }
0x282: {  	[tilespmem:s21+$0xBA10] =	vst v1;
	s9 =	sadd.s32 s21, s2;
	s2 =	sand.u32 $0xFFFFFE00, s4;
	s4 =	sshll.u32 s8, $0x2  }
0x283: {  	s8 =	sshll.u32 s5, $0x2;
	v1 =	vld [tilespmem:s13+$0x7A80];
	s2 =	sor.u32 s4, s2;
	s4 =	sand.u32 $0x7F, s5  }
0x284: {  	s8 =	sand.u32 $0xFFFFFE00, s8;
	s2 =	sshra.s32 s2, $0x2;
	s4 =	sshll.u32 s4, $0x2;
	(v2sf) =	vpush v0, $0xF  }
0x285: {  	s13 =	sadd.s32 s21, s2;
	s2 =	sor.u32 s4, s8;
	s4 =	sadd.s32 $0x10, s5  }
0x286: {  	s2 =	sshra.s32 s2, $0x2;
	s5 =	sand.u32 $0x7F, s4;
	s4 =	sshll.u32 s4, $0x2  }
0x287: {  	s16 =	sadd.s32 s21, s2;
	s2 =	sand.u32 $0xFFFFFE00, s4;
	s4 =	sshll.u32 s5, $0x2  }
0x288: {  	[tilespmem:s21+$0xBA80] =	vst v1;
	s2 =	sor.u32 s4, s2;
	s4 =	spop (v2sf)  }
0x289: {  	v0 =	vld [tilespmem:s7+$0x7A80];
	s2 =	sshra.s32 s2, $0x2;
	s5 =	sand.u32 $0x7F, s4;
	s8 =	sshll.u32 s4, $0x2  }
0x28a: {  	s7 =	sadd.s32 s21, s2;
	s2 =	sand.u32 $0xFFFFFE00, s8;
	s5 =	sshll.u32 s5, $0x2  }
0x28b: {  	s4 =	sadd.s32 $0x10, s4;
	s2 =	sor.u32 s5, s2;
	s5 =	spop (v2sf)  }
0x28c: {  	s8 =	sand.u32 $0x7F, s4;
	s4 =	sshll.u32 s4, $0x2;
	s2 =	sshra.s32 s2, $0x2  }
0x28d: {  	s11 =	sadd.s32 s21, s2;
	s2 =	sand.u32 $0xFFFFFE00, s4;
	s4 =	sshll.u32 s8, $0x2  }
0x28e: {  	s8 =	sshll.u32 s5, $0x2;
	[tilespmem:s21+$0xBA90] =	vst v0;
	s2 =	sor.u32 s4, s2;
	s4 =	sand.u32 $0x7F, s5  }
0x28f: {  	v0 =	vld [tilespmem:s1+$0x7B00];
	s1 =	sshra.s32 s2, $0x2;
	s2 =	sand.u32 $0xFFFFFE00, s8;
	s4 =	sshll.u32 s4, $0x2  }
0x290: {  	s1 =	sadd.s32 s21, s1;
	s2 =	sor.u32 s4, s2;
	s4 =	sadd.s32 $0x10, s5  }
0x291: {  	s2 =	sshra.s32 s2, $0x2;
	s8 =	sand.u32 $0x7F, s4;
	s4 =	sshll.u32 s4, $0x2  }
0x292: {  	s5 =	sadd.s32 s21, s2;
	s2 =	sand.u32 $0xFFFFFE00, s4;
	s4 =	sshll.u32 s8, $0x2  }
0x293: {  	s2 =	sor.u32 s4, s2;
	s4 =	spop (v2sf)  }
0x294: {  	[tilespmem:s21+$0xBB00] =	vst v0;
	s2 =	sshra.s32 s2, $0x2;
	s8 =	sand.u32 $0x7F, s4;
	s15 =	sshll.u32 s4, $0x2  }
0x295: {  	v0 =	vld [tilespmem:s28+$0x7B00];
	s28 =	sadd.s32 s21, s2;
	s2 =	sand.u32 $0xFFFFFE00, s15;
	s8 =	sshll.u32 s8, $0x2  }
0x296: {  	s4 =	sadd.s32 $0x10, s4;
	s2 =	sor.u32 s8, s2  }
0x297: {  	s15 =	sand.u32 $0x7F, s4;
	s4 =	sshll.u32 s4, $0x2;
	s2 =	sshra.s32 s2, $0x2  }
0x298: {  	s8 =	sadd.s32 s21, s2;
	s2 =	sand.u32 $0xFFFFFE00, s4;
	s4 =	sshll.u32 s15, $0x2  }
0x299: {  	s2 =	sor.u32 s4, s2  }
0x29a: {  	[tilespmem:s21+$0xBB10] =	vst v0;
	s2 =	sshra.s32 s2, $0x2  }
0x29b: {  	v0 =	vld [tilespmem:s24+$0x7B80];
	s24 =	sadd.s32 s21, s2;
	_ =	sdelay $0x4  }
0x29c: {  	[tilespmem:s21+$0xBB80] =	vst v0  }
0x29d: {  	v0 =	vld [tilespmem:s25+$0x7B80];
	_ =	sdelay $0x4  }
0x29e: {  	[tilespmem:s21+$0xBB90] =	vst v0  }
0x29f: {  	v0 =	vld [tilespmem:s26+$0x7C00];
	_ =	sdelay $0x4  }
0x2a0: {  	[tilespmem:s21+$0xBC00] =	vst v0  }
0x2a1: {  	v0 =	vld [tilespmem:s29+$0x7C00];
	_ =	sdelay $0x4  }
0x2a2: {  	[tilespmem:s21+$0xBC10] =	vst v0  }
0x2a3: {  	v0 =	vld [tilespmem:s30+$0x7C80];
	_ =	sdelay $0x4  }
0x2a4: {  	[tilespmem:s21+$0xBC80] =	vst v0  }
0x2a5: {  	v0 =	vld [tilespmem:s0+$0x7C80];
	_ =	sdelay $0x4  }
0x2a6: {  	[tilespmem:s21+$0xBC90] =	vst v0  }
0x2a7: {  	v0 =	vld [tilespmem:s12+$0x7D00];
	_ =	sdelay $0x4  }
0x2a8: {  	[tilespmem:s21+$0xBD00] =	vst v0  }
0x2a9: {  	v0 =	vld [tilespmem:s6+$0x7D00];
	_ =	sdelay $0x4  }
0x2aa: {  	[tilespmem:s21+$0xBD10] =	vst v0  }
0x2ab: {  	v0 =	vld [tilespmem:s9+$0x7D80];
	_ =	sdelay $0x4  }
0x2ac: {  	[tilespmem:s21+$0xBD80] =	vst v0  }
0x2ad: {  	v0 =	vld [tilespmem:s13+$0x7D80];
	_ =	sdelay $0x4  }
0x2ae: {  	[tilespmem:s21+$0xBD90] =	vst v0  }
0x2af: {  	v0 =	vld [tilespmem:s16+$0x7E00];
	_ =	sdelay $0x4  }
0x2b0: {  	[tilespmem:s21+$0xBE00] =	vst v0  }
0x2b1: {  	v0 =	vld [tilespmem:s7+$0x7E00];
	_ =	sdelay $0x4  }
0x2b2: {  	[tilespmem:s21+$0xBE10] =	vst v0  }
0x2b3: {  	v0 =	vld [tilespmem:s11+$0x7E80];
	_ =	sdelay $0x4  }
0x2b4: {  	[tilespmem:s21+$0xBE80] =	vst v0  }
0x2b5: {  	v0 =	vld [tilespmem:s1+$0x7E80];
	_ =	sdelay $0x4  }
0x2b6: {  	[tilespmem:s21+$0xBE90] =	vst v0  }
0x2b7: {  	v0 =	vld [tilespmem:s5+$0x7F00];
	_ =	sdelay $0x4  }
0x2b8: {  	[tilespmem:s21+$0xBF00] =	vst v0  }
0x2b9: {  	v0 =	vld [tilespmem:s28+$0x7F00];
	_ =	sdelay $0x4  }
0x2ba: {  	[tilespmem:s21+$0xBF10] =	vst v0  }
0x2bb: {  	v0 =	vld [tilespmem:s8+$0x7F80];
	_ =	sdelay $0x1  }
.Ltmp1:
0x2bc: {  	(pc) =	sbr.rel @p0 .LBB2_5-.Ltmp1, $3  }
0x2bd: {  	_ =	sdelay $0x1  }
0x2be: {  	[tilespmem:s21+$0xBF80] =	vst v0  }
0x2bf: {  	v0 =	vld [tilespmem:s24+$0x7F80]  }
0x2c0: {  	_ = 	snop  }
0x2c1: {  	s0 =	rddreg [dreg:$0x3]  }
0x2c2: {  	s19 =	sadd.s32 $0x1, s19;
	s0 =	sadd.s32 s0, s20  }
0x2c3: {  	s1 =	rddreg [dreg:$0x2];
	p0 =	sne.s32 s19, $0x19;
	s0 =	sshll.u32 s0, $0x4  }
.Ltmp2:
0x2c4: {  	s30 =	simm.s32 $0xB800;
	s0 =	sadd.s32 s1, s0;
	[tilespmem:s21+$0xBF90] =	vst v0;
	(pc) =	sbr.rel @p0 .LBB2_2-.Ltmp2, $4  }
0x2c5: {  	[hbm4b:s0+s31] =	stream.linear.scatter [tilespmem:s30], [sflag:$0x2], $0x4000, $0x38;
	[tilespmem:$0xF800] =	vst v63  }
0x2c6: {  	_ =	swait.ge [sflag:s10], $0x4000  }
0x2c7: {  	[sflag:s10] =	ssyncset.done $0x0  }
0x2c8: {  	s17 =	sadd.s32 $0x100, s17;
	s18 =	sadd.s32 $0x100, s18;
	[sflag:s10] =	ssyncadd.s32 $0xFFFFC000  }
0x2c9: {  	s1 =	rddreg [dreg:$0x8]  }
0x2ca: {  	s0 =	rddreg [dreg:$0x7];
	s1 =	sadd.s32 $0x1, s1  }
0x2cb: {  	p0 =	sne.s32 s1, s0  }
.Ltmp3:
0x2cc: {  	_ = 	snop;
	(pc) =	sbr.rel @p0 .LBB2_1-.Ltmp3, $1  }
0x2cd: {  	_ =	sdelay $0x3  }
0x2ce: {  	_ =	sfence.sel $0x180000  }
0x2cf: {  	[bflag:$0x0] =	sbarrier.arrive $0xFFFF  }
0x2d0: {  	_ =	strace $0x90000047  }
0x2d1: {  	s0 =	stileid.u32;
	[bflag:$0x2] =	sbarrier.arrive $0xFFFF  }
0x2d2: {  	p0 =	sne.s32 s0, $0x0;
	s0 =	rddreg [dreg:$0x1]  }
0x2d3: {  	s0 =	sadd.s32 @!p0 $0x100000, s0  }
0x2d4: {  	[sflag:s0] =	ssyncadd.tile.s32 @!p0 $0x1;
	_ =	shalt  }
.Lfunc_end2:
_tile_overlayer_lowered:
.L_overlay_start_2:
0x2d5: {  	(tag) =	ssettag $0x2  }
0x2d6: {  	s0 =	rddreg [dreg:$0x0];
	s2 =	stileid.u32  }
0x2d7: {  	s1 =	rddreg [dreg:$0x1];
	p0 =	sne.s32 s2, $0x0  }
0x2d8: {  	s3 =	rddreg [dreg:$0x2];
	[bflag:$0x3] =	sbarrier.arrive $0xFFFF;
	s2 =	simm.s32 @!p0 $0x1C02  }
0x2d9: {  	[timem:s3], [sflag:s2] =	dma.local @!p0 [hbm:s0], s1  }
0x2da: {  	s0 =	simm.s32 @!p0 $0x2  }
0x2db: {  	_ =	swait.ge @!p0 [sflag:s0], s1  }
0x2dc: {  	s1 =	ssub.s32 @!p0 $0x0, s1;
	[sflag:s0] =	ssyncset.done @!p0 $0x0  }
0x2dd: {  	[sflag:s0] =	ssyncadd.s32 @!p0 s1  }
0x2de: {  	[bflag:$0x3] =	sbarrier.arrive $0xFFFF  }
0x2df: {  	_ =	shalt  }

</sc_bundles>
